<compile_context>
chip_gen: v7x
topology: tpu7x:2x2x1
jax: 0.10.2.dev20260603
libtpu: 0.0.44.dev20260713+nightly
codegen_flags: <defaults>
</compile_context>

<pallas_src>
import jax
import jax.numpy as jnp
from jax import lax
from jax.experimental import pallas as pl
from jax.experimental.pallas import tpu as pltpu
from jax.experimental.pallas import tpu_sc as plsc

TABLE = 1_000_000
HID = 32
COL = 16
NC, NS = 2, 16
NW = NC * NS

_RB = 1000
_HALF = TABLE // 2


_LBLK = 16384
_SUB = _LBLK // 8
_GRID = -(-TABLE // _LBLK)
_NPACK = _GRID * _SUB


def _proj_body(embt_ref, w_ref, b_ref, out_ref):
    d = lax.dot_general(
        embt_ref[...], w_ref[...],
        (((0,), (0,)), ((), ())),
        preferred_element_type=jnp.float32,
    )
    parts = [d[a * _SUB:(a + 1) * _SUB, :] for a in range(8)]
    out_ref[...] = jnp.concatenate(parts, axis=1) + b_ref[...]


def _project(embt, w, b):
    return pl.pallas_call(
        _proj_body,
        grid=(_GRID,),
        in_specs=[
            pl.BlockSpec((HID, _LBLK), lambda i: (0, i)),
            pl.BlockSpec((HID, COL), lambda i: (0, 0)),
            pl.BlockSpec((1, 8 * COL), lambda i: (0, 0)),
        ],
        out_specs=pl.BlockSpec((_SUB, 8 * COL), lambda i: (i, 0)),
        out_shape=jax.ShapeDtypeStruct((_NPACK, 8 * COL), jnp.float32),
    )(embt, w, jnp.tile(b, 8).reshape(1, 8 * COL))


_B = 819200
_HIST = 50
_BATCH = 16384
_IPR = 128
_ROWS = _B // _IPR
_BPW = _BATCH // NW
_BB = 64
_NB = _BPW // _BB
_JPB = _BB * _HIST // _IPR
_P = _HIST * COL


_HA = 25
_PA = _HA * COL


def _gather_body(table_hbm, idx_hbm, out_hbm, idx_v, rows_v, ta, tb,
                 gsem, wsa, wsb):
    wid = lax.axis_index("s") * NC + lax.axis_index("c")
    iot50 = jax.lax.broadcasted_iota(jnp.int32, (16,), 0) * _HIST

    def tp(buf, h0):
        def body(h, _):
            ridx = [iot50 + (q * 16 * _HIST + h0 + h) for q in range(_BB // 16)]
            base = h * COL
            for cc in range(COL):
                cvec = jnp.full((16,), cc, dtype=jnp.int32)
                for q in range(_BB // 16):
                    buf[base + cc, pl.ds(q * 16, 16)] = plsc.load_gather(
                        rows_v, [ridx[q], cvec]
                    )
            return 0

        lax.fori_loop(0, _HA, body, 0)

    def burst(g, _):
        pltpu.sync_copy(idx_hbm.at[pl.ds(wid * _NB * _JPB + g * _JPB, _JPB)],
                        idx_v)
        copies = []
        for j in range(_JPB):
            copies.append(
                pltpu.async_copy(
                    table_hbm.at[idx_v.at[j]],
                    rows_v.at[pl.ds(j * _IPR, _IPR)],
                    gsem,
                )
            )
        for c in copies:
            c.wait()

        b0 = wid * _BPW + g * _BB
        tp(ta, 0)
        @pl.when(g > 0)
        def _():
            pltpu.make_async_copy(
                tb, out_hbm.at[pl.ds(_PA, _PA), pl.ds(b0, _BB)], wsb
            ).wait()

        da = pltpu.async_copy(
            ta, out_hbm.at[pl.ds(0, _PA), pl.ds(b0, _BB)], wsa
        )
        tp(tb, _HA)
        pltpu.async_copy(
            tb, out_hbm.at[pl.ds(_PA, _PA), pl.ds(b0, _BB)], wsb
        )
        da.wait()
        return 0

    lax.fori_loop(0, _NB, burst, 0)
    bl = wid * _BPW + (_NB - 1) * _BB
    pltpu.make_async_copy(
        tb, out_hbm.at[pl.ds(_PA, _PA), pl.ds(bl, _BB)], wsb
    ).wait()


def _gather(table, idx2d):
    mesh = plsc.VectorSubcoreMesh(
        core_axis_name="c", subcore_axis_name="s", num_cores=NC, num_subcores=NS
    )
    f = pl.kernel(
        _gather_body,
        out_type=jax.ShapeDtypeStruct((_P, _BATCH), jnp.float32),
        mesh=mesh,
        scratch_types=[
            pltpu.VMEM((_JPB, _IPR), jnp.int32),
            pltpu.VMEM((_BB * _HIST, COL), jnp.float32),
            pltpu.VMEM((_PA, _BB), jnp.float32),
            pltpu.VMEM((_PA, _BB), jnp.float32),
            pltpu.SemaphoreType.DMA,
            pltpu.SemaphoreType.DMA,
            pltpu.SemaphoreType.DMA,
        ],
        compiler_params=pltpu.CompilerParams(
            use_tc_tiling_on_sc=False, needs_layout_passes=False
        ),
    )
    return f(table, idx2d)


def kernel(msg, emb_table, W_color, b_color):
    proj_packed = _project(emb_table.T, W_color, b_color)
    table = proj_packed.reshape(_NPACK * 8, COL)

    t = msg
    u = t & (_LBLK - 1)
    q = (t & ~(_LBLK - 1)) | ((u & (_SUB - 1)) << 3) | (u >> 11)

    out2 = _gather(table, q.reshape(_ROWS, _IPR))
    return jnp.transpose(out2.reshape(_HIST, COL, _BATCH), (2, 0, 1))

# --- scband reference (transcript-rebuilt; emitter-appended) ---
"""Pipeline reference for scband-basic-agent-395136991651 (READ-ONLY COPY).

The authoritative reference and input builder live on the scoring server;
editing this copy changes nothing except your own understanding.
"""

import jax, jax.numpy as jnp
import numpy as np

MSG_DIM = 1000000
HIDDEN_DIM = 32
COLOR_DIM = 16
BATCH = 16384
HIST = 50


def setup_inputs(seed: int = 0) -> dict:
    key = jax.random.key(seed)
    k1, k2, k3, k4 = jax.random.split(key, 4)
    msg = jax.random.randint(k1, (BATCH, HIST), 0, MSG_DIM, dtype=jnp.int32)
    emb_table = jax.random.normal(k2, (MSG_DIM, HIDDEN_DIM), dtype=jnp.float32)
    W_color = jax.random.normal(k3, (HIDDEN_DIM, COLOR_DIM), dtype=jnp.float32) * (1.0 / np.sqrt(HIDDEN_DIM))
    b_color = jax.random.normal(k4, (COLOR_DIM,), dtype=jnp.float32) * 0.01
    return {"msg": msg, "emb_table": emb_table, "W_color": W_color, "b_color": b_color}


def reference(msg, emb_table, W_color, b_color):
    # h = self.msg_receiver(msg)  -> embedding gather
    h = jnp.take(emb_table, msg, axis=0)
    # color_logits = self.color_estimator(h)  -> linear layer
    color_logits = h @ W_color + b_color
    return color_logits

if __name__ == "__main__":
    import jax
    _d = setup_inputs()
    print(jax.jit(kernel)(*tuple(_d.values())))

</pallas_src>

<mosaic_0001>
#map = affine_map<(d0, d1) -> (0, 0)>
module attributes {stable_mosaic.version = 14 : i64} {
  func.func @_gather_body(%arg0: i32, %arg1: i32, %arg2: memref<1015808x16xf32, #tpu.memory_space<hbm>>, %arg3: memref<6400x128xi32, #tpu.memory_space<hbm>>, %arg4: memref<800x16384xf32, #tpu.memory_space<hbm>>, %arg5: memref<25x128xi32, #tpu.memory_space<vmem>>, %arg6: memref<3200x16xf32, #tpu.memory_space<vmem>>, %arg7: memref<400x64xf32, #tpu.memory_space<vmem>>, %arg8: memref<400x64xf32, #tpu.memory_space<vmem>>, %arg9: memref<!tpu.dma_semaphore, #tpu.memory_space<semaphore_mem>>, %arg10: memref<!tpu.dma_semaphore, #tpu.memory_space<semaphore_mem>>, %arg11: memref<!tpu.dma_semaphore, #tpu.memory_space<semaphore_mem>>) attributes {dimension_semantics = [#tpu.dimension_semantics<core_parallel>, #tpu.dimension_semantics<subcore_parallel>], iteration_bounds = array<i64: 2, 16>, scalar_prefetch = 0 : i64, scratch_operands = 7 : i64, tpu.core_type = #tpu.core_type<sc_vector_subcore>, window_params = [{transform_indices = #map}, {transform_indices = #map}, {transform_indices = #map}]} {
    %mul3A = arith.constant 2 : i32
    %mul3A_0 = arith.muli %arg1, %mul3A : i32
    %add3A = arith.addi %mul3A_0, %arg0 : i32
    %iota3A = tpu.iota {dimensions = array<i32: 0>} : vector<16xi32>
    %mul3A_1 = arith.constant 50 : i32
    %mul3A_2 = vector.broadcast %mul3A_1 : i32 to vector<16xi32>
    %mul3A_3 = arith.muli %iota3A, %mul3A_2 : vector<16xi32>
    %scan3A = arith.constant 0 : i32
    %scan3A_4 = arith.constant 0 : i32
    %scan3A_5 = arith.constant 8 : i32
    %scan3A_6 = arith.addi %scan3A_4, %scan3A_5 : i32
    %scan3A_7 = arith.constant 1 : i32
    %scan3A_8 = scf.for %scan3A_17 = %scan3A_4 to %scan3A_6 step %scan3A_7 iter_args(%scan3A_18 = %scan3A) -> (i32)  : i32 {
      %mul3A_19 = arith.constant 8 : i32
      %mul3A_20 = arith.muli %add3A, %mul3A_19 : i32
      %mul3A_21 = arith.constant 25 : i32
      %mul3A_22 = arith.muli %mul3A_20, %mul3A_21 : i32
      %mul3A_23 = arith.constant 25 : i32
      %mul3A_24 = arith.muli %scan3A_17, %mul3A_23 : i32
      %add3A_25 = arith.addi %mul3A_22, %mul3A_24 : i32
      "tpu.region"() ({
        %run_scoped3A = tpu.sem_alloc : memref<!tpu.dma_semaphore, #tpu.memory_space<semaphore_mem>>
        %dma_start3A_559 = arith.constant 0 : i32
        %dma_start3A_560 = tpu.memref_slice %arg3[%add3A_25, %dma_start3A_559] : memref<6400x128xi32, #tpu.memory_space<hbm>> -> memref<25x128xi32, #tpu.memory_space<hbm>>
        %dma_start3A_561 = arith.constant 0 : i32
        %dma_start3A_562 = tpu.memref_slice %arg3[%add3A_25, %dma_start3A_561] : memref<6400x128xi32, #tpu.memory_space<hbm>> -> memref<25x128xi32, #tpu.memory_space<hbm>>
        tpu.enqueue_dma source(%dma_start3A_562 : memref<25x128xi32, #tpu.memory_space<hbm>>) target(%arg5 : memref<25x128xi32, #tpu.memory_space<vmem>>) target_semaphore(%run_scoped3A : memref<!tpu.dma_semaphore, #tpu.memory_space<semaphore_mem>>)
        %dma_wait3A_563 = arith.constant 0 : i32
        %dma_wait3A_564 = tpu.memref_slice %arg3[%add3A_25, %dma_wait3A_563] : memref<6400x128xi32, #tpu.memory_space<hbm>> -> memref<25x128xi32, #tpu.memory_space<hbm>>
        %dma_wait3A_565 = arith.constant 0 : i32
        %dma_wait3A_566 = tpu.memref_slice %arg3[%add3A_25, %dma_wait3A_565] : memref<6400x128xi32, #tpu.memory_space<hbm>> -> memref<25x128xi32, #tpu.memory_space<hbm>>
        tpu.wait_dma2 semaphore(%run_scoped3A : memref<!tpu.dma_semaphore, #tpu.memory_space<semaphore_mem>>) src(%dma_wait3A_566 : memref<25x128xi32, #tpu.memory_space<hbm>>) dst(%arg5 : memref<25x128xi32, #tpu.memory_space<vmem>>)
        tpu.yield
      }) : () -> ()
      %dma_start3A = arith.constant 0 : i32
      %dma_start3A_26 = arith.constant 0 : i32
      %dma_start3A_27 = arith.constant 0 : i32
      %dma_start3A_28 = tpu.memref_slice %arg6[%dma_start3A_26, %dma_start3A_27] : memref<3200x16xf32, #tpu.memory_space<vmem>> -> memref<128x16xf32, #tpu.memory_space<vmem>>
      %dma_start3A_29 = arith.constant 0 : i32
      %dma_start3A_30 = tpu.memref_slice %arg5[%dma_start3A, %dma_start3A_29] : memref<25x128xi32, #tpu.memory_space<vmem>> -> memref<1x128xi32, #tpu.memory_space<vmem>>
      %dma_start3A_31 = tpu.memref_squeeze %dma_start3A_30 : memref<1x128xi32, #tpu.memory_space<vmem>> -> memref<128xi32, #tpu.memory_space<vmem>>
      %dma_start3A_32 = arith.constant 0 : i32
      %dma_start3A_33 = arith.constant 0 : i32
      %dma_start3A_34 = tpu.memref_slice %arg2[%dma_start3A_32, %dma_start3A_33] : memref<1015808x16xf32, #tpu.memory_space<hbm>> -> memref<1015808x16xf32, #tpu.memory_space<hbm>>
      tpu.enqueue_indirect_dma source(%dma_start3A_34 : memref<1015808x16xf32, #tpu.memory_space<hbm>>) target(%dma_start3A_28 : memref<128x16xf32, #tpu.memory_space<vmem>>) offsets(%dma_start3A_31 : memref<128xi32, #tpu.memory_space<vmem>>) semaphore(%arg9 : memref<!tpu.dma_semaphore, #tpu.memory_space<semaphore_mem>>)
      %dma_start3A_35 = arith.constant 1 : i32
      %dma_start3A_36 = arith.constant 128 : i32
      %dma_start3A_37 = arith.constant 0 : i32
      %dma_start3A_38 = tpu.memref_slice %arg6[%dma_start3A_36, %dma_start3A_37] : memref<3200x16xf32, #tpu.memory_space<vmem>> -> memref<128x16xf32, #tpu.memory_space<vmem>>
      %dma_start3A_39 = arith.constant 0 : i32
      %dma_start3A_40 = tpu.memref_slice %arg5[%dma_start3A_35, %dma_start3A_39] : memref<25x128xi32, #tpu.memory_space<vmem>> -> memref<1x128xi32, #tpu.memory_space<vmem>>
      %dma_start3A_41 = tpu.memref_squeeze %dma_start3A_40 : memref<1x128xi32, #tpu.memory_space<vmem>> -> memref<128xi32, #tpu.memory_space<vmem>>
      %dma_start3A_42 = arith.constant 0 : i32
      %dma_start3A_43 = arith.constant 0 : i32
      %dma_start3A_44 = tpu.memref_slice %arg2[%dma_start3A_42, %dma_start3A_43] : memref<1015808x16xf32, #tpu.memory_space<hbm>> -> memref<1015808x16xf32, #tpu.memory_space<hbm>>
      tpu.enqueue_indirect_dma source(%dma_start3A_44 : memref<1015808x16xf32, #tpu.memory_space<hbm>>) target(%dma_start3A_38 : memref<128x16xf32, #tpu.memory_space<vmem>>) offsets(%dma_start3A_41 : memref<128xi32, #tpu.memory_space<vmem>>) semaphore(%arg9 : memref<!tpu.dma_semaphore, #tpu.memory_space<semaphore_mem>>)
      %dma_start3A_45 = arith.constant 2 : i32
      %dma_start3A_46 = arith.constant 256 : i32
      %dma_start3A_47 = arith.constant 0 : i32
      %dma_start3A_48 = tpu.memref_slice %arg6[%dma_start3A_46, %dma_start3A_47] : memref<3200x16xf32, #tpu.memory_space<vmem>> -> memref<128x16xf32, #tpu.memory_space<vmem>>
      %dma_start3A_49 = arith.constant 0 : i32
      %dma_start3A_50 = tpu.memref_slice %arg5[%dma_start3A_45, %dma_start3A_49] : memref<25x128xi32, #tpu.memory_space<vmem>> -> memref<1x128xi32, #tpu.memory_space<vmem>>
      %dma_start3A_51 = tpu.memref_squeeze %dma_start3A_50 : memref<1x128xi32, #tpu.memory_space<vmem>> -> memref<128xi32, #tpu.memory_space<vmem>>
      %dma_start3A_52 = arith.constant 0 : i32
      %dma_start3A_53 = arith.constant 0 : i32
      %dma_start3A_54 = tpu.memref_slice %arg2[%dma_start3A_52, %dma_start3A_53] : memref<1015808x16xf32, #tpu.memory_space<hbm>> -> memref<1015808x16xf32, #tpu.memory_space<hbm>>
      tpu.enqueue_indirect_dma source(%dma_start3A_54 : memref<1015808x16xf32, #tpu.memory_space<hbm>>) target(%dma_start3A_48 : memref<128x16xf32, #tpu.memory_space<vmem>>) offsets(%dma_start3A_51 : memref<128xi32, #tpu.memory_space<vmem>>) semaphore(%arg9 : memref<!tpu.dma_semaphore, #tpu.memory_space<semaphore_mem>>)
      %dma_start3A_55 = arith.constant 3 : i32
      %dma_start3A_56 = arith.constant 384 : i32
      %dma_start3A_57 = arith.constant 0 : i32
      %dma_start3A_58 = tpu.memref_slice %arg6[%dma_start3A_56, %dma_start3A_57] : memref<3200x16xf32, #tpu.memory_space<vmem>> -> memref<128x16xf32, #tpu.memory_space<vmem>>
      %dma_start3A_59 = arith.constant 0 : i32
      %dma_start3A_60 = tpu.memref_slice %arg5[%dma_start3A_55, %dma_start3A_59] : memref<25x128xi32, #tpu.memory_space<vmem>> -> memref<1x128xi32, #tpu.memory_space<vmem>>
      %dma_start3A_61 = tpu.memref_squeeze %dma_start3A_60 : memref<1x128xi32, #tpu.memory_space<vmem>> -> memref<128xi32, #tpu.memory_space<vmem>>
      %dma_start3A_62 = arith.constant 0 : i32
      %dma_start3A_63 = arith.constant 0 : i32
      %dma_start3A_64 = tpu.memref_slice %arg2[%dma_start3A_62, %dma_start3A_63] : memref<1015808x16xf32, #tpu.memory_space<hbm>> -> memref<1015808x16xf32, #tpu.memory_space<hbm>>
      tpu.enqueue_indirect_dma source(%dma_start3A_64 : memref<1015808x16xf32, #tpu.memory_space<hbm>>) target(%dma_start3A_58 : memref<128x16xf32, #tpu.memory_space<vmem>>) offsets(%dma_start3A_61 : memref<128xi32, #tpu.memory_space<vmem>>) semaphore(%arg9 : memref<!tpu.dma_semaphore, #tpu.memory_space<semaphore_mem>>)
      %dma_start3A_65 = arith.constant 4 : i32
      %dma_start3A_66 = arith.constant 512 : i32
      %dma_start3A_67 = arith.constant 0 : i32
      %dma_start3A_68 = tpu.memref_slice %arg6[%dma_start3A_66, %dma_start3A_67] : memref<3200x16xf32, #tpu.memory_space<vmem>> -> memref<128x16xf32, #tpu.memory_space<vmem>>
      %dma_start3A_69 = arith.constant 0 : i32
      %dma_start3A_70 = tpu.memref_slice %arg5[%dma_start3A_65, %dma_start3A_69] : memref<25x128xi32, #tpu.memory_space<vmem>> -> memref<1x128xi32, #tpu.memory_space<vmem>>
      %dma_start3A_71 = tpu.memref_squeeze %dma_start3A_70 : memref<1x128xi32, #tpu.memory_space<vmem>> -> memref<128xi32, #tpu.memory_space<vmem>>
      %dma_start3A_72 = arith.constant 0 : i32
      %dma_start3A_73 = arith.constant 0 : i32
      %dma_start3A_74 = tpu.memref_slice %arg2[%dma_start3A_72, %dma_start3A_73] : memref<1015808x16xf32, #tpu.memory_space<hbm>> -> memref<1015808x16xf32, #tpu.memory_space<hbm>>
      tpu.enqueue_indirect_dma source(%dma_start3A_74 : memref<1015808x16xf32, #tpu.memory_space<hbm>>) target(%dma_start3A_68 : memref<128x16xf32, #tpu.memory_space<vmem>>) offsets(%dma_start3A_71 : memref<128xi32, #tpu.memory_space<vmem>>) semaphore(%arg9 : memref<!tpu.dma_semaphore, #tpu.memory_space<semaphore_mem>>)
      %dma_start3A_75 = arith.constant 5 : i32
      %dma_start3A_76 = arith.constant 640 : i32
      %dma_start3A_77 = arith.constant 0 : i32
      %dma_start3A_78 = tpu.memref_slice %arg6[%dma_start3A_76, %dma_start3A_77] : memref<3200x16xf32, #tpu.memory_space<vmem>> -> memref<128x16xf32, #tpu.memory_space<vmem>>
      %dma_start3A_79 = arith.constant 0 : i32
      %dma_start3A_80 = tpu.memref_slice %arg5[%dma_start3A_75, %dma_start3A_79] : memref<25x128xi32, #tpu.memory_space<vmem>> -> memref<1x128xi32, #tpu.memory_space<vmem>>
      %dma_start3A_81 = tpu.memref_squeeze %dma_start3A_80 : memref<1x128xi32, #tpu.memory_space<vmem>> -> memref<128xi32, #tpu.memory_space<vmem>>
      %dma_start3A_82 = arith.constant 0 : i32
      %dma_start3A_83 = arith.constant 0 : i32
      %dma_start3A_84 = tpu.memref_slice %arg2[%dma_start3A_82, %dma_start3A_83] : memref<1015808x16xf32, #tpu.memory_space<hbm>> -> memref<1015808x16xf32, #tpu.memory_space<hbm>>
      tpu.enqueue_indirect_dma source(%dma_start3A_84 : memref<1015808x16xf32, #tpu.memory_space<hbm>>) target(%dma_start3A_78 : memref<128x16xf32, #tpu.memory_space<vmem>>) offsets(%dma_start3A_81 : memref<128xi32, #tpu.memory_space<vmem>>) semaphore(%arg9 : memref<!tpu.dma_semaphore, #tpu.memory_space<semaphore_mem>>)
      %dma_start3A_85 = arith.constant 6 : i32
      %dma_start3A_86 = arith.constant 768 : i32
      %dma_start3A_87 = arith.constant 0 : i32
      %dma_start3A_88 = tpu.memref_slice %arg6[%dma_start3A_86, %dma_start3A_87] : memref<3200x16xf32, #tpu.memory_space<vmem>> -> memref<128x16xf32, #tpu.memory_space<vmem>>
      %dma_start3A_89 = arith.constant 0 : i32
      %dma_start3A_90 = tpu.memref_slice %arg5[%dma_start3A_85, %dma_start3A_89] : memref<25x128xi32, #tpu.memory_space<vmem>> -> memref<1x128xi32, #tpu.memory_space<vmem>>
      %dma_start3A_91 = tpu.memref_squeeze %dma_start3A_90 : memref<1x128xi32, #tpu.memory_space<vmem>> -> memref<128xi32, #tpu.memory_space<vmem>>
      %dma_start3A_92 = arith.constant 0 : i32
      %dma_start3A_93 = arith.constant 0 : i32
      %dma_start3A_94 = tpu.memref_slice %arg2[%dma_start3A_92, %dma_start3A_93] : memref<1015808x16xf32, #tpu.memory_space<hbm>> -> memref<1015808x16xf32, #tpu.memory_space<hbm>>
      tpu.enqueue_indirect_dma source(%dma_start3A_94 : memref<1015808x16xf32, #tpu.memory_space<hbm>>) target(%dma_start3A_88 : memref<128x16xf32, #tpu.memory_space<vmem>>) offsets(%dma_start3A_91 : memref<128xi32, #tpu.memory_space<vmem>>) semaphore(%arg9 : memref<!tpu.dma_semaphore, #tpu.memory_space<semaphore_mem>>)
      %dma_start3A_95 = arith.constant 7 : i32
      %dma_start3A_96 = arith.constant 896 : i32
      %dma_start3A_97 = arith.constant 0 : i32
      %dma_start3A_98 = tpu.memref_slice %arg6[%dma_start3A_96, %dma_start3A_97] : memref<3200x16xf32, #tpu.memory_space<vmem>> -> memref<128x16xf32, #tpu.memory_space<vmem>>
      %dma_start3A_99 = arith.constant 0 : i32
      %dma_start3A_100 = tpu.memref_slice %arg5[%dma_start3A_95, %dma_start3A_99] : memref<25x128xi32, #tpu.memory_space<vmem>> -> memref<1x128xi32, #tpu.memory_space<vmem>>
      %dma_start3A_101 = tpu.memref_squeeze %dma_start3A_100 : memref<1x128xi32, #tpu.memory_space<vmem>> -> memref<128xi32, #tpu.memory_space<vmem>>
      %dma_start3A_102 = arith.constant 0 : i32
      %dma_start3A_103 = arith.constant 0 : i32
      %dma_start3A_104 = tpu.memref_slice %arg2[%dma_start3A_102, %dma_start3A_103] : memref<1015808x16xf32, #tpu.memory_space<hbm>> -> memref<1015808x16xf32, #tpu.memory_space<hbm>>
      tpu.enqueue_indirect_dma source(%dma_start3A_104 : memref<1015808x16xf32, #tpu.memory_space<hbm>>) target(%dma_start3A_98 : memref<128x16xf32, #tpu.memory_space<vmem>>) offsets(%dma_start3A_101 : memref<128xi32, #tpu.memory_space<vmem>>) semaphore(%arg9 : memref<!tpu.dma_semaphore, #tpu.memory_space<semaphore_mem>>)
      %dma_start3A_105 = arith.constant 8 : i32
      %dma_start3A_106 = arith.constant 1024 : i32
      %dma_start3A_107 = arith.constant 0 : i32
      %dma_start3A_108 = tpu.memref_slice %arg6[%dma_start3A_106, %dma_start3A_107] : memref<3200x16xf32, #tpu.memory_space<vmem>> -> memref<128x16xf32, #tpu.memory_space<vmem>>
      %dma_start3A_109 = arith.constant 0 : i32
      %dma_start3A_110 = tpu.memref_slice %arg5[%dma_start3A_105, %dma_start3A_109] : memref<25x128xi32, #tpu.memory_space<vmem>> -> memref<1x128xi32, #tpu.memory_space<vmem>>
      %dma_start3A_111 = tpu.memref_squeeze %dma_start3A_110 : memref<1x128xi32, #tpu.memory_space<vmem>> -> memref<128xi32, #tpu.memory_space<vmem>>
      %dma_start3A_112 = arith.constant 0 : i32
      %dma_start3A_113 = arith.constant 0 : i32
      %dma_start3A_114 = tpu.memref_slice %arg2[%dma_start3A_112, %dma_start3A_113] : memref<1015808x16xf32, #tpu.memory_space<hbm>> -> memref<1015808x16xf32, #tpu.memory_space<hbm>>
      tpu.enqueue_indirect_dma source(%dma_start3A_114 : memref<1015808x16xf32, #tpu.memory_space<hbm>>) target(%dma_start3A_108 : memref<128x16xf32, #tpu.memory_space<vmem>>) offsets(%dma_start3A_111 : memref<128xi32, #tpu.memory_space<vmem>>) semaphore(%arg9 : memref<!tpu.dma_semaphore, #tpu.memory_space<semaphore_mem>>)
      %dma_start3A_115 = arith.constant 9 : i32
      %dma_start3A_116 = arith.constant 1152 : i32
      %dma_start3A_117 = arith.constant 0 : i32
      %dma_start3A_118 = tpu.memref_slice %arg6[%dma_start3A_116, %dma_start3A_117] : memref<3200x16xf32, #tpu.memory_space<vmem>> -> memref<128x16xf32, #tpu.memory_space<vmem>>
      %dma_start3A_119 = arith.constant 0 : i32
      %dma_start3A_120 = tpu.memref_slice %arg5[%dma_start3A_115, %dma_start3A_119] : memref<25x128xi32, #tpu.memory_space<vmem>> -> memref<1x128xi32, #tpu.memory_space<vmem>>
      %dma_start3A_121 = tpu.memref_squeeze %dma_start3A_120 : memref<1x128xi32, #tpu.memory_space<vmem>> -> memref<128xi32, #tpu.memory_space<vmem>>
      %dma_start3A_122 = arith.constant 0 : i32
      %dma_start3A_123 = arith.constant 0 : i32
      %dma_start3A_124 = tpu.memref_slice %arg2[%dma_start3A_122, %dma_start3A_123] : memref<1015808x16xf32, #tpu.memory_space<hbm>> -> memref<1015808x16xf32, #tpu.memory_space<hbm>>
      tpu.enqueue_indirect_dma source(%dma_start3A_124 : memref<1015808x16xf32, #tpu.memory_space<hbm>>) target(%dma_start3A_118 : memref<128x16xf32, #tpu.memory_space<vmem>>) offsets(%dma_start3A_121 : memref<128xi32, #tpu.memory_space<vmem>>) semaphore(%arg9 : memref<!tpu.dma_semaphore, #tpu.memory_space<semaphore_mem>>)
      %dma_start3A_125 = arith.constant 10 : i32
      %dma_start3A_126 = arith.constant 1280 : i32
      %dma_start3A_127 = arith.constant 0 : i32
      %dma_start3A_128 = tpu.memref_slice %arg6[%dma_start3A_126, %dma_start3A_127] : memref<3200x16xf32, #tpu.memory_space<vmem>> -> memref<128x16xf32, #tpu.memory_space<vmem>>
      %dma_start3A_129 = arith.constant 0 : i32
      %dma_start3A_130 = tpu.memref_slice %arg5[%dma_start3A_125, %dma_start3A_129] : memref<25x128xi32, #tpu.memory_space<vmem>> -> memref<1x128xi32, #tpu.memory_space<vmem>>
      %dma_start3A_131 = tpu.memref_squeeze %dma_start3A_130 : memref<1x128xi32, #tpu.memory_space<vmem>> -> memref<128xi32, #tpu.memory_space<vmem>>
      %dma_start3A_132 = arith.constant 0 : i32
      %dma_start3A_133 = arith.constant 0 : i32
      %dma_start3A_134 = tpu.memref_slice %arg2[%dma_start3A_132, %dma_start3A_133] : memref<1015808x16xf32, #tpu.memory_space<hbm>> -> memref<1015808x16xf32, #tpu.memory_space<hbm>>
      tpu.enqueue_indirect_dma source(%dma_start3A_134 : memref<1015808x16xf32, #tpu.memory_space<hbm>>) target(%dma_start3A_128 : memref<128x16xf32, #tpu.memory_space<vmem>>) offsets(%dma_start3A_131 : memref<128xi32, #tpu.memory_space<vmem>>) semaphore(%arg9 : memref<!tpu.dma_semaphore, #tpu.memory_space<semaphore_mem>>)
      %dma_start3A_135 = arith.constant 11 : i32
      %dma_start3A_136 = arith.constant 1408 : i32
      %dma_start3A_137 = arith.constant 0 : i32
      %dma_start3A_138 = tpu.memref_slice %arg6[%dma_start3A_136, %dma_start3A_137] : memref<3200x16xf32, #tpu.memory_space<vmem>> -> memref<128x16xf32, #tpu.memory_space<vmem>>
      %dma_start3A_139 = arith.constant 0 : i32
      %dma_start3A_140 = tpu.memref_slice %arg5[%dma_start3A_135, %dma_start3A_139] : memref<25x128xi32, #tpu.memory_space<vmem>> -> memref<1x128xi32, #tpu.memory_space<vmem>>
      %dma_start3A_141 = tpu.memref_squeeze %dma_start3A_140 : memref<1x128xi32, #tpu.memory_space<vmem>> -> memref<128xi32, #tpu.memory_space<vmem>>
      %dma_start3A_142 = arith.constant 0 : i32
      %dma_start3A_143 = arith.constant 0 : i32
      %dma_start3A_144 = tpu.memref_slice %arg2[%dma_start3A_142, %dma_start3A_143] : memref<1015808x16xf32, #tpu.memory_space<hbm>> -> memref<1015808x16xf32, #tpu.memory_space<hbm>>
      tpu.enqueue_indirect_dma source(%dma_start3A_144 : memref<1015808x16xf32, #tpu.memory_space<hbm>>) target(%dma_start3A_138 : memref<128x16xf32, #tpu.memory_space<vmem>>) offsets(%dma_start3A_141 : memref<128xi32, #tpu.memory_space<vmem>>) semaphore(%arg9 : memref<!tpu.dma_semaphore, #tpu.memory_space<semaphore_mem>>)
      %dma_start3A_145 = arith.constant 12 : i32
      %dma_start3A_146 = arith.constant 1536 : i32
      %dma_start3A_147 = arith.constant 0 : i32
      %dma_start3A_148 = tpu.memref_slice %arg6[%dma_start3A_146, %dma_start3A_147] : memref<3200x16xf32, #tpu.memory_space<vmem>> -> memref<128x16xf32, #tpu.memory_space<vmem>>
      %dma_start3A_149 = arith.constant 0 : i32
      %dma_start3A_150 = tpu.memref_slice %arg5[%dma_start3A_145, %dma_start3A_149] : memref<25x128xi32, #tpu.memory_space<vmem>> -> memref<1x128xi32, #tpu.memory_space<vmem>>
      %dma_start3A_151 = tpu.memref_squeeze %dma_start3A_150 : memref<1x128xi32, #tpu.memory_space<vmem>> -> memref<128xi32, #tpu.memory_space<vmem>>
      %dma_start3A_152 = arith.constant 0 : i32
      %dma_start3A_153 = arith.constant 0 : i32
      %dma_start3A_154 = tpu.memref_slice %arg2[%dma_start3A_152, %dma_start3A_153] : memref<1015808x16xf32, #tpu.memory_space<hbm>> -> memref<1015808x16xf32, #tpu.memory_space<hbm>>
      tpu.enqueue_indirect_dma source(%dma_start3A_154 : memref<1015808x16xf32, #tpu.memory_space<hbm>>) target(%dma_start3A_148 : memref<128x16xf32, #tpu.memory_space<vmem>>) offsets(%dma_start3A_151 : memref<128xi32, #tpu.memory_space<vmem>>) semaphore(%arg9 : memref<!tpu.dma_semaphore, #tpu.memory_space<semaphore_mem>>)
      %dma_start3A_155 = arith.constant 13 : i32
      %dma_start3A_156 = arith.constant 1664 : i32
      %dma_start3A_157 = arith.constant 0 : i32
      %dma_start3A_158 = tpu.memref_slice %arg6[%dma_start3A_156, %dma_start3A_157] : memref<3200x16xf32, #tpu.memory_space<vmem>> -> memref<128x16xf32, #tpu.memory_space<vmem>>
      %dma_start3A_159 = arith.constant 0 : i32
      %dma_start3A_160 = tpu.memref_slice %arg5[%dma_start3A_155, %dma_start3A_159] : memref<25x128xi32, #tpu.memory_space<vmem>> -> memref<1x128xi32, #tpu.memory_space<vmem>>
      %dma_start3A_161 = tpu.memref_squeeze %dma_start3A_160 : memref<1x128xi32, #tpu.memory_space<vmem>> -> memref<128xi32, #tpu.memory_space<vmem>>
      %dma_start3A_162 = arith.constant 0 : i32
      %dma_start3A_163 = arith.constant 0 : i32
      %dma_start3A_164 = tpu.memref_slice %arg2[%dma_start3A_162, %dma_start3A_163] : memref<1015808x16xf32, #tpu.memory_space<hbm>> -> memref<1015808x16xf32, #tpu.memory_space<hbm>>
      tpu.enqueue_indirect_dma source(%dma_start3A_164 : memref<1015808x16xf32, #tpu.memory_space<hbm>>) target(%dma_start3A_158 : memref<128x16xf32, #tpu.memory_space<vmem>>) offsets(%dma_start3A_161 : memref<128xi32, #tpu.memory_space<vmem>>) semaphore(%arg9 : memref<!tpu.dma_semaphore, #tpu.memory_space<semaphore_mem>>)
      %dma_start3A_165 = arith.constant 14 : i32
      %dma_start3A_166 = arith.constant 1792 : i32
      %dma_start3A_167 = arith.constant 0 : i32
      %dma_start3A_168 = tpu.memref_slice %arg6[%dma_start3A_166, %dma_start3A_167] : memref<3200x16xf32, #tpu.memory_space<vmem>> -> memref<128x16xf32, #tpu.memory_space<vmem>>
      %dma_start3A_169 = arith.constant 0 : i32
      %dma_start3A_170 = tpu.memref_slice %arg5[%dma_start3A_165, %dma_start3A_169] : memref<25x128xi32, #tpu.memory_space<vmem>> -> memref<1x128xi32, #tpu.memory_space<vmem>>
      %dma_start3A_171 = tpu.memref_squeeze %dma_start3A_170 : memref<1x128xi32, #tpu.memory_space<vmem>> -> memref<128xi32, #tpu.memory_space<vmem>>
      %dma_start3A_172 = arith.constant 0 : i32
      %dma_start3A_173 = arith.constant 0 : i32
      %dma_start3A_174 = tpu.memref_slice %arg2[%dma_start3A_172, %dma_start3A_173] : memref<1015808x16xf32, #tpu.memory_space<hbm>> -> memref<1015808x16xf32, #tpu.memory_space<hbm>>
      tpu.enqueue_indirect_dma source(%dma_start3A_174 : memref<1015808x16xf32, #tpu.memory_space<hbm>>) target(%dma_start3A_168 : memref<128x16xf32, #tpu.memory_space<vmem>>) offsets(%dma_start3A_171 : memref<128xi32, #tpu.memory_space<vmem>>) semaphore(%arg9 : memref<!tpu.dma_semaphore, #tpu.memory_space<semaphore_mem>>)
      %dma_start3A_175 = arith.constant 15 : i32
      %dma_start3A_176 = arith.constant 1920 : i32
      %dma_start3A_177 = arith.constant 0 : i32
      %dma_start3A_178 = tpu.memref_slice %arg6[%dma_start3A_176, %dma_start3A_177] : memref<3200x16xf32, #tpu.memory_space<vmem>> -> memref<128x16xf32, #tpu.memory_space<vmem>>
      %dma_start3A_179 = arith.constant 0 : i32
      %dma_start3A_180 = tpu.memref_slice %arg5[%dma_start3A_175, %dma_start3A_179] : memref<25x128xi32, #tpu.memory_space<vmem>> -> memref<1x128xi32, #tpu.memory_space<vmem>>
      %dma_start3A_181 = tpu.memref_squeeze %dma_start3A_180 : memref<1x128xi32, #tpu.memory_space<vmem>> -> memref<128xi32, #tpu.memory_space<vmem>>
      %dma_start3A_182 = arith.constant 0 : i32
      %dma_start3A_183 = arith.constant 0 : i32
      %dma_start3A_184 = tpu.memref_slice %arg2[%dma_start3A_182, %dma_start3A_183] : memref<1015808x16xf32, #tpu.memory_space<hbm>> -> memref<1015808x16xf32, #tpu.memory_space<hbm>>
      tpu.enqueue_indirect_dma source(%dma_start3A_184 : memref<1015808x16xf32, #tpu.memory_space<hbm>>) target(%dma_start3A_178 : memref<128x16xf32, #tpu.memory_space<vmem>>) offsets(%dma_start3A_181 : memref<128xi32, #tpu.memory_space<vmem>>) semaphore(%arg9 : memref<!tpu.dma_semaphore, #tpu.memory_space<semaphore_mem>>)
      %dma_start3A_185 = arith.constant 16 : i32
      %dma_start3A_186 = arith.constant 2048 : i32
      %dma_start3A_187 = arith.constant 0 : i32
      %dma_start3A_188 = tpu.memref_slice %arg6[%dma_start3A_186, %dma_start3A_187] : memref<3200x16xf32, #tpu.memory_space<vmem>> -> memref<128x16xf32, #tpu.memory_space<vmem>>
      %dma_start3A_189 = arith.constant 0 : i32
      %dma_start3A_190 = tpu.memref_slice %arg5[%dma_start3A_185, %dma_start3A_189] : memref<25x128xi32, #tpu.memory_space<vmem>> -> memref<1x128xi32, #tpu.memory_space<vmem>>
      %dma_start3A_191 = tpu.memref_squeeze %dma_start3A_190 : memref<1x128xi32, #tpu.memory_space<vmem>> -> memref<128xi32, #tpu.memory_space<vmem>>
      %dma_start3A_192 = arith.constant 0 : i32
      %dma_start3A_193 = arith.constant 0 : i32
      %dma_start3A_194 = tpu.memref_slice %arg2[%dma_start3A_192, %dma_start3A_193] : memref<1015808x16xf32, #tpu.memory_space<hbm>> -> memref<1015808x16xf32, #tpu.memory_space<hbm>>
      tpu.enqueue_indirect_dma source(%dma_start3A_194 : memref<1015808x16xf32, #tpu.memory_space<hbm>>) target(%dma_start3A_188 : memref<128x16xf32, #tpu.memory_space<vmem>>) offsets(%dma_start3A_191 : memref<128xi32, #tpu.memory_space<vmem>>) semaphore(%arg9 : memref<!tpu.dma_semaphore, #tpu.memory_space<semaphore_mem>>)
      %dma_start3A_195 = arith.constant 17 : i32
      %dma_start3A_196 = arith.constant 2176 : i32
      %dma_start3A_197 = arith.constant 0 : i32
      %dma_start3A_198 = tpu.memref_slice %arg6[%dma_start3A_196, %dma_start3A_197] : memref<3200x16xf32, #tpu.memory_space<vmem>> -> memref<128x16xf32, #tpu.memory_space<vmem>>
      %dma_start3A_199 = arith.constant 0 : i32
      %dma_start3A_200 = tpu.memref_slice %arg5[%dma_start3A_195, %dma_start3A_199] : memref<25x128xi32, #tpu.memory_space<vmem>> -> memref<1x128xi32, #tpu.memory_space<vmem>>
      %dma_start3A_201 = tpu.memref_squeeze %dma_start3A_200 : memref<1x128xi32, #tpu.memory_space<vmem>> -> memref<128xi32, #tpu.memory_space<vmem>>
      %dma_start3A_202 = arith.constant 0 : i32
      %dma_start3A_203 = arith.constant 0 : i32
      %dma_start3A_204 = tpu.memref_slice %arg2[%dma_start3A_202, %dma_start3A_203] : memref<1015808x16xf32, #tpu.memory_space<hbm>> -> memref<1015808x16xf32, #tpu.memory_space<hbm>>
      tpu.enqueue_indirect_dma source(%dma_start3A_204 : memref<1015808x16xf32, #tpu.memory_space<hbm>>) target(%dma_start3A_198 : memref<128x16xf32, #tpu.memory_space<vmem>>) offsets(%dma_start3A_201 : memref<128xi32, #tpu.memory_space<vmem>>) semaphore(%arg9 : memref<!tpu.dma_semaphore, #tpu.memory_space<semaphore_mem>>)
      %dma_start3A_205 = arith.constant 18 : i32
      %dma_start3A_206 = arith.constant 2304 : i32
      %dma_start3A_207 = arith.constant 0 : i32
      %dma_start3A_208 = tpu.memref_slice %arg6[%dma_start3A_206, %dma_start3A_207] : memref<3200x16xf32, #tpu.memory_space<vmem>> -> memref<128x16xf32, #tpu.memory_space<vmem>>
      %dma_start3A_209 = arith.constant 0 : i32
      %dma_start3A_210 = tpu.memref_slice %arg5[%dma_start3A_205, %dma_start3A_209] : memref<25x128xi32, #tpu.memory_space<vmem>> -> memref<1x128xi32, #tpu.memory_space<vmem>>
      %dma_start3A_211 = tpu.memref_squeeze %dma_start3A_210 : memref<1x128xi32, #tpu.memory_space<vmem>> -> memref<128xi32, #tpu.memory_space<vmem>>
      %dma_start3A_212 = arith.constant 0 : i32
      %dma_start3A_213 = arith.constant 0 : i32
      %dma_start3A_214 = tpu.memref_slice %arg2[%dma_start3A_212, %dma_start3A_213] : memref<1015808x16xf32, #tpu.memory_space<hbm>> -> memref<1015808x16xf32, #tpu.memory_space<hbm>>
      tpu.enqueue_indirect_dma source(%dma_start3A_214 : memref<1015808x16xf32, #tpu.memory_space<hbm>>) target(%dma_start3A_208 : memref<128x16xf32, #tpu.memory_space<vmem>>) offsets(%dma_start3A_211 : memref<128xi32, #tpu.memory_space<vmem>>) semaphore(%arg9 : memref<!tpu.dma_semaphore, #tpu.memory_space<semaphore_mem>>)
      %dma_start3A_215 = arith.constant 19 : i32
      %dma_start3A_216 = arith.constant 2432 : i32
      %dma_start3A_217 = arith.constant 0 : i32
      %dma_start3A_218 = tpu.memref_slice %arg6[%dma_start3A_216, %dma_start3A_217] : memref<3200x16xf32, #tpu.memory_space<vmem>> -> memref<128x16xf32, #tpu.memory_space<vmem>>
      %dma_start3A_219 = arith.constant 0 : i32
      %dma_start3A_220 = tpu.memref_slice %arg5[%dma_start3A_215, %dma_start3A_219] : memref<25x128xi32, #tpu.memory_space<vmem>> -> memref<1x128xi32, #tpu.memory_space<vmem>>
      %dma_start3A_221 = tpu.memref_squeeze %dma_start3A_220 : memref<1x128xi32, #tpu.memory_space<vmem>> -> memref<128xi32, #tpu.memory_space<vmem>>
      %dma_start3A_222 = arith.constant 0 : i32
      %dma_start3A_223 = arith.constant 0 : i32
      %dma_start3A_224 = tpu.memref_slice %arg2[%dma_start3A_222, %dma_start3A_223] : memref<1015808x16xf32, #tpu.memory_space<hbm>> -> memref<1015808x16xf32, #tpu.memory_space<hbm>>
      tpu.enqueue_indirect_dma source(%dma_start3A_224 : memref<1015808x16xf32, #tpu.memory_space<hbm>>) target(%dma_start3A_218 : memref<128x16xf32, #tpu.memory_space<vmem>>) offsets(%dma_start3A_221 : memref<128xi32, #tpu.memory_space<vmem>>) semaphore(%arg9 : memref<!tpu.dma_semaphore, #tpu.memory_space<semaphore_mem>>)
      %dma_start3A_225 = arith.constant 20 : i32
      %dma_start3A_226 = arith.constant 2560 : i32
      %dma_start3A_227 = arith.constant 0 : i32
      %dma_start3A_228 = tpu.memref_slice %arg6[%dma_start3A_226, %dma_start3A_227] : memref<3200x16xf32, #tpu.memory_space<vmem>> -> memref<128x16xf32, #tpu.memory_space<vmem>>
      %dma_start3A_229 = arith.constant 0 : i32
      %dma_start3A_230 = tpu.memref_slice %arg5[%dma_start3A_225, %dma_start3A_229] : memref<25x128xi32, #tpu.memory_space<vmem>> -> memref<1x128xi32, #tpu.memory_space<vmem>>
      %dma_start3A_231 = tpu.memref_squeeze %dma_start3A_230 : memref<1x128xi32, #tpu.memory_space<vmem>> -> memref<128xi32, #tpu.memory_space<vmem>>
      %dma_start3A_232 = arith.constant 0 : i32
      %dma_start3A_233 = arith.constant 0 : i32
      %dma_start3A_234 = tpu.memref_slice %arg2[%dma_start3A_232, %dma_start3A_233] : memref<1015808x16xf32, #tpu.memory_space<hbm>> -> memref<1015808x16xf32, #tpu.memory_space<hbm>>
      tpu.enqueue_indirect_dma source(%dma_start3A_234 : memref<1015808x16xf32, #tpu.memory_space<hbm>>) target(%dma_start3A_228 : memref<128x16xf32, #tpu.memory_space<vmem>>) offsets(%dma_start3A_231 : memref<128xi32, #tpu.memory_space<vmem>>) semaphore(%arg9 : memref<!tpu.dma_semaphore, #tpu.memory_space<semaphore_mem>>)
      %dma_start3A_235 = arith.constant 21 : i32
      %dma_start3A_236 = arith.constant 2688 : i32
      %dma_start3A_237 = arith.constant 0 : i32
      %dma_start3A_238 = tpu.memref_slice %arg6[%dma_start3A_236, %dma_start3A_237] : memref<3200x16xf32, #tpu.memory_space<vmem>> -> memref<128x16xf32, #tpu.memory_space<vmem>>
      %dma_start3A_239 = arith.constant 0 : i32
      %dma_start3A_240 = tpu.memref_slice %arg5[%dma_start3A_235, %dma_start3A_239] : memref<25x128xi32, #tpu.memory_space<vmem>> -> memref<1x128xi32, #tpu.memory_space<vmem>>
      %dma_start3A_241 = tpu.memref_squeeze %dma_start3A_240 : memref<1x128xi32, #tpu.memory_space<vmem>> -> memref<128xi32, #tpu.memory_space<vmem>>
      %dma_start3A_242 = arith.constant 0 : i32
      %dma_start3A_243 = arith.constant 0 : i32
      %dma_start3A_244 = tpu.memref_slice %arg2[%dma_start3A_242, %dma_start3A_243] : memref<1015808x16xf32, #tpu.memory_space<hbm>> -> memref<1015808x16xf32, #tpu.memory_space<hbm>>
      tpu.enqueue_indirect_dma source(%dma_start3A_244 : memref<1015808x16xf32, #tpu.memory_space<hbm>>) target(%dma_start3A_238 : memref<128x16xf32, #tpu.memory_space<vmem>>) offsets(%dma_start3A_241 : memref<128xi32, #tpu.memory_space<vmem>>) semaphore(%arg9 : memref<!tpu.dma_semaphore, #tpu.memory_space<semaphore_mem>>)
      %dma_start3A_245 = arith.constant 22 : i32
      %dma_start3A_246 = arith.constant 2816 : i32
      %dma_start3A_247 = arith.constant 0 : i32
      %dma_start3A_248 = tpu.memref_slice %arg6[%dma_start3A_246, %dma_start3A_247] : memref<3200x16xf32, #tpu.memory_space<vmem>> -> memref<128x16xf32, #tpu.memory_space<vmem>>
      %dma_start3A_249 = arith.constant 0 : i32
      %dma_start3A_250 = tpu.memref_slice %arg5[%dma_start3A_245, %dma_start3A_249] : memref<25x128xi32, #tpu.memory_space<vmem>> -> memref<1x128xi32, #tpu.memory_space<vmem>>
      %dma_start3A_251 = tpu.memref_squeeze %dma_start3A_250 : memref<1x128xi32, #tpu.memory_space<vmem>> -> memref<128xi32, #tpu.memory_space<vmem>>
      %dma_start3A_252 = arith.constant 0 : i32
      %dma_start3A_253 = arith.constant 0 : i32
      %dma_start3A_254 = tpu.memref_slice %arg2[%dma_start3A_252, %dma_start3A_253] : memref<1015808x16xf32, #tpu.memory_space<hbm>> -> memref<1015808x16xf32, #tpu.memory_space<hbm>>
      tpu.enqueue_indirect_dma source(%dma_start3A_254 : memref<1015808x16xf32, #tpu.memory_space<hbm>>) target(%dma_start3A_248 : memref<128x16xf32, #tpu.memory_space<vmem>>) offsets(%dma_start3A_251 : memref<128xi32, #tpu.memory_space<vmem>>) semaphore(%arg9 : memref<!tpu.dma_semaphore, #tpu.memory_space<semaphore_mem>>)
      %dma_start3A_255 = arith.constant 23 : i32
      %dma_start3A_256 = arith.constant 2944 : i32
      %dma_start3A_257 = arith.constant 0 : i32
      %dma_start3A_258 = tpu.memref_slice %arg6[%dma_start3A_256, %dma_start3A_257] : memref<3200x16xf32, #tpu.memory_space<vmem>> -> memref<128x16xf32, #tpu.memory_space<vmem>>
      %dma_start3A_259 = arith.constant 0 : i32
      %dma_start3A_260 = tpu.memref_slice %arg5[%dma_start3A_255, %dma_start3A_259] : memref<25x128xi32, #tpu.memory_space<vmem>> -> memref<1x128xi32, #tpu.memory_space<vmem>>
      %dma_start3A_261 = tpu.memref_squeeze %dma_start3A_260 : memref<1x128xi32, #tpu.memory_space<vmem>> -> memref<128xi32, #tpu.memory_space<vmem>>
      %dma_start3A_262 = arith.constant 0 : i32
      %dma_start3A_263 = arith.constant 0 : i32
      %dma_start3A_264 = tpu.memref_slice %arg2[%dma_start3A_262, %dma_start3A_263] : memref<1015808x16xf32, #tpu.memory_space<hbm>> -> memref<1015808x16xf32, #tpu.memory_space<hbm>>
      tpu.enqueue_indirect_dma source(%dma_start3A_264 : memref<1015808x16xf32, #tpu.memory_space<hbm>>) target(%dma_start3A_258 : memref<128x16xf32, #tpu.memory_space<vmem>>) offsets(%dma_start3A_261 : memref<128xi32, #tpu.memory_space<vmem>>) semaphore(%arg9 : memref<!tpu.dma_semaphore, #tpu.memory_space<semaphore_mem>>)
      %dma_start3A_265 = arith.constant 24 : i32
      %dma_start3A_266 = arith.constant 3072 : i32
      %dma_start3A_267 = arith.constant 0 : i32
      %dma_start3A_268 = tpu.memref_slice %arg6[%dma_start3A_266, %dma_start3A_267] : memref<3200x16xf32, #tpu.memory_space<vmem>> -> memref<128x16xf32, #tpu.memory_space<vmem>>
      %dma_start3A_269 = arith.constant 0 : i32
      %dma_start3A_270 = tpu.memref_slice %arg5[%dma_start3A_265, %dma_start3A_269] : memref<25x128xi32, #tpu.memory_space<vmem>> -> memref<1x128xi32, #tpu.memory_space<vmem>>
      %dma_start3A_271 = tpu.memref_squeeze %dma_start3A_270 : memref<1x128xi32, #tpu.memory_space<vmem>> -> memref<128xi32, #tpu.memory_space<vmem>>
      %dma_start3A_272 = arith.constant 0 : i32
      %dma_start3A_273 = arith.constant 0 : i32
      %dma_start3A_274 = tpu.memref_slice %arg2[%dma_start3A_272, %dma_start3A_273] : memref<1015808x16xf32, #tpu.memory_space<hbm>> -> memref<1015808x16xf32, #tpu.memory_space<hbm>>
      tpu.enqueue_indirect_dma source(%dma_start3A_274 : memref<1015808x16xf32, #tpu.memory_space<hbm>>) target(%dma_start3A_268 : memref<128x16xf32, #tpu.memory_space<vmem>>) offsets(%dma_start3A_271 : memref<128xi32, #tpu.memory_space<vmem>>) semaphore(%arg9 : memref<!tpu.dma_semaphore, #tpu.memory_space<semaphore_mem>>)
      %dma_wait3A_275 = arith.constant 0 : i32
      %dma_wait3A_276 = arith.constant 0 : i32
      %dma_wait3A_277 = arith.constant 0 : i32
      %dma_wait3A_278 = tpu.memref_slice %arg6[%dma_wait3A_276, %dma_wait3A_277] : memref<3200x16xf32, #tpu.memory_space<vmem>> -> memref<128x16xf32, #tpu.memory_space<vmem>>
      %dma_wait3A_279 = arith.constant 0 : i32
      %dma_wait3A_280 = tpu.memref_slice %arg5[%dma_wait3A_275, %dma_wait3A_279] : memref<25x128xi32, #tpu.memory_space<vmem>> -> memref<1x128xi32, #tpu.memory_space<vmem>>
      %dma_wait3A_281 = tpu.memref_squeeze %dma_wait3A_280 : memref<1x128xi32, #tpu.memory_space<vmem>> -> memref<128xi32, #tpu.memory_space<vmem>>
      %dma_wait3A_282 = arith.constant 0 : i32
      %dma_wait3A_283 = arith.constant 0 : i32
      %dma_wait3A_284 = tpu.memref_slice %arg2[%dma_wait3A_282, %dma_wait3A_283] : memref<1015808x16xf32, #tpu.memory_space<hbm>> -> memref<1015808x16xf32, #tpu.memory_space<hbm>>
      tpu.wait_indirect_dma semaphore(%arg9 : memref<!tpu.dma_semaphore, #tpu.memory_space<semaphore_mem>>) src(%dma_wait3A_284 : memref<1015808x16xf32, #tpu.memory_space<hbm>>) dst(%dma_wait3A_278 : memref<128x16xf32, #tpu.memory_space<vmem>>)
      %dma_wait3A_285 = arith.constant 1 : i32
      %dma_wait3A_286 = arith.constant 128 : i32
      %dma_wait3A_287 = arith.constant 0 : i32
      %dma_wait3A_288 = tpu.memref_slice %arg6[%dma_wait3A_286, %dma_wait3A_287] : memref<3200x16xf32, #tpu.memory_space<vmem>> -> memref<128x16xf32, #tpu.memory_space<vmem>>
      %dma_wait3A_289 = arith.constant 0 : i32
      %dma_wait3A_290 = tpu.memref_slice %arg5[%dma_wait3A_285, %dma_wait3A_289] : memref<25x128xi32, #tpu.memory_space<vmem>> -> memref<1x128xi32, #tpu.memory_space<vmem>>
      %dma_wait3A_291 = tpu.memref_squeeze %dma_wait3A_290 : memref<1x128xi32, #tpu.memory_space<vmem>> -> memref<128xi32, #tpu.memory_space<vmem>>
      %dma_wait3A_292 = arith.constant 0 : i32
      %dma_wait3A_293 = arith.constant 0 : i32
      %dma_wait3A_294 = tpu.memref_slice %arg2[%dma_wait3A_292, %dma_wait3A_293] : memref<1015808x16xf32, #tpu.memory_space<hbm>> -> memref<1015808x16xf32, #tpu.memory_space<hbm>>
      tpu.wait_indirect_dma semaphore(%arg9 : memref<!tpu.dma_semaphore, #tpu.memory_space<semaphore_mem>>) src(%dma_wait3A_294 : memref<1015808x16xf32, #tpu.memory_space<hbm>>) dst(%dma_wait3A_288 : memref<128x16xf32, #tpu.memory_space<vmem>>)
      %dma_wait3A_295 = arith.constant 2 : i32
      %dma_wait3A_296 = arith.constant 256 : i32
      %dma_wait3A_297 = arith.constant 0 : i32
      %dma_wait3A_298 = tpu.memref_slice %arg6[%dma_wait3A_296, %dma_wait3A_297] : memref<3200x16xf32, #tpu.memory_space<vmem>> -> memref<128x16xf32, #tpu.memory_space<vmem>>
      %dma_wait3A_299 = arith.constant 0 : i32
      %dma_wait3A_300 = tpu.memref_slice %arg5[%dma_wait3A_295, %dma_wait3A_299] : memref<25x128xi32, #tpu.memory_space<vmem>> -> memref<1x128xi32, #tpu.memory_space<vmem>>
      %dma_wait3A_301 = tpu.memref_squeeze %dma_wait3A_300 : memref<1x128xi32, #tpu.memory_space<vmem>> -> memref<128xi32, #tpu.memory_space<vmem>>
      %dma_wait3A_302 = arith.constant 0 : i32
      %dma_wait3A_303 = arith.constant 0 : i32
      %dma_wait3A_304 = tpu.memref_slice %arg2[%dma_wait3A_302, %dma_wait3A_303] : memref<1015808x16xf32, #tpu.memory_space<hbm>> -> memref<1015808x16xf32, #tpu.memory_space<hbm>>
      tpu.wait_indirect_dma semaphore(%arg9 : memref<!tpu.dma_semaphore, #tpu.memory_space<semaphore_mem>>) src(%dma_wait3A_304 : memref<1015808x16xf32, #tpu.memory_space<hbm>>) dst(%dma_wait3A_298 : memref<128x16xf32, #tpu.memory_space<vmem>>)
      %dma_wait3A_305 = arith.constant 3 : i32
      %dma_wait3A_306 = arith.constant 384 : i32
      %dma_wait3A_307 = arith.constant 0 : i32
      %dma_wait3A_308 = tpu.memref_slice %arg6[%dma_wait3A_306, %dma_wait3A_307] : memref<3200x16xf32, #tpu.memory_space<vmem>> -> memref<128x16xf32, #tpu.memory_space<vmem>>
      %dma_wait3A_309 = arith.constant 0 : i32
      %dma_wait3A_310 = tpu.memref_slice %arg5[%dma_wait3A_305, %dma_wait3A_309] : memref<25x128xi32, #tpu.memory_space<vmem>> -> memref<1x128xi32, #tpu.memory_space<vmem>>
      %dma_wait3A_311 = tpu.memref_squeeze %dma_wait3A_310 : memref<1x128xi32, #tpu.memory_space<vmem>> -> memref<128xi32, #tpu.memory_space<vmem>>
      %dma_wait3A_312 = arith.constant 0 : i32
      %dma_wait3A_313 = arith.constant 0 : i32
      %dma_wait3A_314 = tpu.memref_slice %arg2[%dma_wait3A_312, %dma_wait3A_313] : memref<1015808x16xf32, #tpu.memory_space<hbm>> -> memref<1015808x16xf32, #tpu.memory_space<hbm>>
      tpu.wait_indirect_dma semaphore(%arg9 : memref<!tpu.dma_semaphore, #tpu.memory_space<semaphore_mem>>) src(%dma_wait3A_314 : memref<1015808x16xf32, #tpu.memory_space<hbm>>) dst(%dma_wait3A_308 : memref<128x16xf32, #tpu.memory_space<vmem>>)
      %dma_wait3A_315 = arith.constant 4 : i32
      %dma_wait3A_316 = arith.constant 512 : i32
      %dma_wait3A_317 = arith.constant 0 : i32
      %dma_wait3A_318 = tpu.memref_slice %arg6[%dma_wait3A_316, %dma_wait3A_317] : memref<3200x16xf32, #tpu.memory_space<vmem>> -> memref<128x16xf32, #tpu.memory_space<vmem>>
      %dma_wait3A_319 = arith.constant 0 : i32
      %dma_wait3A_320 = tpu.memref_slice %arg5[%dma_wait3A_315, %dma_wait3A_319] : memref<25x128xi32, #tpu.memory_space<vmem>> -> memref<1x128xi32, #tpu.memory_space<vmem>>
      %dma_wait3A_321 = tpu.memref_squeeze %dma_wait3A_320 : memref<1x128xi32, #tpu.memory_space<vmem>> -> memref<128xi32, #tpu.memory_space<vmem>>
      %dma_wait3A_322 = arith.constant 0 : i32
      %dma_wait3A_323 = arith.constant 0 : i32
      %dma_wait3A_324 = tpu.memref_slice %arg2[%dma_wait3A_322, %dma_wait3A_323] : memref<1015808x16xf32, #tpu.memory_space<hbm>> -> memref<1015808x16xf32, #tpu.memory_space<hbm>>
      tpu.wait_indirect_dma semaphore(%arg9 : memref<!tpu.dma_semaphore, #tpu.memory_space<semaphore_mem>>) src(%dma_wait3A_324 : memref<1015808x16xf32, #tpu.memory_space<hbm>>) dst(%dma_wait3A_318 : memref<128x16xf32, #tpu.memory_space<vmem>>)
      %dma_wait3A_325 = arith.constant 5 : i32
      %dma_wait3A_326 = arith.constant 640 : i32
      %dma_wait3A_327 = arith.constant 0 : i32
      %dma_wait3A_328 = tpu.memref_slice %arg6[%dma_wait3A_326, %dma_wait3A_327] : memref<3200x16xf32, #tpu.memory_space<vmem>> -> memref<128x16xf32, #tpu.memory_space<vmem>>
      %dma_wait3A_329 = arith.constant 0 : i32
      %dma_wait3A_330 = tpu.memref_slice %arg5[%dma_wait3A_325, %dma_wait3A_329] : memref<25x128xi32, #tpu.memory_space<vmem>> -> memref<1x128xi32, #tpu.memory_space<vmem>>
      %dma_wait3A_331 = tpu.memref_squeeze %dma_wait3A_330 : memref<1x128xi32, #tpu.memory_space<vmem>> -> memref<128xi32, #tpu.memory_space<vmem>>
      %dma_wait3A_332 = arith.constant 0 : i32
      %dma_wait3A_333 = arith.constant 0 : i32
      %dma_wait3A_334 = tpu.memref_slice %arg2[%dma_wait3A_332, %dma_wait3A_333] : memref<1015808x16xf32, #tpu.memory_space<hbm>> -> memref<1015808x16xf32, #tpu.memory_space<hbm>>
      tpu.wait_indirect_dma semaphore(%arg9 : memref<!tpu.dma_semaphore, #tpu.memory_space<semaphore_mem>>) src(%dma_wait3A_334 : memref<1015808x16xf32, #tpu.memory_space<hbm>>) dst(%dma_wait3A_328 : memref<128x16xf32, #tpu.memory_space<vmem>>)
      %dma_wait3A_335 = arith.constant 6 : i32
      %dma_wait3A_336 = arith.constant 768 : i32
      %dma_wait3A_337 = arith.constant 0 : i32
      %dma_wait3A_338 = tpu.memref_slice %arg6[%dma_wait3A_336, %dma_wait3A_337] : memref<3200x16xf32, #tpu.memory_space<vmem>> -> memref<128x16xf32, #tpu.memory_space<vmem>>
      %dma_wait3A_339 = arith.constant 0 : i32
      %dma_wait3A_340 = tpu.memref_slice %arg5[%dma_wait3A_335, %dma_wait3A_339] : memref<25x128xi32, #tpu.memory_space<vmem>> -> memref<1x128xi32, #tpu.memory_space<vmem>>
      %dma_wait3A_341 = tpu.memref_squeeze %dma_wait3A_340 : memref<1x128xi32, #tpu.memory_space<vmem>> -> memref<128xi32, #tpu.memory_space<vmem>>
      %dma_wait3A_342 = arith.constant 0 : i32
      %dma_wait3A_343 = arith.constant 0 : i32
      %dma_wait3A_344 = tpu.memref_slice %arg2[%dma_wait3A_342, %dma_wait3A_343] : memref<1015808x16xf32, #tpu.memory_space<hbm>> -> memref<1015808x16xf32, #tpu.memory_space<hbm>>
      tpu.wait_indirect_dma semaphore(%arg9 : memref<!tpu.dma_semaphore, #tpu.memory_space<semaphore_mem>>) src(%dma_wait3A_344 : memref<1015808x16xf32, #tpu.memory_space<hbm>>) dst(%dma_wait3A_338 : memref<128x16xf32, #tpu.memory_space<vmem>>)
      %dma_wait3A_345 = arith.constant 7 : i32
      %dma_wait3A_346 = arith.constant 896 : i32
      %dma_wait3A_347 = arith.constant 0 : i32
      %dma_wait3A_348 = tpu.memref_slice %arg6[%dma_wait3A_346, %dma_wait3A_347] : memref<3200x16xf32, #tpu.memory_space<vmem>> -> memref<128x16xf32, #tpu.memory_space<vmem>>
      %dma_wait3A_349 = arith.constant 0 : i32
      %dma_wait3A_350 = tpu.memref_slice %arg5[%dma_wait3A_345, %dma_wait3A_349] : memref<25x128xi32, #tpu.memory_space<vmem>> -> memref<1x128xi32, #tpu.memory_space<vmem>>
      %dma_wait3A_351 = tpu.memref_squeeze %dma_wait3A_350 : memref<1x128xi32, #tpu.memory_space<vmem>> -> memref<128xi32, #tpu.memory_space<vmem>>
      %dma_wait3A_352 = arith.constant 0 : i32
      %dma_wait3A_353 = arith.constant 0 : i32
      %dma_wait3A_354 = tpu.memref_slice %arg2[%dma_wait3A_352, %dma_wait3A_353] : memref<1015808x16xf32, #tpu.memory_space<hbm>> -> memref<1015808x16xf32, #tpu.memory_space<hbm>>
      tpu.wait_indirect_dma semaphore(%arg9 : memref<!tpu.dma_semaphore, #tpu.memory_space<semaphore_mem>>) src(%dma_wait3A_354 : memref<1015808x16xf32, #tpu.memory_space<hbm>>) dst(%dma_wait3A_348 : memref<128x16xf32, #tpu.memory_space<vmem>>)
      %dma_wait3A_355 = arith.constant 8 : i32
      %dma_wait3A_356 = arith.constant 1024 : i32
      %dma_wait3A_357 = arith.constant 0 : i32
      %dma_wait3A_358 = tpu.memref_slice %arg6[%dma_wait3A_356, %dma_wait3A_357] : memref<3200x16xf32, #tpu.memory_space<vmem>> -> memref<128x16xf32, #tpu.memory_space<vmem>>
      %dma_wait3A_359 = arith.constant 0 : i32
      %dma_wait3A_360 = tpu.memref_slice %arg5[%dma_wait3A_355, %dma_wait3A_359] : memref<25x128xi32, #tpu.memory_space<vmem>> -> memref<1x128xi32, #tpu.memory_space<vmem>>
      %dma_wait3A_361 = tpu.memref_squeeze %dma_wait3A_360 : memref<1x128xi32, #tpu.memory_space<vmem>> -> memref<128xi32, #tpu.memory_space<vmem>>
      %dma_wait3A_362 = arith.constant 0 : i32
      %dma_wait3A_363 = arith.constant 0 : i32
      %dma_wait3A_364 = tpu.memref_slice %arg2[%dma_wait3A_362, %dma_wait3A_363] : memref<1015808x16xf32, #tpu.memory_space<hbm>> -> memref<1015808x16xf32, #tpu.memory_space<hbm>>
      tpu.wait_indirect_dma semaphore(%arg9 : memref<!tpu.dma_semaphore, #tpu.memory_space<semaphore_mem>>) src(%dma_wait3A_364 : memref<1015808x16xf32, #tpu.memory_space<hbm>>) dst(%dma_wait3A_358 : memref<128x16xf32, #tpu.memory_space<vmem>>)
      %dma_wait3A_365 = arith.constant 9 : i32
      %dma_wait3A_366 = arith.constant 1152 : i32
      %dma_wait3A_367 = arith.constant 0 : i32
      %dma_wait3A_368 = tpu.memref_slice %arg6[%dma_wait3A_366, %dma_wait3A_367] : memref<3200x16xf32, #tpu.memory_space<vmem>> -> memref<128x16xf32, #tpu.memory_space<vmem>>
      %dma_wait3A_369 = arith.constant 0 : i32
      %dma_wait3A_370 = tpu.memref_slice %arg5[%dma_wait3A_365, %dma_wait3A_369] : memref<25x128xi32, #tpu.memory_space<vmem>> -> memref<1x128xi32, #tpu.memory_space<vmem>>
      %dma_wait3A_371 = tpu.memref_squeeze %dma_wait3A_370 : memref<1x128xi32, #tpu.memory_space<vmem>> -> memref<128xi32, #tpu.memory_space<vmem>>
      %dma_wait3A_372 = arith.constant 0 : i32
      %dma_wait3A_373 = arith.constant 0 : i32
      %dma_wait3A_374 = tpu.memref_slice %arg2[%dma_wait3A_372, %dma_wait3A_373] : memref<1015808x16xf32, #tpu.memory_space<hbm>> -> memref<1015808x16xf32, #tpu.memory_space<hbm>>
      tpu.wait_indirect_dma semaphore(%arg9 : memref<!tpu.dma_semaphore, #tpu.memory_space<semaphore_mem>>) src(%dma_wait3A_374 : memref<1015808x16xf32, #tpu.memory_space<hbm>>) dst(%dma_wait3A_368 : memref<128x16xf32, #tpu.memory_space<vmem>>)
      %dma_wait3A_375 = arith.constant 10 : i32
      %dma_wait3A_376 = arith.constant 1280 : i32
      %dma_wait3A_377 = arith.constant 0 : i32
      %dma_wait3A_378 = tpu.memref_slice %arg6[%dma_wait3A_376, %dma_wait3A_377] : memref<3200x16xf32, #tpu.memory_space<vmem>> -> memref<128x16xf32, #tpu.memory_space<vmem>>
      %dma_wait3A_379 = arith.constant 0 : i32
      %dma_wait3A_380 = tpu.memref_slice %arg5[%dma_wait3A_375, %dma_wait3A_379] : memref<25x128xi32, #tpu.memory_space<vmem>> -> memref<1x128xi32, #tpu.memory_space<vmem>>
      %dma_wait3A_381 = tpu.memref_squeeze %dma_wait3A_380 : memref<1x128xi32, #tpu.memory_space<vmem>> -> memref<128xi32, #tpu.memory_space<vmem>>
      %dma_wait3A_382 = arith.constant 0 : i32
      %dma_wait3A_383 = arith.constant 0 : i32
      %dma_wait3A_384 = tpu.memref_slice %arg2[%dma_wait3A_382, %dma_wait3A_383] : memref<1015808x16xf32, #tpu.memory_space<hbm>> -> memref<1015808x16xf32, #tpu.memory_space<hbm>>
      tpu.wait_indirect_dma semaphore(%arg9 : memref<!tpu.dma_semaphore, #tpu.memory_space<semaphore_mem>>) src(%dma_wait3A_384 : memref<1015808x16xf32, #tpu.memory_space<hbm>>) dst(%dma_wait3A_378 : memref<128x16xf32, #tpu.memory_space<vmem>>)
      %dma_wait3A_385 = arith.constant 11 : i32
      %dma_wait3A_386 = arith.constant 1408 : i32
      %dma_wait3A_387 = arith.constant 0 : i32
      %dma_wait3A_388 = tpu.memref_slice %arg6[%dma_wait3A_386, %dma_wait3A_387] : memref<3200x16xf32, #tpu.memory_space<vmem>> -> memref<128x16xf32, #tpu.memory_space<vmem>>
      %dma_wait3A_389 = arith.constant 0 : i32
      %dma_wait3A_390 = tpu.memref_slice %arg5[%dma_wait3A_385, %dma_wait3A_389] : memref<25x128xi32, #tpu.memory_space<vmem>> -> memref<1x128xi32, #tpu.memory_space<vmem>>
      %dma_wait3A_391 = tpu.memref_squeeze %dma_wait3A_390 : memref<1x128xi32, #tpu.memory_space<vmem>> -> memref<128xi32, #tpu.memory_space<vmem>>
      %dma_wait3A_392 = arith.constant 0 : i32
      %dma_wait3A_393 = arith.constant 0 : i32
      %dma_wait3A_394 = tpu.memref_slice %arg2[%dma_wait3A_392, %dma_wait3A_393] : memref<1015808x16xf32, #tpu.memory_space<hbm>> -> memref<1015808x16xf32, #tpu.memory_space<hbm>>
      tpu.wait_indirect_dma semaphore(%arg9 : memref<!tpu.dma_semaphore, #tpu.memory_space<semaphore_mem>>) src(%dma_wait3A_394 : memref<1015808x16xf32, #tpu.memory_space<hbm>>) dst(%dma_wait3A_388 : memref<128x16xf32, #tpu.memory_space<vmem>>)
      %dma_wait3A_395 = arith.constant 12 : i32
      %dma_wait3A_396 = arith.constant 1536 : i32
      %dma_wait3A_397 = arith.constant 0 : i32
      %dma_wait3A_398 = tpu.memref_slice %arg6[%dma_wait3A_396, %dma_wait3A_397] : memref<3200x16xf32, #tpu.memory_space<vmem>> -> memref<128x16xf32, #tpu.memory_space<vmem>>
      %dma_wait3A_399 = arith.constant 0 : i32
      %dma_wait3A_400 = tpu.memref_slice %arg5[%dma_wait3A_395, %dma_wait3A_399] : memref<25x128xi32, #tpu.memory_space<vmem>> -> memref<1x128xi32, #tpu.memory_space<vmem>>
      %dma_wait3A_401 = tpu.memref_squeeze %dma_wait3A_400 : memref<1x128xi32, #tpu.memory_space<vmem>> -> memref<128xi32, #tpu.memory_space<vmem>>
      %dma_wait3A_402 = arith.constant 0 : i32
      %dma_wait3A_403 = arith.constant 0 : i32
      %dma_wait3A_404 = tpu.memref_slice %arg2[%dma_wait3A_402, %dma_wait3A_403] : memref<1015808x16xf32, #tpu.memory_space<hbm>> -> memref<1015808x16xf32, #tpu.memory_space<hbm>>
      tpu.wait_indirect_dma semaphore(%arg9 : memref<!tpu.dma_semaphore, #tpu.memory_space<semaphore_mem>>) src(%dma_wait3A_404 : memref<1015808x16xf32, #tpu.memory_space<hbm>>) dst(%dma_wait3A_398 : memref<128x16xf32, #tpu.memory_space<vmem>>)
      %dma_wait3A_405 = arith.constant 13 : i32
      %dma_wait3A_406 = arith.constant 1664 : i32
      %dma_wait3A_407 = arith.constant 0 : i32
      %dma_wait3A_408 = tpu.memref_slice %arg6[%dma_wait3A_406, %dma_wait3A_407] : memref<3200x16xf32, #tpu.memory_space<vmem>> -> memref<128x16xf32, #tpu.memory_space<vmem>>
      %dma_wait3A_409 = arith.constant 0 : i32
      %dma_wait3A_410 = tpu.memref_slice %arg5[%dma_wait3A_405, %dma_wait3A_409] : memref<25x128xi32, #tpu.memory_space<vmem>> -> memref<1x128xi32, #tpu.memory_space<vmem>>
      %dma_wait3A_411 = tpu.memref_squeeze %dma_wait3A_410 : memref<1x128xi32, #tpu.memory_space<vmem>> -> memref<128xi32, #tpu.memory_space<vmem>>
      %dma_wait3A_412 = arith.constant 0 : i32
      %dma_wait3A_413 = arith.constant 0 : i32
      %dma_wait3A_414 = tpu.memref_slice %arg2[%dma_wait3A_412, %dma_wait3A_413] : memref<1015808x16xf32, #tpu.memory_space<hbm>> -> memref<1015808x16xf32, #tpu.memory_space<hbm>>
      tpu.wait_indirect_dma semaphore(%arg9 : memref<!tpu.dma_semaphore, #tpu.memory_space<semaphore_mem>>) src(%dma_wait3A_414 : memref<1015808x16xf32, #tpu.memory_space<hbm>>) dst(%dma_wait3A_408 : memref<128x16xf32, #tpu.memory_space<vmem>>)
      %dma_wait3A_415 = arith.constant 14 : i32
      %dma_wait3A_416 = arith.constant 1792 : i32
      %dma_wait3A_417 = arith.constant 0 : i32
      %dma_wait3A_418 = tpu.memref_slice %arg6[%dma_wait3A_416, %dma_wait3A_417] : memref<3200x16xf32, #tpu.memory_space<vmem>> -> memref<128x16xf32, #tpu.memory_space<vmem>>
      %dma_wait3A_419 = arith.constant 0 : i32
      %dma_wait3A_420 = tpu.memref_slice %arg5[%dma_wait3A_415, %dma_wait3A_419] : memref<25x128xi32, #tpu.memory_space<vmem>> -> memref<1x128xi32, #tpu.memory_space<vmem>>
      %dma_wait3A_421 = tpu.memref_squeeze %dma_wait3A_420 : memref<1x128xi32, #tpu.memory_space<vmem>> -> memref<128xi32, #tpu.memory_space<vmem>>
      %dma_wait3A_422 = arith.constant 0 : i32
      %dma_wait3A_423 = arith.constant 0 : i32
      %dma_wait3A_424 = tpu.memref_slice %arg2[%dma_wait3A_422, %dma_wait3A_423] : memref<1015808x16xf32, #tpu.memory_space<hbm>> -> memref<1015808x16xf32, #tpu.memory_space<hbm>>
      tpu.wait_indirect_dma semaphore(%arg9 : memref<!tpu.dma_semaphore, #tpu.memory_space<semaphore_mem>>) src(%dma_wait3A_424 : memref<1015808x16xf32, #tpu.memory_space<hbm>>) dst(%dma_wait3A_418 : memref<128x16xf32, #tpu.memory_space<vmem>>)
      %dma_wait3A_425 = arith.constant 15 : i32
      %dma_wait3A_426 = arith.constant 1920 : i32
      %dma_wait3A_427 = arith.constant 0 : i32
      %dma_wait3A_428 = tpu.memref_slice %arg6[%dma_wait3A_426, %dma_wait3A_427] : memref<3200x16xf32, #tpu.memory_space<vmem>> -> memref<128x16xf32, #tpu.memory_space<vmem>>
      %dma_wait3A_429 = arith.constant 0 : i32
      %dma_wait3A_430 = tpu.memref_slice %arg5[%dma_wait3A_425, %dma_wait3A_429] : memref<25x128xi32, #tpu.memory_space<vmem>> -> memref<1x128xi32, #tpu.memory_space<vmem>>
      %dma_wait3A_431 = tpu.memref_squeeze %dma_wait3A_430 : memref<1x128xi32, #tpu.memory_space<vmem>> -> memref<128xi32, #tpu.memory_space<vmem>>
      %dma_wait3A_432 = arith.constant 0 : i32
      %dma_wait3A_433 = arith.constant 0 : i32
      %dma_wait3A_434 = tpu.memref_slice %arg2[%dma_wait3A_432, %dma_wait3A_433] : memref<1015808x16xf32, #tpu.memory_space<hbm>> -> memref<1015808x16xf32, #tpu.memory_space<hbm>>
      tpu.wait_indirect_dma semaphore(%arg9 : memref<!tpu.dma_semaphore, #tpu.memory_space<semaphore_mem>>) src(%dma_wait3A_434 : memref<1015808x16xf32, #tpu.memory_space<hbm>>) dst(%dma_wait3A_428 : memref<128x16xf32, #tpu.memory_space<vmem>>)
      %dma_wait3A_435 = arith.constant 16 : i32
      %dma_wait3A_436 = arith.constant 2048 : i32
      %dma_wait3A_437 = arith.constant 0 : i32
      %dma_wait3A_438 = tpu.memref_slice %arg6[%dma_wait3A_436, %dma_wait3A_437] : memref<3200x16xf32, #tpu.memory_space<vmem>> -> memref<128x16xf32, #tpu.memory_space<vmem>>
      %dma_wait3A_439 = arith.constant 0 : i32
      %dma_wait3A_440 = tpu.memref_slice %arg5[%dma_wait3A_435, %dma_wait3A_439] : memref<25x128xi32, #tpu.memory_space<vmem>> -> memref<1x128xi32, #tpu.memory_space<vmem>>
      %dma_wait3A_441 = tpu.memref_squeeze %dma_wait3A_440 : memref<1x128xi32, #tpu.memory_space<vmem>> -> memref<128xi32, #tpu.memory_space<vmem>>
      %dma_wait3A_442 = arith.constant 0 : i32
      %dma_wait3A_443 = arith.constant 0 : i32
      %dma_wait3A_444 = tpu.memref_slice %arg2[%dma_wait3A_442, %dma_wait3A_443] : memref<1015808x16xf32, #tpu.memory_space<hbm>> -> memref<1015808x16xf32, #tpu.memory_space<hbm>>
      tpu.wait_indirect_dma semaphore(%arg9 : memref<!tpu.dma_semaphore, #tpu.memory_space<semaphore_mem>>) src(%dma_wait3A_444 : memref<1015808x16xf32, #tpu.memory_space<hbm>>) dst(%dma_wait3A_438 : memref<128x16xf32, #tpu.memory_space<vmem>>)
      %dma_wait3A_445 = arith.constant 17 : i32
      %dma_wait3A_446 = arith.constant 2176 : i32
      %dma_wait3A_447 = arith.constant 0 : i32
      %dma_wait3A_448 = tpu.memref_slice %arg6[%dma_wait3A_446, %dma_wait3A_447] : memref<3200x16xf32, #tpu.memory_space<vmem>> -> memref<128x16xf32, #tpu.memory_space<vmem>>
      %dma_wait3A_449 = arith.constant 0 : i32
      %dma_wait3A_450 = tpu.memref_slice %arg5[%dma_wait3A_445, %dma_wait3A_449] : memref<25x128xi32, #tpu.memory_space<vmem>> -> memref<1x128xi32, #tpu.memory_space<vmem>>
      %dma_wait3A_451 = tpu.memref_squeeze %dma_wait3A_450 : memref<1x128xi32, #tpu.memory_space<vmem>> -> memref<128xi32, #tpu.memory_space<vmem>>
      %dma_wait3A_452 = arith.constant 0 : i32
      %dma_wait3A_453 = arith.constant 0 : i32
      %dma_wait3A_454 = tpu.memref_slice %arg2[%dma_wait3A_452, %dma_wait3A_453] : memref<1015808x16xf32, #tpu.memory_space<hbm>> -> memref<1015808x16xf32, #tpu.memory_space<hbm>>
      tpu.wait_indirect_dma semaphore(%arg9 : memref<!tpu.dma_semaphore, #tpu.memory_space<semaphore_mem>>) src(%dma_wait3A_454 : memref<1015808x16xf32, #tpu.memory_space<hbm>>) dst(%dma_wait3A_448 : memref<128x16xf32, #tpu.memory_space<vmem>>)
      %dma_wait3A_455 = arith.constant 18 : i32
      %dma_wait3A_456 = arith.constant 2304 : i32
      %dma_wait3A_457 = arith.constant 0 : i32
      %dma_wait3A_458 = tpu.memref_slice %arg6[%dma_wait3A_456, %dma_wait3A_457] : memref<3200x16xf32, #tpu.memory_space<vmem>> -> memref<128x16xf32, #tpu.memory_space<vmem>>
      %dma_wait3A_459 = arith.constant 0 : i32
      %dma_wait3A_460 = tpu.memref_slice %arg5[%dma_wait3A_455, %dma_wait3A_459] : memref<25x128xi32, #tpu.memory_space<vmem>> -> memref<1x128xi32, #tpu.memory_space<vmem>>
      %dma_wait3A_461 = tpu.memref_squeeze %dma_wait3A_460 : memref<1x128xi32, #tpu.memory_space<vmem>> -> memref<128xi32, #tpu.memory_space<vmem>>
      %dma_wait3A_462 = arith.constant 0 : i32
      %dma_wait3A_463 = arith.constant 0 : i32
      %dma_wait3A_464 = tpu.memref_slice %arg2[%dma_wait3A_462, %dma_wait3A_463] : memref<1015808x16xf32, #tpu.memory_space<hbm>> -> memref<1015808x16xf32, #tpu.memory_space<hbm>>
      tpu.wait_indirect_dma semaphore(%arg9 : memref<!tpu.dma_semaphore, #tpu.memory_space<semaphore_mem>>) src(%dma_wait3A_464 : memref<1015808x16xf32, #tpu.memory_space<hbm>>) dst(%dma_wait3A_458 : memref<128x16xf32, #tpu.memory_space<vmem>>)
      %dma_wait3A_465 = arith.constant 19 : i32
      %dma_wait3A_466 = arith.constant 2432 : i32
      %dma_wait3A_467 = arith.constant 0 : i32
      %dma_wait3A_468 = tpu.memref_slice %arg6[%dma_wait3A_466, %dma_wait3A_467] : memref<3200x16xf32, #tpu.memory_space<vmem>> -> memref<128x16xf32, #tpu.memory_space<vmem>>
      %dma_wait3A_469 = arith.constant 0 : i32
      %dma_wait3A_470 = tpu.memref_slice %arg5[%dma_wait3A_465, %dma_wait3A_469] : memref<25x128xi32, #tpu.memory_space<vmem>> -> memref<1x128xi32, #tpu.memory_space<vmem>>
      %dma_wait3A_471 = tpu.memref_squeeze %dma_wait3A_470 : memref<1x128xi32, #tpu.memory_space<vmem>> -> memref<128xi32, #tpu.memory_space<vmem>>
      %dma_wait3A_472 = arith.constant 0 : i32
      %dma_wait3A_473 = arith.constant 0 : i32
      %dma_wait3A_474 = tpu.memref_slice %arg2[%dma_wait3A_472, %dma_wait3A_473] : memref<1015808x16xf32, #tpu.memory_space<hbm>> -> memref<1015808x16xf32, #tpu.memory_space<hbm>>
      tpu.wait_indirect_dma semaphore(%arg9 : memref<!tpu.dma_semaphore, #tpu.memory_space<semaphore_mem>>) src(%dma_wait3A_474 : memref<1015808x16xf32, #tpu.memory_space<hbm>>) dst(%dma_wait3A_468 : memref<128x16xf32, #tpu.memory_space<vmem>>)
      %dma_wait3A_475 = arith.constant 20 : i32
      %dma_wait3A_476 = arith.constant 2560 : i32
      %dma_wait3A_477 = arith.constant 0 : i32
      %dma_wait3A_478 = tpu.memref_slice %arg6[%dma_wait3A_476, %dma_wait3A_477] : memref<3200x16xf32, #tpu.memory_space<vmem>> -> memref<128x16xf32, #tpu.memory_space<vmem>>
      %dma_wait3A_479 = arith.constant 0 : i32
      %dma_wait3A_480 = tpu.memref_slice %arg5[%dma_wait3A_475, %dma_wait3A_479] : memref<25x128xi32, #tpu.memory_space<vmem>> -> memref<1x128xi32, #tpu.memory_space<vmem>>
      %dma_wait3A_481 = tpu.memref_squeeze %dma_wait3A_480 : memref<1x128xi32, #tpu.memory_space<vmem>> -> memref<128xi32, #tpu.memory_space<vmem>>
      %dma_wait3A_482 = arith.constant 0 : i32
      %dma_wait3A_483 = arith.constant 0 : i32
      %dma_wait3A_484 = tpu.memref_slice %arg2[%dma_wait3A_482, %dma_wait3A_483] : memref<1015808x16xf32, #tpu.memory_space<hbm>> -> memref<1015808x16xf32, #tpu.memory_space<hbm>>
      tpu.wait_indirect_dma semaphore(%arg9 : memref<!tpu.dma_semaphore, #tpu.memory_space<semaphore_mem>>) src(%dma_wait3A_484 : memref<1015808x16xf32, #tpu.memory_space<hbm>>) dst(%dma_wait3A_478 : memref<128x16xf32, #tpu.memory_space<vmem>>)
      %dma_wait3A_485 = arith.constant 21 : i32
      %dma_wait3A_486 = arith.constant 2688 : i32
      %dma_wait3A_487 = arith.constant 0 : i32
      %dma_wait3A_488 = tpu.memref_slice %arg6[%dma_wait3A_486, %dma_wait3A_487] : memref<3200x16xf32, #tpu.memory_space<vmem>> -> memref<128x16xf32, #tpu.memory_space<vmem>>
      %dma_wait3A_489 = arith.constant 0 : i32
      %dma_wait3A_490 = tpu.memref_slice %arg5[%dma_wait3A_485, %dma_wait3A_489] : memref<25x128xi32, #tpu.memory_space<vmem>> -> memref<1x128xi32, #tpu.memory_space<vmem>>
      %dma_wait3A_491 = tpu.memref_squeeze %dma_wait3A_490 : memref<1x128xi32, #tpu.memory_space<vmem>> -> memref<128xi32, #tpu.memory_space<vmem>>
      %dma_wait3A_492 = arith.constant 0 : i32
      %dma_wait3A_493 = arith.constant 0 : i32
      %dma_wait3A_494 = tpu.memref_slice %arg2[%dma_wait3A_492, %dma_wait3A_493] : memref<1015808x16xf32, #tpu.memory_space<hbm>> -> memref<1015808x16xf32, #tpu.memory_space<hbm>>
      tpu.wait_indirect_dma semaphore(%arg9 : memref<!tpu.dma_semaphore, #tpu.memory_space<semaphore_mem>>) src(%dma_wait3A_494 : memref<1015808x16xf32, #tpu.memory_space<hbm>>) dst(%dma_wait3A_488 : memref<128x16xf32, #tpu.memory_space<vmem>>)
      %dma_wait3A_495 = arith.constant 22 : i32
      %dma_wait3A_496 = arith.constant 2816 : i32
      %dma_wait3A_497 = arith.constant 0 : i32
      %dma_wait3A_498 = tpu.memref_slice %arg6[%dma_wait3A_496, %dma_wait3A_497] : memref<3200x16xf32, #tpu.memory_space<vmem>> -> memref<128x16xf32, #tpu.memory_space<vmem>>
      %dma_wait3A_499 = arith.constant 0 : i32
      %dma_wait3A_500 = tpu.memref_slice %arg5[%dma_wait3A_495, %dma_wait3A_499] : memref<25x128xi32, #tpu.memory_space<vmem>> -> memref<1x128xi32, #tpu.memory_space<vmem>>
      %dma_wait3A_501 = tpu.memref_squeeze %dma_wait3A_500 : memref<1x128xi32, #tpu.memory_space<vmem>> -> memref<128xi32, #tpu.memory_space<vmem>>
      %dma_wait3A_502 = arith.constant 0 : i32
      %dma_wait3A_503 = arith.constant 0 : i32
      %dma_wait3A_504 = tpu.memref_slice %arg2[%dma_wait3A_502, %dma_wait3A_503] : memref<1015808x16xf32, #tpu.memory_space<hbm>> -> memref<1015808x16xf32, #tpu.memory_space<hbm>>
      tpu.wait_indirect_dma semaphore(%arg9 : memref<!tpu.dma_semaphore, #tpu.memory_space<semaphore_mem>>) src(%dma_wait3A_504 : memref<1015808x16xf32, #tpu.memory_space<hbm>>) dst(%dma_wait3A_498 : memref<128x16xf32, #tpu.memory_space<vmem>>)
      %dma_wait3A_505 = arith.constant 23 : i32
      %dma_wait3A_506 = arith.constant 2944 : i32
      %dma_wait3A_507 = arith.constant 0 : i32
      %dma_wait3A_508 = tpu.memref_slice %arg6[%dma_wait3A_506, %dma_wait3A_507] : memref<3200x16xf32, #tpu.memory_space<vmem>> -> memref<128x16xf32, #tpu.memory_space<vmem>>
      %dma_wait3A_509 = arith.constant 0 : i32
      %dma_wait3A_510 = tpu.memref_slice %arg5[%dma_wait3A_505, %dma_wait3A_509] : memref<25x128xi32, #tpu.memory_space<vmem>> -> memref<1x128xi32, #tpu.memory_space<vmem>>
      %dma_wait3A_511 = tpu.memref_squeeze %dma_wait3A_510 : memref<1x128xi32, #tpu.memory_space<vmem>> -> memref<128xi32, #tpu.memory_space<vmem>>
      %dma_wait3A_512 = arith.constant 0 : i32
      %dma_wait3A_513 = arith.constant 0 : i32
      %dma_wait3A_514 = tpu.memref_slice %arg2[%dma_wait3A_512, %dma_wait3A_513] : memref<1015808x16xf32, #tpu.memory_space<hbm>> -> memref<1015808x16xf32, #tpu.memory_space<hbm>>
      tpu.wait_indirect_dma semaphore(%arg9 : memref<!tpu.dma_semaphore, #tpu.memory_space<semaphore_mem>>) src(%dma_wait3A_514 : memref<1015808x16xf32, #tpu.memory_space<hbm>>) dst(%dma_wait3A_508 : memref<128x16xf32, #tpu.memory_space<vmem>>)
      %dma_wait3A_515 = arith.constant 24 : i32
      %dma_wait3A_516 = arith.constant 3072 : i32
      %dma_wait3A_517 = arith.constant 0 : i32
      %dma_wait3A_518 = tpu.memref_slice %arg6[%dma_wait3A_516, %dma_wait3A_517] : memref<3200x16xf32, #tpu.memory_space<vmem>> -> memref<128x16xf32, #tpu.memory_space<vmem>>
      %dma_wait3A_519 = arith.constant 0 : i32
      %dma_wait3A_520 = tpu.memref_slice %arg5[%dma_wait3A_515, %dma_wait3A_519] : memref<25x128xi32, #tpu.memory_space<vmem>> -> memref<1x128xi32, #tpu.memory_space<vmem>>
      %dma_wait3A_521 = tpu.memref_squeeze %dma_wait3A_520 : memref<1x128xi32, #tpu.memory_space<vmem>> -> memref<128xi32, #tpu.memory_space<vmem>>
      %dma_wait3A_522 = arith.constant 0 : i32
      %dma_wait3A_523 = arith.constant 0 : i32
      %dma_wait3A_524 = tpu.memref_slice %arg2[%dma_wait3A_522, %dma_wait3A_523] : memref<1015808x16xf32, #tpu.memory_space<hbm>> -> memref<1015808x16xf32, #tpu.memory_space<hbm>>
      tpu.wait_indirect_dma semaphore(%arg9 : memref<!tpu.dma_semaphore, #tpu.memory_space<semaphore_mem>>) src(%dma_wait3A_524 : memref<1015808x16xf32, #tpu.memory_space<hbm>>) dst(%dma_wait3A_518 : memref<128x16xf32, #tpu.memory_space<vmem>>)
      %mul3A_525 = arith.constant 512 : i32
      %mul3A_526 = arith.muli %add3A, %mul3A_525 : i32
      %mul3A_527 = arith.constant 64 : i32
      %mul3A_528 = arith.muli %scan3A_17, %mul3A_527 : i32
      %add3A_529 = arith.addi %mul3A_526, %mul3A_528 : i32
      %scan3A_530 = arith.constant 0 : i32
      %scan3A_531 = arith.constant 0 : i32
      %scan3A_532 = arith.constant 25 : i32
      %scan3A_533 = arith.addi %scan3A_531, %scan3A_532 : i32
      %scan3A_534 = arith.constant 1 : i32
      %scan3A_535 = scf.for %scan3A_559 = %scan3A_531 to %scan3A_533 step %scan3A_534 iter_args(%scan3A_560 = %scan3A_530) -> (i32)  : i32 {
        %add3A_561 = arith.constant 0 : i32
        %add3A_562 = arith.addi %add3A_561, %scan3A_559 : i32
        %add3A_563 = vector.broadcast %add3A_562 : i32 to vector<16xi32>
        %add3A_564 = arith.addi %mul3A_3, %add3A_563 : vector<16xi32>
        %add3A_565 = arith.constant 800 : i32
        %add3A_566 = arith.addi %add3A_565, %scan3A_559 : i32
        %add3A_567 = vector.broadcast %add3A_566 : i32 to vector<16xi32>
        %add3A_568 = arith.addi %mul3A_3, %add3A_567 : vector<16xi32>
        %add3A_569 = arith.constant 1600 : i32
        %add3A_570 = arith.addi %add3A_569, %scan3A_559 : i32
        %add3A_571 = vector.broadcast %add3A_570 : i32 to vector<16xi32>
        %add3A_572 = arith.addi %mul3A_3, %add3A_571 : vector<16xi32>
        %add3A_573 = arith.constant 2400 : i32
        %add3A_574 = arith.addi %add3A_573, %scan3A_559 : i32
        %add3A_575 = vector.broadcast %add3A_574 : i32 to vector<16xi32>
        %add3A_576 = arith.addi %mul3A_3, %add3A_575 : vector<16xi32>
        %mul3A_577 = arith.constant 16 : i32
        %mul3A_578 = arith.muli %scan3A_559, %mul3A_577 : i32
        %broadcast_in_dim3A = arith.constant 0 : i32
        %broadcast_in_dim3A_579 = vector.broadcast %broadcast_in_dim3A : i32 to vector<16xi32>
        %gather3A = tpu.vector_load_idx %arg6[%add3A_564, %broadcast_in_dim3A_579] : memref<3200x16xf32, #tpu.memory_space<vmem>>[vector<16xi32>, vector<16xi32>], vector<16xf32>,
        %add3A_580 = arith.constant 0 : i32
        %add3A_581 = arith.addi %mul3A_578, %add3A_580 : i32
        %swap3A = arith.index_cast %add3A_581 : i32 to index
        %swap3A_582 = arith.constant 0 : index
        %swap3A_583 = tpu.vector_load %arg7[%swap3A, %swap3A_582] {strides = array<i32>} : memref<400x64xf32, #tpu.memory_space<vmem>>, vector<16xf32>,
        tpu.vector_store %arg7[%swap3A, %swap3A_582], %gather3A {strides = array<i32>} : memref<400x64xf32, #tpu.memory_space<vmem>>, vector<16xf32>,
        %gather3A_584 = tpu.vector_load_idx %arg6[%add3A_568, %broadcast_in_dim3A_579] : memref<3200x16xf32, #tpu.memory_space<vmem>>[vector<16xi32>, vector<16xi32>], vector<16xf32>,
        %add3A_585 = arith.constant 0 : i32
        %add3A_586 = arith.addi %mul3A_578, %add3A_585 : i32
        %swap3A_587 = arith.index_cast %add3A_586 : i32 to index
        %swap3A_588 = arith.constant 16 : index
        %swap3A_589 = tpu.vector_load %arg7[%swap3A_587, %swap3A_588] {strides = array<i32>} : memref<400x64xf32, #tpu.memory_space<vmem>>, vector<16xf32>,
        tpu.vector_store %arg7[%swap3A_587, %swap3A_588], %gather3A_584 {strides = array<i32>} : memref<400x64xf32, #tpu.memory_space<vmem>>, vector<16xf32>,
        %gather3A_590 = tpu.vector_load_idx %arg6[%add3A_572, %broadcast_in_dim3A_579] : memref<3200x16xf32, #tpu.memory_space<vmem>>[vector<16xi32>, vector<16xi32>], vector<16xf32>,
        %add3A_591 = arith.constant 0 : i32
        %add3A_592 = arith.addi %mul3A_578, %add3A_591 : i32
        %swap3A_593 = arith.index_cast %add3A_592 : i32 to index
        %swap3A_594 = arith.constant 32 : index
        %swap3A_595 = tpu.vector_load %arg7[%swap3A_593, %swap3A_594] {strides = array<i32>} : memref<400x64xf32, #tpu.memory_space<vmem>>, vector<16xf32>,
        tpu.vector_store %arg7[%swap3A_593, %swap3A_594], %gather3A_590 {strides = array<i32>} : memref<400x64xf32, #tpu.memory_space<vmem>>, vector<16xf32>,
        %gather3A_596 = tpu.vector_load_idx %arg6[%add3A_576, %broadcast_in_dim3A_579] : memref<3200x16xf32, #tpu.memory_space<vmem>>[vector<16xi32>, vector<16xi32>], vector<16xf32>,
        %add3A_597 = arith.constant 0 : i32
        %add3A_598 = arith.addi %mul3A_578, %add3A_597 : i32
        %swap3A_599 = arith.index_cast %add3A_598 : i32 to index
        %swap3A_600 = arith.constant 48 : index
        %swap3A_601 = tpu.vector_load %arg7[%swap3A_599, %swap3A_600] {strides = array<i32>} : memref<400x64xf32, #tpu.memory_space<vmem>>, vector<16xf32>,
        tpu.vector_store %arg7[%swap3A_599, %swap3A_600], %gather3A_596 {strides = array<i32>} : memref<400x64xf32, #tpu.memory_space<vmem>>, vector<16xf32>,
        %broadcast_in_dim3A_602 = arith.constant 1 : i32
        %broadcast_in_dim3A_603 = vector.broadcast %broadcast_in_dim3A_602 : i32 to vector<16xi32>
        %gather3A_604 = tpu.vector_load_idx %arg6[%add3A_564, %broadcast_in_dim3A_603] : memref<3200x16xf32, #tpu.memory_space<vmem>>[vector<16xi32>, vector<16xi32>], vector<16xf32>,
        %add3A_605 = arith.constant 1 : i32
        %add3A_606 = arith.addi %mul3A_578, %add3A_605 : i32
        %swap3A_607 = arith.index_cast %add3A_606 : i32 to index
        %swap3A_608 = arith.constant 0 : index
        %swap3A_609 = tpu.vector_load %arg7[%swap3A_607, %swap3A_608] {strides = array<i32>} : memref<400x64xf32, #tpu.memory_space<vmem>>, vector<16xf32>,
        tpu.vector_store %arg7[%swap3A_607, %swap3A_608], %gather3A_604 {strides = array<i32>} : memref<400x64xf32, #tpu.memory_space<vmem>>, vector<16xf32>,
        %gather3A_610 = tpu.vector_load_idx %arg6[%add3A_568, %broadcast_in_dim3A_603] : memref<3200x16xf32, #tpu.memory_space<vmem>>[vector<16xi32>, vector<16xi32>], vector<16xf32>,
        %add3A_611 = arith.constant 1 : i32
        %add3A_612 = arith.addi %mul3A_578, %add3A_611 : i32
        %swap3A_613 = arith.index_cast %add3A_612 : i32 to index
        %swap3A_614 = arith.constant 16 : index
        %swap3A_615 = tpu.vector_load %arg7[%swap3A_613, %swap3A_614] {strides = array<i32>} : memref<400x64xf32, #tpu.memory_space<vmem>>, vector<16xf32>,
        tpu.vector_store %arg7[%swap3A_613, %swap3A_614], %gather3A_610 {strides = array<i32>} : memref<400x64xf32, #tpu.memory_space<vmem>>, vector<16xf32>,
        %gather3A_616 = tpu.vector_load_idx %arg6[%add3A_572, %broadcast_in_dim3A_603] : memref<3200x16xf32, #tpu.memory_space<vmem>>[vector<16xi32>, vector<16xi32>], vector<16xf32>,
        %add3A_617 = arith.constant 1 : i32
        %add3A_618 = arith.addi %mul3A_578, %add3A_617 : i32
        %swap3A_619 = arith.index_cast %add3A_618 : i32 to index
        %swap3A_620 = arith.constant 32 : index
        %swap3A_621 = tpu.vector_load %arg7[%swap3A_619, %swap3A_620] {strides = array<i32>} : memref<400x64xf32, #tpu.memory_space<vmem>>, vector<16xf32>,
        tpu.vector_store %arg7[%swap3A_619, %swap3A_620], %gather3A_616 {strides = array<i32>} : memref<400x64xf32, #tpu.memory_space<vmem>>, vector<16xf32>,
        %gather3A_622 = tpu.vector_load_idx %arg6[%add3A_576, %broadcast_in_dim3A_603] : memref<3200x16xf32, #tpu.memory_space<vmem>>[vector<16xi32>, vector<16xi32>], vector<16xf32>,
        %add3A_623 = arith.constant 1 : i32
        %add3A_624 = arith.addi %mul3A_578, %add3A_623 : i32
        %swap3A_625 = arith.index_cast %add3A_624 : i32 to index
        %swap3A_626 = arith.constant 48 : index
        %swap3A_627 = tpu.vector_load %arg7[%swap3A_625, %swap3A_626] {strides = array<i32>} : memref<400x64xf32, #tpu.memory_space<vmem>>, vector<16xf32>,
        tpu.vector_store %arg7[%swap3A_625, %swap3A_626], %gather3A_622 {strides = array<i32>} : memref<400x64xf32, #tpu.memory_space<vmem>>, vector<16xf32>,
        %broadcast_in_dim3A_628 = arith.constant 2 : i32
        %broadcast_in_dim3A_629 = vector.broadcast %broadcast_in_dim3A_628 : i32 to vector<16xi32>
        %gather3A_630 = tpu.vector_load_idx %arg6[%add3A_564, %broadcast_in_dim3A_629] : memref<3200x16xf32, #tpu.memory_space<vmem>>[vector<16xi32>, vector<16xi32>], vector<16xf32>,
        %add3A_631 = arith.constant 2 : i32
        %add3A_632 = arith.addi %mul3A_578, %add3A_631 : i32
        %swap3A_633 = arith.index_cast %add3A_632 : i32 to index
        %swap3A_634 = arith.constant 0 : index
        %swap3A_635 = tpu.vector_load %arg7[%swap3A_633, %swap3A_634] {strides = array<i32>} : memref<400x64xf32, #tpu.memory_space<vmem>>, vector<16xf32>,
        tpu.vector_store %arg7[%swap3A_633, %swap3A_634], %gather3A_630 {strides = array<i32>} : memref<400x64xf32, #tpu.memory_space<vmem>>, vector<16xf32>,
        %gather3A_636 = tpu.vector_load_idx %arg6[%add3A_568, %broadcast_in_dim3A_629] : memref<3200x16xf32, #tpu.memory_space<vmem>>[vector<16xi32>, vector<16xi32>], vector<16xf32>,
        %add3A_637 = arith.constant 2 : i32
        %add3A_638 = arith.addi %mul3A_578, %add3A_637 : i32
        %swap3A_639 = arith.index_cast %add3A_638 : i32 to index
        %swap3A_640 = arith.constant 16 : index
        %swap3A_641 = tpu.vector_load %arg7[%swap3A_639, %swap3A_640] {strides = array<i32>} : memref<400x64xf32, #tpu.memory_space<vmem>>, vector<16xf32>,
        tpu.vector_store %arg7[%swap3A_639, %swap3A_640], %gather3A_636 {strides = array<i32>} : memref<400x64xf32, #tpu.memory_space<vmem>>, vector<16xf32>,
        %gather3A_642 = tpu.vector_load_idx %arg6[%add3A_572, %broadcast_in_dim3A_629] : memref<3200x16xf32, #tpu.memory_space<vmem>>[vector<16xi32>, vector<16xi32>], vector<16xf32>,
        %add3A_643 = arith.constant 2 : i32
        %add3A_644 = arith.addi %mul3A_578, %add3A_643 : i32
        %swap3A_645 = arith.index_cast %add3A_644 : i32 to index
        %swap3A_646 = arith.constant 32 : index
        %swap3A_647 = tpu.vector_load %arg7[%swap3A_645, %swap3A_646] {strides = array<i32>} : memref<400x64xf32, #tpu.memory_space<vmem>>, vector<16xf32>,
        tpu.vector_store %arg7[%swap3A_645, %swap3A_646], %gather3A_642 {strides = array<i32>} : memref<400x64xf32, #tpu.memory_space<vmem>>, vector<16xf32>,
        %gather3A_648 = tpu.vector_load_idx %arg6[%add3A_576, %broadcast_in_dim3A_629] : memref<3200x16xf32, #tpu.memory_space<vmem>>[vector<16xi32>, vector<16xi32>], vector<16xf32>,
        %add3A_649 = arith.constant 2 : i32
        %add3A_650 = arith.addi %mul3A_578, %add3A_649 : i32
        %swap3A_651 = arith.index_cast %add3A_650 : i32 to index
        %swap3A_652 = arith.constant 48 : index
        %swap3A_653 = tpu.vector_load %arg7[%swap3A_651, %swap3A_652] {strides = array<i32>} : memref<400x64xf32, #tpu.memory_space<vmem>>, vector<16xf32>,
        tpu.vector_store %arg7[%swap3A_651, %swap3A_652], %gather3A_648 {strides = array<i32>} : memref<400x64xf32, #tpu.memory_space<vmem>>, vector<16xf32>,
        %broadcast_in_dim3A_654 = arith.constant 3 : i32
        %broadcast_in_dim3A_655 = vector.broadcast %broadcast_in_dim3A_654 : i32 to vector<16xi32>
        %gather3A_656 = tpu.vector_load_idx %arg6[%add3A_564, %broadcast_in_dim3A_655] : memref<3200x16xf32, #tpu.memory_space<vmem>>[vector<16xi32>, vector<16xi32>], vector<16xf32>,
        %add3A_657 = arith.constant 3 : i32
        %add3A_658 = arith.addi %mul3A_578, %add3A_657 : i32
        %swap3A_659 = arith.index_cast %add3A_658 : i32 to index
        %swap3A_660 = arith.constant 0 : index
        %swap3A_661 = tpu.vector_load %arg7[%swap3A_659, %swap3A_660] {strides = array<i32>} : memref<400x64xf32, #tpu.memory_space<vmem>>, vector<16xf32>,
        tpu.vector_store %arg7[%swap3A_659, %swap3A_660], %gather3A_656 {strides = array<i32>} : memref<400x64xf32, #tpu.memory_space<vmem>>, vector<16xf32>,
        %gather3A_662 = tpu.vector_load_idx %arg6[%add3A_568, %broadcast_in_dim3A_655] : memref<3200x16xf32, #tpu.memory_space<vmem>>[vector<16xi32>, vector<16xi32>], vector<16xf32>,
        %add3A_663 = arith.constant 3 : i32
        %add3A_664 = arith.addi %mul3A_578, %add3A_663 : i32
        %swap3A_665 = arith.index_cast %add3A_664 : i32 to index
        %swap3A_666 = arith.constant 16 : index
        %swap3A_667 = tpu.vector_load %arg7[%swap3A_665, %swap3A_666] {strides = array<i32>} : memref<400x64xf32, #tpu.memory_space<vmem>>, vector<16xf32>,
        tpu.vector_store %arg7[%swap3A_665, %swap3A_666], %gather3A_662 {strides = array<i32>} : memref<400x64xf32, #tpu.memory_space<vmem>>, vector<16xf32>,
        %gather3A_668 = tpu.vector_load_idx %arg6[%add3A_572, %broadcast_in_dim3A_655] : memref<3200x16xf32, #tpu.memory_space<vmem>>[vector<16xi32>, vector<16xi32>], vector<16xf32>,
        %add3A_669 = arith.constant 3 : i32
        %add3A_670 = arith.addi %mul3A_578, %add3A_669 : i32
        %swap3A_671 = arith.index_cast %add3A_670 : i32 to index
        %swap3A_672 = arith.constant 32 : index
        %swap3A_673 = tpu.vector_load %arg7[%swap3A_671, %swap3A_672] {strides = array<i32>} : memref<400x64xf32, #tpu.memory_space<vmem>>, vector<16xf32>,
        tpu.vector_store %arg7[%swap3A_671, %swap3A_672], %gather3A_668 {strides = array<i32>} : memref<400x64xf32, #tpu.memory_space<vmem>>, vector<16xf32>,
        %gather3A_674 = tpu.vector_load_idx %arg6[%add3A_576, %broadcast_in_dim3A_655] : memref<3200x16xf32, #tpu.memory_space<vmem>>[vector<16xi32>, vector<16xi32>], vector<16xf32>,
        %add3A_675 = arith.constant 3 : i32
        %add3A_676 = arith.addi %mul3A_578, %add3A_675 : i32
        %swap3A_677 = arith.index_cast %add3A_676 : i32 to index
        %swap3A_678 = arith.constant 48 : index
        %swap3A_679 = tpu.vector_load %arg7[%swap3A_677, %swap3A_678] {strides = array<i32>} : memref<400x64xf32, #tpu.memory_space<vmem>>, vector<16xf32>,
        tpu.vector_store %arg7[%swap3A_677, %swap3A_678], %gather3A_674 {strides = array<i32>} : memref<400x64xf32, #tpu.memory_space<vmem>>, vector<16xf32>,
        %broadcast_in_dim3A_680 = arith.constant 4 : i32
        %broadcast_in_dim3A_681 = vector.broadcast %broadcast_in_dim3A_680 : i32 to vector<16xi32>
        %gather3A_682 = tpu.vector_load_idx %arg6[%add3A_564, %broadcast_in_dim3A_681] : memref<3200x16xf32, #tpu.memory_space<vmem>>[vector<16xi32>, vector<16xi32>], vector<16xf32>,
        %add3A_683 = arith.constant 4 : i32
        %add3A_684 = arith.addi %mul3A_578, %add3A_683 : i32
        %swap3A_685 = arith.index_cast %add3A_684 : i32 to index
        %swap3A_686 = arith.constant 0 : index
        %swap3A_687 = tpu.vector_load %arg7[%swap3A_685, %swap3A_686] {strides = array<i32>} : memref<400x64xf32, #tpu.memory_space<vmem>>, vector<16xf32>,
        tpu.vector_store %arg7[%swap3A_685, %swap3A_686], %gather3A_682 {strides = array<i32>} : memref<400x64xf32, #tpu.memory_space<vmem>>, vector<16xf32>,
        %gather3A_688 = tpu.vector_load_idx %arg6[%add3A_568, %broadcast_in_dim3A_681] : memref<3200x16xf32, #tpu.memory_space<vmem>>[vector<16xi32>, vector<16xi32>], vector<16xf32>,
        %add3A_689 = arith.constant 4 : i32
        %add3A_690 = arith.addi %mul3A_578, %add3A_689 : i32
        %swap3A_691 = arith.index_cast %add3A_690 : i32 to index
        %swap3A_692 = arith.constant 16 : index
        %swap3A_693 = tpu.vector_load %arg7[%swap3A_691, %swap3A_692] {strides = array<i32>} : memref<400x64xf32, #tpu.memory_space<vmem>>, vector<16xf32>,
        tpu.vector_store %arg7[%swap3A_691, %swap3A_692], %gather3A_688 {strides = array<i32>} : memref<400x64xf32, #tpu.memory_space<vmem>>, vector<16xf32>,
        %gather3A_694 = tpu.vector_load_idx %arg6[%add3A_572, %broadcast_in_dim3A_681] : memref<3200x16xf32, #tpu.memory_space<vmem>>[vector<16xi32>, vector<16xi32>], vector<16xf32>,
        %add3A_695 = arith.constant 4 : i32
        %add3A_696 = arith.addi %mul3A_578, %add3A_695 : i32
        %swap3A_697 = arith.index_cast %add3A_696 : i32 to index
        %swap3A_698 = arith.constant 32 : index
        %swap3A_699 = tpu.vector_load %arg7[%swap3A_697, %swap3A_698] {strides = array<i32>} : memref<400x64xf32, #tpu.memory_space<vmem>>, vector<16xf32>,
        tpu.vector_store %arg7[%swap3A_697, %swap3A_698], %gather3A_694 {strides = array<i32>} : memref<400x64xf32, #tpu.memory_space<vmem>>, vector<16xf32>,
        %gather3A_700 = tpu.vector_load_idx %arg6[%add3A_576, %broadcast_in_dim3A_681] : memref<3200x16xf32, #tpu.memory_space<vmem>>[vector<16xi32>, vector<16xi32>], vector<16xf32>,
        %add3A_701 = arith.constant 4 : i32
        %add3A_702 = arith.addi %mul3A_578, %add3A_701 : i32
        %swap3A_703 = arith.index_cast %add3A_702 : i32 to index
        %swap3A_704 = arith.constant 48 : index
        %swap3A_705 = tpu.vector_load %arg7[%swap3A_703, %swap3A_704] {strides = array<i32>} : memref<400x64xf32, #tpu.memory_space<vmem>>, vector<16xf32>,
        tpu.vector_store %arg7[%swap3A_703, %swap3A_704], %gather3A_700 {strides = array<i32>} : memref<400x64xf32, #tpu.memory_space<vmem>>, vector<16xf32>,
        %broadcast_in_dim3A_706 = arith.constant 5 : i32
        %broadcast_in_dim3A_707 = vector.broadcast %broadcast_in_dim3A_706 : i32 to vector<16xi32>
        %gather3A_708 = tpu.vector_load_idx %arg6[%add3A_564, %broadcast_in_dim3A_707] : memref<3200x16xf32, #tpu.memory_space<vmem>>[vector<16xi32>, vector<16xi32>], vector<16xf32>,
        %add3A_709 = arith.constant 5 : i32
        %add3A_710 = arith.addi %mul3A_578, %add3A_709 : i32
        %swap3A_711 = arith.index_cast %add3A_710 : i32 to index
        %swap3A_712 = arith.constant 0 : index
        %swap3A_713 = tpu.vector_load %arg7[%swap3A_711, %swap3A_712] {strides = array<i32>} : memref<400x64xf32, #tpu.memory_space<vmem>>, vector<16xf32>,
        tpu.vector_store %arg7[%swap3A_711, %swap3A_712], %gather3A_708 {strides = array<i32>} : memref<400x64xf32, #tpu.memory_space<vmem>>, vector<16xf32>,
        %gather3A_714 = tpu.vector_load_idx %arg6[%add3A_568, %broadcast_in_dim3A_707] : memref<3200x16xf32, #tpu.memory_space<vmem>>[vector<16xi32>, vector<16xi32>], vector<16xf32>,
        %add3A_715 = arith.constant 5 : i32
        %add3A_716 = arith.addi %mul3A_578, %add3A_715 : i32
        %swap3A_717 = arith.index_cast %add3A_716 : i32 to index
        %swap3A_718 = arith.constant 16 : index
        %swap3A_719 = tpu.vector_load %arg7[%swap3A_717, %swap3A_718] {strides = array<i32>} : memref<400x64xf32, #tpu.memory_space<vmem>>, vector<16xf32>,
        tpu.vector_store %arg7[%swap3A_717, %swap3A_718], %gather3A_714 {strides = array<i32>} : memref<400x64xf32, #tpu.memory_space<vmem>>, vector<16xf32>,
        %gather3A_720 = tpu.vector_load_idx %arg6[%add3A_572, %broadcast_in_dim3A_707] : memref<3200x16xf32, #tpu.memory_space<vmem>>[vector<16xi32>, vector<16xi32>], vector<16xf32>,
        %add3A_721 = arith.constant 5 : i32
        %add3A_722 = arith.addi %mul3A_578, %add3A_721 : i32
        %swap3A_723 = arith.index_cast %add3A_722 : i32 to index
        %swap3A_724 = arith.constant 32 : index
        %swap3A_725 = tpu.vector_load %arg7[%swap3A_723, %swap3A_724] {strides = array<i32>} : memref<400x64xf32, #tpu.memory_space<vmem>>, vector<16xf32>,
        tpu.vector_store %arg7[%swap3A_723, %swap3A_724], %gather3A_720 {strides = array<i32>} : memref<400x64xf32, #tpu.memory_space<vmem>>, vector<16xf32>,
        %gather3A_726 = tpu.vector_load_idx %arg6[%add3A_576, %broadcast_in_dim3A_707] : memref<3200x16xf32, #tpu.memory_space<vmem>>[vector<16xi32>, vector<16xi32>], vector<16xf32>,
        %add3A_727 = arith.constant 5 : i32
        %add3A_728 = arith.addi %mul3A_578, %add3A_727 : i32
        %swap3A_729 = arith.index_cast %add3A_728 : i32 to index
        %swap3A_730 = arith.constant 48 : index
        %swap3A_731 = tpu.vector_load %arg7[%swap3A_729, %swap3A_730] {strides = array<i32>} : memref<400x64xf32, #tpu.memory_space<vmem>>, vector<16xf32>,
        tpu.vector_store %arg7[%swap3A_729, %swap3A_730], %gather3A_726 {strides = array<i32>} : memref<400x64xf32, #tpu.memory_space<vmem>>, vector<16xf32>,
        %broadcast_in_dim3A_732 = arith.constant 6 : i32
        %broadcast_in_dim3A_733 = vector.broadcast %broadcast_in_dim3A_732 : i32 to vector<16xi32>
        %gather3A_734 = tpu.vector_load_idx %arg6[%add3A_564, %broadcast_in_dim3A_733] : memref<3200x16xf32, #tpu.memory_space<vmem>>[vector<16xi32>, vector<16xi32>], vector<16xf32>,
        %add3A_735 = arith.constant 6 : i32
        %add3A_736 = arith.addi %mul3A_578, %add3A_735 : i32
        %swap3A_737 = arith.index_cast %add3A_736 : i32 to index
        %swap3A_738 = arith.constant 0 : index
        %swap3A_739 = tpu.vector_load %arg7[%swap3A_737, %swap3A_738] {strides = array<i32>} : memref<400x64xf32, #tpu.memory_space<vmem>>, vector<16xf32>,
        tpu.vector_store %arg7[%swap3A_737, %swap3A_738], %gather3A_734 {strides = array<i32>} : memref<400x64xf32, #tpu.memory_space<vmem>>, vector<16xf32>,
        %gather3A_740 = tpu.vector_load_idx %arg6[%add3A_568, %broadcast_in_dim3A_733] : memref<3200x16xf32, #tpu.memory_space<vmem>>[vector<16xi32>, vector<16xi32>], vector<16xf32>,
        %add3A_741 = arith.constant 6 : i32
        %add3A_742 = arith.addi %mul3A_578, %add3A_741 : i32
        %swap3A_743 = arith.index_cast %add3A_742 : i32 to index
        %swap3A_744 = arith.constant 16 : index
        %swap3A_745 = tpu.vector_load %arg7[%swap3A_743, %swap3A_744] {strides = array<i32>} : memref<400x64xf32, #tpu.memory_space<vmem>>, vector<16xf32>,
        tpu.vector_store %arg7[%swap3A_743, %swap3A_744], %gather3A_740 {strides = array<i32>} : memref<400x64xf32, #tpu.memory_space<vmem>>, vector<16xf32>,
        %gather3A_746 = tpu.vector_load_idx %arg6[%add3A_572, %broadcast_in_dim3A_733] : memref<3200x16xf32, #tpu.memory_space<vmem>>[vector<16xi32>, vector<16xi32>], vector<16xf32>,
        %add3A_747 = arith.constant 6 : i32
        %add3A_748 = arith.addi %mul3A_578, %add3A_747 : i32
        %swap3A_749 = arith.index_cast %add3A_748 : i32 to index
        %swap3A_750 = arith.constant 32 : index
        %swap3A_751 = tpu.vector_load %arg7[%swap3A_749, %swap3A_750] {strides = array<i32>} : memref<400x64xf32, #tpu.memory_space<vmem>>, vector<16xf32>,
        tpu.vector_store %arg7[%swap3A_749, %swap3A_750], %gather3A_746 {strides = array<i32>} : memref<400x64xf32, #tpu.memory_space<vmem>>, vector<16xf32>,
        %gather3A_752 = tpu.vector_load_idx %arg6[%add3A_576, %broadcast_in_dim3A_733] : memref<3200x16xf32, #tpu.memory_space<vmem>>[vector<16xi32>, vector<16xi32>], vector<16xf32>,
        %add3A_753 = arith.constant 6 : i32
        %add3A_754 = arith.addi %mul3A_578, %add3A_753 : i32
        %swap3A_755 = arith.index_cast %add3A_754 : i32 to index
        %swap3A_756 = arith.constant 48 : index
        %swap3A_757 = tpu.vector_load %arg7[%swap3A_755, %swap3A_756] {strides = array<i32>} : memref<400x64xf32, #tpu.memory_space<vmem>>, vector<16xf32>,
        tpu.vector_store %arg7[%swap3A_755, %swap3A_756], %gather3A_752 {strides = array<i32>} : memref<400x64xf32, #tpu.memory_space<vmem>>, vector<16xf32>,
        %broadcast_in_dim3A_758 = arith.constant 7 : i32
        %broadcast_in_dim3A_759 = vector.broadcast %broadcast_in_dim3A_758 : i32 to vector<16xi32>
        %gather3A_760 = tpu.vector_load_idx %arg6[%add3A_564, %broadcast_in_dim3A_759] : memref<3200x16xf32, #tpu.memory_space<vmem>>[vector<16xi32>, vector<16xi32>], vector<16xf32>,
        %add3A_761 = arith.constant 7 : i32
        %add3A_762 = arith.addi %mul3A_578, %add3A_761 : i32
        %swap3A_763 = arith.index_cast %add3A_762 : i32 to index
        %swap3A_764 = arith.constant 0 : index
        %swap3A_765 = tpu.vector_load %arg7[%swap3A_763, %swap3A_764] {strides = array<i32>} : memref<400x64xf32, #tpu.memory_space<vmem>>, vector<16xf32>,
        tpu.vector_store %arg7[%swap3A_763, %swap3A_764], %gather3A_760 {strides = array<i32>} : memref<400x64xf32, #tpu.memory_space<vmem>>, vector<16xf32>,
        %gather3A_766 = tpu.vector_load_idx %arg6[%add3A_568, %broadcast_in_dim3A_759] : memref<3200x16xf32, #tpu.memory_space<vmem>>[vector<16xi32>, vector<16xi32>], vector<16xf32>,
        %add3A_767 = arith.constant 7 : i32
        %add3A_768 = arith.addi %mul3A_578, %add3A_767 : i32
        %swap3A_769 = arith.index_cast %add3A_768 : i32 to index
        %swap3A_770 = arith.constant 16 : index
        %swap3A_771 = tpu.vector_load %arg7[%swap3A_769, %swap3A_770] {strides = array<i32>} : memref<400x64xf32, #tpu.memory_space<vmem>>, vector<16xf32>,
        tpu.vector_store %arg7[%swap3A_769, %swap3A_770], %gather3A_766 {strides = array<i32>} : memref<400x64xf32, #tpu.memory_space<vmem>>, vector<16xf32>,
        %gather3A_772 = tpu.vector_load_idx %arg6[%add3A_572, %broadcast_in_dim3A_759] : memref<3200x16xf32, #tpu.memory_space<vmem>>[vector<16xi32>, vector<16xi32>], vector<16xf32>,
        %add3A_773 = arith.constant 7 : i32
        %add3A_774 = arith.addi %mul3A_578, %add3A_773 : i32
        %swap3A_775 = arith.index_cast %add3A_774 : i32 to index
        %swap3A_776 = arith.constant 32 : index
        %swap3A_777 = tpu.vector_load %arg7[%swap3A_775, %swap3A_776] {strides = array<i32>} : memref<400x64xf32, #tpu.memory_space<vmem>>, vector<16xf32>,
        tpu.vector_store %arg7[%swap3A_775, %swap3A_776], %gather3A_772 {strides = array<i32>} : memref<400x64xf32, #tpu.memory_space<vmem>>, vector<16xf32>,
        %gather3A_778 = tpu.vector_load_idx %arg6[%add3A_576, %broadcast_in_dim3A_759] : memref<3200x16xf32, #tpu.memory_space<vmem>>[vector<16xi32>, vector<16xi32>], vector<16xf32>,
        %add3A_779 = arith.constant 7 : i32
        %add3A_780 = arith.addi %mul3A_578, %add3A_779 : i32
        %swap3A_781 = arith.index_cast %add3A_780 : i32 to index
        %swap3A_782 = arith.constant 48 : index
        %swap3A_783 = tpu.vector_load %arg7[%swap3A_781, %swap3A_782] {strides = array<i32>} : memref<400x64xf32, #tpu.memory_space<vmem>>, vector<16xf32>,
        tpu.vector_store %arg7[%swap3A_781, %swap3A_782], %gather3A_778 {strides = array<i32>} : memref<400x64xf32, #tpu.memory_space<vmem>>, vector<16xf32>,
        %broadcast_in_dim3A_784 = arith.constant 8 : i32
        %broadcast_in_dim3A_785 = vector.broadcast %broadcast_in_dim3A_784 : i32 to vector<16xi32>
        %gather3A_786 = tpu.vector_load_idx %arg6[%add3A_564, %broadcast_in_dim3A_785] : memref<3200x16xf32, #tpu.memory_space<vmem>>[vector<16xi32>, vector<16xi32>], vector<16xf32>,
        %add3A_787 = arith.constant 8 : i32
        %add3A_788 = arith.addi %mul3A_578, %add3A_787 : i32
        %swap3A_789 = arith.index_cast %add3A_788 : i32 to index
        %swap3A_790 = arith.constant 0 : index
        %swap3A_791 = tpu.vector_load %arg7[%swap3A_789, %swap3A_790] {strides = array<i32>} : memref<400x64xf32, #tpu.memory_space<vmem>>, vector<16xf32>,
        tpu.vector_store %arg7[%swap3A_789, %swap3A_790], %gather3A_786 {strides = array<i32>} : memref<400x64xf32, #tpu.memory_space<vmem>>, vector<16xf32>,
        %gather3A_792 = tpu.vector_load_idx %arg6[%add3A_568, %broadcast_in_dim3A_785] : memref<3200x16xf32, #tpu.memory_space<vmem>>[vector<16xi32>, vector<16xi32>], vector<16xf32>,
        %add3A_793 = arith.constant 8 : i32
        %add3A_794 = arith.addi %mul3A_578, %add3A_793 : i32
        %swap3A_795 = arith.index_cast %add3A_794 : i32 to index
        %swap3A_796 = arith.constant 16 : index
        %swap3A_797 = tpu.vector_load %arg7[%swap3A_795, %swap3A_796] {strides = array<i32>} : memref<400x64xf32, #tpu.memory_space<vmem>>, vector<16xf32>,
        tpu.vector_store %arg7[%swap3A_795, %swap3A_796], %gather3A_792 {strides = array<i32>} : memref<400x64xf32, #tpu.memory_space<vmem>>, vector<16xf32>,
        %gather3A_798 = tpu.vector_load_idx %arg6[%add3A_572, %broadcast_in_dim3A_785] : memref<3200x16xf32, #tpu.memory_space<vmem>>[vector<16xi32>, vector<16xi32>], vector<16xf32>,
        %add3A_799 = arith.constant 8 : i32
        %add3A_800 = arith.addi %mul3A_578, %add3A_799 : i32
        %swap3A_801 = arith.index_cast %add3A_800 : i32 to index
        %swap3A_802 = arith.constant 32 : index
        %swap3A_803 = tpu.vector_load %arg7[%swap3A_801, %swap3A_802] {strides = array<i32>} : memref<400x64xf32, #tpu.memory_space<vmem>>, vector<16xf32>,
        tpu.vector_store %arg7[%swap3A_801, %swap3A_802], %gather3A_798 {strides = array<i32>} : memref<400x64xf32, #tpu.memory_space<vmem>>, vector<16xf32>,
        %gather3A_804 = tpu.vector_load_idx %arg6[%add3A_576, %broadcast_in_dim3A_785] : memref<3200x16xf32, #tpu.memory_space<vmem>>[vector<16xi32>, vector<16xi32>], vector<16xf32>,
        %add3A_805 = arith.constant 8 : i32
        %add3A_806 = arith.addi %mul3A_578, %add3A_805 : i32
        %swap3A_807 = arith.index_cast %add3A_806 : i32 to index
        %swap3A_808 = arith.constant 48 : index
        %swap3A_809 = tpu.vector_load %arg7[%swap3A_807, %swap3A_808] {strides = array<i32>} : memref<400x64xf32, #tpu.memory_space<vmem>>, vector<16xf32>,
        tpu.vector_store %arg7[%swap3A_807, %swap3A_808], %gather3A_804 {strides = array<i32>} : memref<400x64xf32, #tpu.memory_space<vmem>>, vector<16xf32>,
        %broadcast_in_dim3A_810 = arith.constant 9 : i32
        %broadcast_in_dim3A_811 = vector.broadcast %broadcast_in_dim3A_810 : i32 to vector<16xi32>
        %gather3A_812 = tpu.vector_load_idx %arg6[%add3A_564, %broadcast_in_dim3A_811] : memref<3200x16xf32, #tpu.memory_space<vmem>>[vector<16xi32>, vector<16xi32>], vector<16xf32>,
        %add3A_813 = arith.constant 9 : i32
        %add3A_814 = arith.addi %mul3A_578, %add3A_813 : i32
        %swap3A_815 = arith.index_cast %add3A_814 : i32 to index
        %swap3A_816 = arith.constant 0 : index
        %swap3A_817 = tpu.vector_load %arg7[%swap3A_815, %swap3A_816] {strides = array<i32>} : memref<400x64xf32, #tpu.memory_space<vmem>>, vector<16xf32>,
        tpu.vector_store %arg7[%swap3A_815, %swap3A_816], %gather3A_812 {strides = array<i32>} : memref<400x64xf32, #tpu.memory_space<vmem>>, vector<16xf32>,
        %gather3A_818 = tpu.vector_load_idx %arg6[%add3A_568, %broadcast_in_dim3A_811] : memref<3200x16xf32, #tpu.memory_space<vmem>>[vector<16xi32>, vector<16xi32>], vector<16xf32>,
        %add3A_819 = arith.constant 9 : i32
        %add3A_820 = arith.addi %mul3A_578, %add3A_819 : i32
        %swap3A_821 = arith.index_cast %add3A_820 : i32 to index
        %swap3A_822 = arith.constant 16 : index
        %swap3A_823 = tpu.vector_load %arg7[%swap3A_821, %swap3A_822] {strides = array<i32>} : memref<400x64xf32, #tpu.memory_space<vmem>>, vector<16xf32>,
        tpu.vector_store %arg7[%swap3A_821, %swap3A_822], %gather3A_818 {strides = array<i32>} : memref<400x64xf32, #tpu.memory_space<vmem>>, vector<16xf32>,
        %gather3A_824 = tpu.vector_load_idx %arg6[%add3A_572, %broadcast_in_dim3A_811] : memref<3200x16xf32, #tpu.memory_space<vmem>>[vector<16xi32>, vector<16xi32>], vector<16xf32>,
        %add3A_825 = arith.constant 9 : i32
        %add3A_826 = arith.addi %mul3A_578, %add3A_825 : i32
        %swap3A_827 = arith.index_cast %add3A_826 : i32 to index
        %swap3A_828 = arith.constant 32 : index
        %swap3A_829 = tpu.vector_load %arg7[%swap3A_827, %swap3A_828] {strides = array<i32>} : memref<400x64xf32, #tpu.memory_space<vmem>>, vector<16xf32>,
        tpu.vector_store %arg7[%swap3A_827, %swap3A_828], %gather3A_824 {strides = array<i32>} : memref<400x64xf32, #tpu.memory_space<vmem>>, vector<16xf32>,
        %gather3A_830 = tpu.vector_load_idx %arg6[%add3A_576, %broadcast_in_dim3A_811] : memref<3200x16xf32, #tpu.memory_space<vmem>>[vector<16xi32>, vector<16xi32>], vector<16xf32>,
        %add3A_831 = arith.constant 9 : i32
        %add3A_832 = arith.addi %mul3A_578, %add3A_831 : i32
        %swap3A_833 = arith.index_cast %add3A_832 : i32 to index
        %swap3A_834 = arith.constant 48 : index
        %swap3A_835 = tpu.vector_load %arg7[%swap3A_833, %swap3A_834] {strides = array<i32>} : memref<400x64xf32, #tpu.memory_space<vmem>>, vector<16xf32>,
        tpu.vector_store %arg7[%swap3A_833, %swap3A_834], %gather3A_830 {strides = array<i32>} : memref<400x64xf32, #tpu.memory_space<vmem>>, vector<16xf32>,
        %broadcast_in_dim3A_836 = arith.constant 10 : i32
        %broadcast_in_dim3A_837 = vector.broadcast %broadcast_in_dim3A_836 : i32 to vector<16xi32>
        %gather3A_838 = tpu.vector_load_idx %arg6[%add3A_564, %broadcast_in_dim3A_837] : memref<3200x16xf32, #tpu.memory_space<vmem>>[vector<16xi32>, vector<16xi32>], vector<16xf32>,
        %add3A_839 = arith.constant 10 : i32
        %add3A_840 = arith.addi %mul3A_578, %add3A_839 : i32
        %swap3A_841 = arith.index_cast %add3A_840 : i32 to index
        %swap3A_842 = arith.constant 0 : index
        %swap3A_843 = tpu.vector_load %arg7[%swap3A_841, %swap3A_842] {strides = array<i32>} : memref<400x64xf32, #tpu.memory_space<vmem>>, vector<16xf32>,
        tpu.vector_store %arg7[%swap3A_841, %swap3A_842], %gather3A_838 {strides = array<i32>} : memref<400x64xf32, #tpu.memory_space<vmem>>, vector<16xf32>,
        %gather3A_844 = tpu.vector_load_idx %arg6[%add3A_568, %broadcast_in_dim3A_837] : memref<3200x16xf32, #tpu.memory_space<vmem>>[vector<16xi32>, vector<16xi32>], vector<16xf32>,
        %add3A_845 = arith.constant 10 : i32
        %add3A_846 = arith.addi %mul3A_578, %add3A_845 : i32
        %swap3A_847 = arith.index_cast %add3A_846 : i32 to index
        %swap3A_848 = arith.constant 16 : index
        %swap3A_849 = tpu.vector_load %arg7[%swap3A_847, %swap3A_848] {strides = array<i32>} : memref<400x64xf32, #tpu.memory_space<vmem>>, vector<16xf32>,
        tpu.vector_store %arg7[%swap3A_847, %swap3A_848], %gather3A_844 {strides = array<i32>} : memref<400x64xf32, #tpu.memory_space<vmem>>, vector<16xf32>,
        %gather3A_850 = tpu.vector_load_idx %arg6[%add3A_572, %broadcast_in_dim3A_837] : memref<3200x16xf32, #tpu.memory_space<vmem>>[vector<16xi32>, vector<16xi32>], vector<16xf32>,
        %add3A_851 = arith.constant 10 : i32
        %add3A_852 = arith.addi %mul3A_578, %add3A_851 : i32
        %swap3A_853 = arith.index_cast %add3A_852 : i32 to index
        %swap3A_854 = arith.constant 32 : index
        %swap3A_855 = tpu.vector_load %arg7[%swap3A_853, %swap3A_854] {strides = array<i32>} : memref<400x64xf32, #tpu.memory_space<vmem>>, vector<16xf32>,
        tpu.vector_store %arg7[%swap3A_853, %swap3A_854], %gather3A_850 {strides = array<i32>} : memref<400x64xf32, #tpu.memory_space<vmem>>, vector<16xf32>,
        %gather3A_856 = tpu.vector_load_idx %arg6[%add3A_576, %broadcast_in_dim3A_837] : memref<3200x16xf32, #tpu.memory_space<vmem>>[vector<16xi32>, vector<16xi32>], vector<16xf32>,
        %add3A_857 = arith.constant 10 : i32
        %add3A_858 = arith.addi %mul3A_578, %add3A_857 : i32
        %swap3A_859 = arith.index_cast %add3A_858 : i32 to index
        %swap3A_860 = arith.constant 48 : index
        %swap3A_861 = tpu.vector_load %arg7[%swap3A_859, %swap3A_860] {strides = array<i32>} : memref<400x64xf32, #tpu.memory_space<vmem>>, vector<16xf32>,
        tpu.vector_store %arg7[%swap3A_859, %swap3A_860], %gather3A_856 {strides = array<i32>} : memref<400x64xf32, #tpu.memory_space<vmem>>, vector<16xf32>,
        %broadcast_in_dim3A_862 = arith.constant 11 : i32
        %broadcast_in_dim3A_863 = vector.broadcast %broadcast_in_dim3A_862 : i32 to vector<16xi32>
        %gather3A_864 = tpu.vector_load_idx %arg6[%add3A_564, %broadcast_in_dim3A_863] : memref<3200x16xf32, #tpu.memory_space<vmem>>[vector<16xi32>, vector<16xi32>], vector<16xf32>,
        %add3A_865 = arith.constant 11 : i32
        %add3A_866 = arith.addi %mul3A_578, %add3A_865 : i32
        %swap3A_867 = arith.index_cast %add3A_866 : i32 to index
        %swap3A_868 = arith.constant 0 : index
        %swap3A_869 = tpu.vector_load %arg7[%swap3A_867, %swap3A_868] {strides = array<i32>} : memref<400x64xf32, #tpu.memory_space<vmem>>, vector<16xf32>,
        tpu.vector_store %arg7[%swap3A_867, %swap3A_868], %gather3A_864 {strides = array<i32>} : memref<400x64xf32, #tpu.memory_space<vmem>>, vector<16xf32>,
        %gather3A_870 = tpu.vector_load_idx %arg6[%add3A_568, %broadcast_in_dim3A_863] : memref<3200x16xf32, #tpu.memory_space<vmem>>[vector<16xi32>, vector<16xi32>], vector<16xf32>,
        %add3A_871 = arith.constant 11 : i32
        %add3A_872 = arith.addi %mul3A_578, %add3A_871 : i32
        %swap3A_873 = arith.index_cast %add3A_872 : i32 to index
        %swap3A_874 = arith.constant 16 : index
        %swap3A_875 = tpu.vector_load %arg7[%swap3A_873, %swap3A_874] {strides = array<i32>} : memref<400x64xf32, #tpu.memory_space<vmem>>, vector<16xf32>,
        tpu.vector_store %arg7[%swap3A_873, %swap3A_874], %gather3A_870 {strides = array<i32>} : memref<400x64xf32, #tpu.memory_space<vmem>>, vector<16xf32>,
        %gather3A_876 = tpu.vector_load_idx %arg6[%add3A_572, %broadcast_in_dim3A_863] : memref<3200x16xf32, #tpu.memory_space<vmem>>[vector<16xi32>, vector<16xi32>], vector<16xf32>,
        %add3A_877 = arith.constant 11 : i32
        %add3A_878 = arith.addi %mul3A_578, %add3A_877 : i32
        %swap3A_879 = arith.index_cast %add3A_878 : i32 to index
        %swap3A_880 = arith.constant 32 : index
        %swap3A_881 = tpu.vector_load %arg7[%swap3A_879, %swap3A_880] {strides = array<i32>} : memref<400x64xf32, #tpu.memory_space<vmem>>, vector<16xf32>,
        tpu.vector_store %arg7[%swap3A_879, %swap3A_880], %gather3A_876 {strides = array<i32>} : memref<400x64xf32, #tpu.memory_space<vmem>>, vector<16xf32>,
        %gather3A_882 = tpu.vector_load_idx %arg6[%add3A_576, %broadcast_in_dim3A_863] : memref<3200x16xf32, #tpu.memory_space<vmem>>[vector<16xi32>, vector<16xi32>], vector<16xf32>,
        %add3A_883 = arith.constant 11 : i32
        %add3A_884 = arith.addi %mul3A_578, %add3A_883 : i32
        %swap3A_885 = arith.index_cast %add3A_884 : i32 to index
        %swap3A_886 = arith.constant 48 : index
        %swap3A_887 = tpu.vector_load %arg7[%swap3A_885, %swap3A_886] {strides = array<i32>} : memref<400x64xf32, #tpu.memory_space<vmem>>, vector<16xf32>,
        tpu.vector_store %arg7[%swap3A_885, %swap3A_886], %gather3A_882 {strides = array<i32>} : memref<400x64xf32, #tpu.memory_space<vmem>>, vector<16xf32>,
        %broadcast_in_dim3A_888 = arith.constant 12 : i32
        %broadcast_in_dim3A_889 = vector.broadcast %broadcast_in_dim3A_888 : i32 to vector<16xi32>
        %gather3A_890 = tpu.vector_load_idx %arg6[%add3A_564, %broadcast_in_dim3A_889] : memref<3200x16xf32, #tpu.memory_space<vmem>>[vector<16xi32>, vector<16xi32>], vector<16xf32>,
        %add3A_891 = arith.constant 12 : i32
        %add3A_892 = arith.addi %mul3A_578, %add3A_891 : i32
        %swap3A_893 = arith.index_cast %add3A_892 : i32 to index
        %swap3A_894 = arith.constant 0 : index
        %swap3A_895 = tpu.vector_load %arg7[%swap3A_893, %swap3A_894] {strides = array<i32>} : memref<400x64xf32, #tpu.memory_space<vmem>>, vector<16xf32>,
        tpu.vector_store %arg7[%swap3A_893, %swap3A_894], %gather3A_890 {strides = array<i32>} : memref<400x64xf32, #tpu.memory_space<vmem>>, vector<16xf32>,
        %gather3A_896 = tpu.vector_load_idx %arg6[%add3A_568, %broadcast_in_dim3A_889] : memref<3200x16xf32, #tpu.memory_space<vmem>>[vector<16xi32>, vector<16xi32>], vector<16xf32>,
        %add3A_897 = arith.constant 12 : i32
        %add3A_898 = arith.addi %mul3A_578, %add3A_897 : i32
        %swap3A_899 = arith.index_cast %add3A_898 : i32 to index
        %swap3A_900 = arith.constant 16 : index
        %swap3A_901 = tpu.vector_load %arg7[%swap3A_899, %swap3A_900] {strides = array<i32>} : memref<400x64xf32, #tpu.memory_space<vmem>>, vector<16xf32>,
        tpu.vector_store %arg7[%swap3A_899, %swap3A_900], %gather3A_896 {strides = array<i32>} : memref<400x64xf32, #tpu.memory_space<vmem>>, vector<16xf32>,
        %gather3A_902 = tpu.vector_load_idx %arg6[%add3A_572, %broadcast_in_dim3A_889] : memref<3200x16xf32, #tpu.memory_space<vmem>>[vector<16xi32>, vector<16xi32>], vector<16xf32>,
        %add3A_903 = arith.constant 12 : i32
        %add3A_904 = arith.addi %mul3A_578, %add3A_903 : i32
        %swap3A_905 = arith.index_cast %add3A_904 : i32 to index
        %swap3A_906 = arith.constant 32 : index
        %swap3A_907 = tpu.vector_load %arg7[%swap3A_905, %swap3A_906] {strides = array<i32>} : memref<400x64xf32, #tpu.memory_space<vmem>>, vector<16xf32>,
        tpu.vector_store %arg7[%swap3A_905, %swap3A_906], %gather3A_902 {strides = array<i32>} : memref<400x64xf32, #tpu.memory_space<vmem>>, vector<16xf32>,
        %gather3A_908 = tpu.vector_load_idx %arg6[%add3A_576, %broadcast_in_dim3A_889] : memref<3200x16xf32, #tpu.memory_space<vmem>>[vector<16xi32>, vector<16xi32>], vector<16xf32>,
        %add3A_909 = arith.constant 12 : i32
        %add3A_910 = arith.addi %mul3A_578, %add3A_909 : i32
        %swap3A_911 = arith.index_cast %add3A_910 : i32 to index
        %swap3A_912 = arith.constant 48 : index
        %swap3A_913 = tpu.vector_load %arg7[%swap3A_911, %swap3A_912] {strides = array<i32>} : memref<400x64xf32, #tpu.memory_space<vmem>>, vector<16xf32>,
        tpu.vector_store %arg7[%swap3A_911, %swap3A_912], %gather3A_908 {strides = array<i32>} : memref<400x64xf32, #tpu.memory_space<vmem>>, vector<16xf32>,
        %broadcast_in_dim3A_914 = arith.constant 13 : i32
        %broadcast_in_dim3A_915 = vector.broadcast %broadcast_in_dim3A_914 : i32 to vector<16xi32>
        %gather3A_916 = tpu.vector_load_idx %arg6[%add3A_564, %broadcast_in_dim3A_915] : memref<3200x16xf32, #tpu.memory_space<vmem>>[vector<16xi32>, vector<16xi32>], vector<16xf32>,
        %add3A_917 = arith.constant 13 : i32
        %add3A_918 = arith.addi %mul3A_578, %add3A_917 : i32
        %swap3A_919 = arith.index_cast %add3A_918 : i32 to index
        %swap3A_920 = arith.constant 0 : index
        %swap3A_921 = tpu.vector_load %arg7[%swap3A_919, %swap3A_920] {strides = array<i32>} : memref<400x64xf32, #tpu.memory_space<vmem>>, vector<16xf32>,
        tpu.vector_store %arg7[%swap3A_919, %swap3A_920], %gather3A_916 {strides = array<i32>} : memref<400x64xf32, #tpu.memory_space<vmem>>, vector<16xf32>,
        %gather3A_922 = tpu.vector_load_idx %arg6[%add3A_568, %broadcast_in_dim3A_915] : memref<3200x16xf32, #tpu.memory_space<vmem>>[vector<16xi32>, vector<16xi32>], vector<16xf32>,
        %add3A_923 = arith.constant 13 : i32
        %add3A_924 = arith.addi %mul3A_578, %add3A_923 : i32
        %swap3A_925 = arith.index_cast %add3A_924 : i32 to index
        %swap3A_926 = arith.constant 16 : index
        %swap3A_927 = tpu.vector_load %arg7[%swap3A_925, %swap3A_926] {strides = array<i32>} : memref<400x64xf32, #tpu.memory_space<vmem>>, vector<16xf32>,
        tpu.vector_store %arg7[%swap3A_925, %swap3A_926], %gather3A_922 {strides = array<i32>} : memref<400x64xf32, #tpu.memory_space<vmem>>, vector<16xf32>,
        %gather3A_928 = tpu.vector_load_idx %arg6[%add3A_572, %broadcast_in_dim3A_915] : memref<3200x16xf32, #tpu.memory_space<vmem>>[vector<16xi32>, vector<16xi32>], vector<16xf32>,
        %add3A_929 = arith.constant 13 : i32
        %add3A_930 = arith.addi %mul3A_578, %add3A_929 : i32
        %swap3A_931 = arith.index_cast %add3A_930 : i32 to index
        %swap3A_932 = arith.constant 32 : index
        %swap3A_933 = tpu.vector_load %arg7[%swap3A_931, %swap3A_932] {strides = array<i32>} : memref<400x64xf32, #tpu.memory_space<vmem>>, vector<16xf32>,
        tpu.vector_store %arg7[%swap3A_931, %swap3A_932], %gather3A_928 {strides = array<i32>} : memref<400x64xf32, #tpu.memory_space<vmem>>, vector<16xf32>,
        %gather3A_934 = tpu.vector_load_idx %arg6[%add3A_576, %broadcast_in_dim3A_915] : memref<3200x16xf32, #tpu.memory_space<vmem>>[vector<16xi32>, vector<16xi32>], vector<16xf32>,
        %add3A_935 = arith.constant 13 : i32
        %add3A_936 = arith.addi %mul3A_578, %add3A_935 : i32
        %swap3A_937 = arith.index_cast %add3A_936 : i32 to index
        %swap3A_938 = arith.constant 48 : index
        %swap3A_939 = tpu.vector_load %arg7[%swap3A_937, %swap3A_938] {strides = array<i32>} : memref<400x64xf32, #tpu.memory_space<vmem>>, vector<16xf32>,
        tpu.vector_store %arg7[%swap3A_937, %swap3A_938], %gather3A_934 {strides = array<i32>} : memref<400x64xf32, #tpu.memory_space<vmem>>, vector<16xf32>,
        %broadcast_in_dim3A_940 = arith.constant 14 : i32
        %broadcast_in_dim3A_941 = vector.broadcast %broadcast_in_dim3A_940 : i32 to vector<16xi32>
        %gather3A_942 = tpu.vector_load_idx %arg6[%add3A_564, %broadcast_in_dim3A_941] : memref<3200x16xf32, #tpu.memory_space<vmem>>[vector<16xi32>, vector<16xi32>], vector<16xf32>,
        %add3A_943 = arith.constant 14 : i32
        %add3A_944 = arith.addi %mul3A_578, %add3A_943 : i32
        %swap3A_945 = arith.index_cast %add3A_944 : i32 to index
        %swap3A_946 = arith.constant 0 : index
        %swap3A_947 = tpu.vector_load %arg7[%swap3A_945, %swap3A_946] {strides = array<i32>} : memref<400x64xf32, #tpu.memory_space<vmem>>, vector<16xf32>,
        tpu.vector_store %arg7[%swap3A_945, %swap3A_946], %gather3A_942 {strides = array<i32>} : memref<400x64xf32, #tpu.memory_space<vmem>>, vector<16xf32>,
        %gather3A_948 = tpu.vector_load_idx %arg6[%add3A_568, %broadcast_in_dim3A_941] : memref<3200x16xf32, #tpu.memory_space<vmem>>[vector<16xi32>, vector<16xi32>], vector<16xf32>,
        %add3A_949 = arith.constant 14 : i32
        %add3A_950 = arith.addi %mul3A_578, %add3A_949 : i32
        %swap3A_951 = arith.index_cast %add3A_950 : i32 to index
        %swap3A_952 = arith.constant 16 : index
        %swap3A_953 = tpu.vector_load %arg7[%swap3A_951, %swap3A_952] {strides = array<i32>} : memref<400x64xf32, #tpu.memory_space<vmem>>, vector<16xf32>,
        tpu.vector_store %arg7[%swap3A_951, %swap3A_952], %gather3A_948 {strides = array<i32>} : memref<400x64xf32, #tpu.memory_space<vmem>>, vector<16xf32>,
        %gather3A_954 = tpu.vector_load_idx %arg6[%add3A_572, %broadcast_in_dim3A_941] : memref<3200x16xf32, #tpu.memory_space<vmem>>[vector<16xi32>, vector<16xi32>], vector<16xf32>,
        %add3A_955 = arith.constant 14 : i32
        %add3A_956 = arith.addi %mul3A_578, %add3A_955 : i32
        %swap3A_957 = arith.index_cast %add3A_956 : i32 to index
        %swap3A_958 = arith.constant 32 : index
        %swap3A_959 = tpu.vector_load %arg7[%swap3A_957, %swap3A_958] {strides = array<i32>} : memref<400x64xf32, #tpu.memory_space<vmem>>, vector<16xf32>,
        tpu.vector_store %arg7[%swap3A_957, %swap3A_958], %gather3A_954 {strides = array<i32>} : memref<400x64xf32, #tpu.memory_space<vmem>>, vector<16xf32>,
        %gather3A_960 = tpu.vector_load_idx %arg6[%add3A_576, %broadcast_in_dim3A_941] : memref<3200x16xf32, #tpu.memory_space<vmem>>[vector<16xi32>, vector<16xi32>], vector<16xf32>,
        %add3A_961 = arith.constant 14 : i32
        %add3A_962 = arith.addi %mul3A_578, %add3A_961 : i32
        %swap3A_963 = arith.index_cast %add3A_962 : i32 to index
        %swap3A_964 = arith.constant 48 : index
        %swap3A_965 = tpu.vector_load %arg7[%swap3A_963, %swap3A_964] {strides = array<i32>} : memref<400x64xf32, #tpu.memory_space<vmem>>, vector<16xf32>,
        tpu.vector_store %arg7[%swap3A_963, %swap3A_964], %gather3A_960 {strides = array<i32>} : memref<400x64xf32, #tpu.memory_space<vmem>>, vector<16xf32>,
        %broadcast_in_dim3A_966 = arith.constant 15 : i32
        %broadcast_in_dim3A_967 = vector.broadcast %broadcast_in_dim3A_966 : i32 to vector<16xi32>
        %gather3A_968 = tpu.vector_load_idx %arg6[%add3A_564, %broadcast_in_dim3A_967] : memref<3200x16xf32, #tpu.memory_space<vmem>>[vector<16xi32>, vector<16xi32>], vector<16xf32>,
        %add3A_969 = arith.constant 15 : i32
        %add3A_970 = arith.addi %mul3A_578, %add3A_969 : i32
        %swap3A_971 = arith.index_cast %add3A_970 : i32 to index
        %swap3A_972 = arith.constant 0 : index
        %swap3A_973 = tpu.vector_load %arg7[%swap3A_971, %swap3A_972] {strides = array<i32>} : memref<400x64xf32, #tpu.memory_space<vmem>>, vector<16xf32>,
        tpu.vector_store %arg7[%swap3A_971, %swap3A_972], %gather3A_968 {strides = array<i32>} : memref<400x64xf32, #tpu.memory_space<vmem>>, vector<16xf32>,
        %gather3A_974 = tpu.vector_load_idx %arg6[%add3A_568, %broadcast_in_dim3A_967] : memref<3200x16xf32, #tpu.memory_space<vmem>>[vector<16xi32>, vector<16xi32>], vector<16xf32>,
        %add3A_975 = arith.constant 15 : i32
        %add3A_976 = arith.addi %mul3A_578, %add3A_975 : i32
        %swap3A_977 = arith.index_cast %add3A_976 : i32 to index
        %swap3A_978 = arith.constant 16 : index
        %swap3A_979 = tpu.vector_load %arg7[%swap3A_977, %swap3A_978] {strides = array<i32>} : memref<400x64xf32, #tpu.memory_space<vmem>>, vector<16xf32>,
        tpu.vector_store %arg7[%swap3A_977, %swap3A_978], %gather3A_974 {strides = array<i32>} : memref<400x64xf32, #tpu.memory_space<vmem>>, vector<16xf32>,
        %gather3A_980 = tpu.vector_load_idx %arg6[%add3A_572, %broadcast_in_dim3A_967] : memref<3200x16xf32, #tpu.memory_space<vmem>>[vector<16xi32>, vector<16xi32>], vector<16xf32>,
        %add3A_981 = arith.constant 15 : i32
        %add3A_982 = arith.addi %mul3A_578, %add3A_981 : i32
        %swap3A_983 = arith.index_cast %add3A_982 : i32 to index
        %swap3A_984 = arith.constant 32 : index
        %swap3A_985 = tpu.vector_load %arg7[%swap3A_983, %swap3A_984] {strides = array<i32>} : memref<400x64xf32, #tpu.memory_space<vmem>>, vector<16xf32>,
        tpu.vector_store %arg7[%swap3A_983, %swap3A_984], %gather3A_980 {strides = array<i32>} : memref<400x64xf32, #tpu.memory_space<vmem>>, vector<16xf32>,
        %gather3A_986 = tpu.vector_load_idx %arg6[%add3A_576, %broadcast_in_dim3A_967] : memref<3200x16xf32, #tpu.memory_space<vmem>>[vector<16xi32>, vector<16xi32>], vector<16xf32>,
        %add3A_987 = arith.constant 15 : i32
        %add3A_988 = arith.addi %mul3A_578, %add3A_987 : i32
        %swap3A_989 = arith.index_cast %add3A_988 : i32 to index
        %swap3A_990 = arith.constant 48 : index
        %swap3A_991 = tpu.vector_load %arg7[%swap3A_989, %swap3A_990] {strides = array<i32>} : memref<400x64xf32, #tpu.memory_space<vmem>>, vector<16xf32>,
        tpu.vector_store %arg7[%swap3A_989, %swap3A_990], %gather3A_986 {strides = array<i32>} : memref<400x64xf32, #tpu.memory_space<vmem>>, vector<16xf32>,
        %scan3A_992 = arith.constant 0 : i32
        scf.yield %scan3A_992 : i32
      }
      %scan3A_536 = arith.constant 25 : i32
      %gt3A = arith.constant 0 : i32
      %gt3A_537 = arith.cmpi sgt, %scan3A_17, %gt3A : i32
      %convert_element_type3A = arith.extui %gt3A_537 : i1 to i32
      %cond3A = arith.constant 0 : i32
      %cond3A_538 = arith.cmpi ne, %convert_element_type3A, %cond3A : i32
      scf.if %cond3A_538 {
        %dma_wait3A_559 = arith.constant 400 : i32
        %dma_wait3A_560 = tpu.memref_slice %arg4[%dma_wait3A_559, %add3A_529] : memref<800x16384xf32, #tpu.memory_space<hbm>> -> memref<400x64xf32, #tpu.memory_space<hbm>>
        %dma_wait3A_561 = arith.constant 400 : i32
        %dma_wait3A_562 = tpu.memref_slice %arg4[%dma_wait3A_561, %add3A_529] : memref<800x16384xf32, #tpu.memory_space<hbm>> -> memref<400x64xf32, #tpu.memory_space<hbm>>
        tpu.wait_dma2 semaphore(%arg11 : memref<!tpu.dma_semaphore, #tpu.memory_space<semaphore_mem>>) src(%arg8 : memref<400x64xf32, #tpu.memory_space<vmem>>) dst(%dma_wait3A_562 : memref<400x64xf32, #tpu.memory_space<hbm>>)
      } else {
      }
      %dma_start3A_539 = arith.constant 0 : i32
      %dma_start3A_540 = tpu.memref_slice %arg4[%dma_start3A_539, %add3A_529] : memref<800x16384xf32, #tpu.memory_space<hbm>> -> memref<400x64xf32, #tpu.memory_space<hbm>>
      %dma_start3A_541 = arith.constant 0 : i32
      %dma_start3A_542 = tpu.memref_slice %arg4[%dma_start3A_541, %add3A_529] : memref<800x16384xf32, #tpu.memory_space<hbm>> -> memref<400x64xf32, #tpu.memory_space<hbm>>
      tpu.enqueue_dma source(%arg7 : memref<400x64xf32, #tpu.memory_space<vmem>>) target(%dma_start3A_542 : memref<400x64xf32, #tpu.memory_space<hbm>>) target_semaphore(%arg10 : memref<!tpu.dma_semaphore, #tpu.memory_space<semaphore_mem>>)
      %scan3A_543 = arith.constant 0 : i32
      %scan3A_544 = arith.constant 0 : i32
      %scan3A_545 = arith.constant 25 : i32
      %scan3A_546 = arith.addi %scan3A_544, %scan3A_545 : i32
      %scan3A_547 = arith.constant 1 : i32
      %scan3A_548 = scf.for %scan3A_559 = %scan3A_544 to %scan3A_546 step %scan3A_547 iter_args(%scan3A_560 = %scan3A_543) -> (i32)  : i32 {
        %add3A_561 = arith.constant 25 : i32
        %add3A_562 = arith.addi %add3A_561, %scan3A_559 : i32
        %add3A_563 = vector.broadcast %add3A_562 : i32 to vector<16xi32>
        %add3A_564 = arith.addi %mul3A_3, %add3A_563 : vector<16xi32>
        %add3A_565 = arith.constant 825 : i32
        %add3A_566 = arith.addi %add3A_565, %scan3A_559 : i32
        %add3A_567 = vector.broadcast %add3A_566 : i32 to vector<16xi32>
        %add3A_568 = arith.addi %mul3A_3, %add3A_567 : vector<16xi32>
        %add3A_569 = arith.constant 1625 : i32
        %add3A_570 = arith.addi %add3A_569, %scan3A_559 : i32
        %add3A_571 = vector.broadcast %add3A_570 : i32 to vector<16xi32>
        %add3A_572 = arith.addi %mul3A_3, %add3A_571 : vector<16xi32>
        %add3A_573 = arith.constant 2425 : i32
        %add3A_574 = arith.addi %add3A_573, %scan3A_559 : i32
        %add3A_575 = vector.broadcast %add3A_574 : i32 to vector<16xi32>
        %add3A_576 = arith.addi %mul3A_3, %add3A_575 : vector<16xi32>
        %mul3A_577 = arith.constant 16 : i32
        %mul3A_578 = arith.muli %scan3A_559, %mul3A_577 : i32
        %broadcast_in_dim3A = arith.constant 0 : i32
        %broadcast_in_dim3A_579 = vector.broadcast %broadcast_in_dim3A : i32 to vector<16xi32>
        %gather3A = tpu.vector_load_idx %arg6[%add3A_564, %broadcast_in_dim3A_579] : memref<3200x16xf32, #tpu.memory_space<vmem>>[vector<16xi32>, vector<16xi32>], vector<16xf32>,
        %add3A_580 = arith.constant 0 : i32
        %add3A_581 = arith.addi %mul3A_578, %add3A_580 : i32
        %swap3A = arith.index_cast %add3A_581 : i32 to index
        %swap3A_582 = arith.constant 0 : index
        %swap3A_583 = tpu.vector_load %arg8[%swap3A, %swap3A_582] {strides = array<i32>} : memref<400x64xf32, #tpu.memory_space<vmem>>, vector<16xf32>,
        tpu.vector_store %arg8[%swap3A, %swap3A_582], %gather3A {strides = array<i32>} : memref<400x64xf32, #tpu.memory_space<vmem>>, vector<16xf32>,
        %gather3A_584 = tpu.vector_load_idx %arg6[%add3A_568, %broadcast_in_dim3A_579] : memref<3200x16xf32, #tpu.memory_space<vmem>>[vector<16xi32>, vector<16xi32>], vector<16xf32>,
        %add3A_585 = arith.constant 0 : i32
        %add3A_586 = arith.addi %mul3A_578, %add3A_585 : i32
        %swap3A_587 = arith.index_cast %add3A_586 : i32 to index
        %swap3A_588 = arith.constant 16 : index
        %swap3A_589 = tpu.vector_load %arg8[%swap3A_587, %swap3A_588] {strides = array<i32>} : memref<400x64xf32, #tpu.memory_space<vmem>>, vector<16xf32>,
        tpu.vector_store %arg8[%swap3A_587, %swap3A_588], %gather3A_584 {strides = array<i32>} : memref<400x64xf32, #tpu.memory_space<vmem>>, vector<16xf32>,
        %gather3A_590 = tpu.vector_load_idx %arg6[%add3A_572, %broadcast_in_dim3A_579] : memref<3200x16xf32, #tpu.memory_space<vmem>>[vector<16xi32>, vector<16xi32>], vector<16xf32>,
        %add3A_591 = arith.constant 0 : i32
        %add3A_592 = arith.addi %mul3A_578, %add3A_591 : i32
        %swap3A_593 = arith.index_cast %add3A_592 : i32 to index
        %swap3A_594 = arith.constant 32 : index
        %swap3A_595 = tpu.vector_load %arg8[%swap3A_593, %swap3A_594] {strides = array<i32>} : memref<400x64xf32, #tpu.memory_space<vmem>>, vector<16xf32>,
        tpu.vector_store %arg8[%swap3A_593, %swap3A_594], %gather3A_590 {strides = array<i32>} : memref<400x64xf32, #tpu.memory_space<vmem>>, vector<16xf32>,
        %gather3A_596 = tpu.vector_load_idx %arg6[%add3A_576, %broadcast_in_dim3A_579] : memref<3200x16xf32, #tpu.memory_space<vmem>>[vector<16xi32>, vector<16xi32>], vector<16xf32>,
        %add3A_597 = arith.constant 0 : i32
        %add3A_598 = arith.addi %mul3A_578, %add3A_597 : i32
        %swap3A_599 = arith.index_cast %add3A_598 : i32 to index
        %swap3A_600 = arith.constant 48 : index
        %swap3A_601 = tpu.vector_load %arg8[%swap3A_599, %swap3A_600] {strides = array<i32>} : memref<400x64xf32, #tpu.memory_space<vmem>>, vector<16xf32>,
        tpu.vector_store %arg8[%swap3A_599, %swap3A_600], %gather3A_596 {strides = array<i32>} : memref<400x64xf32, #tpu.memory_space<vmem>>, vector<16xf32>,
        %broadcast_in_dim3A_602 = arith.constant 1 : i32
        %broadcast_in_dim3A_603 = vector.broadcast %broadcast_in_dim3A_602 : i32 to vector<16xi32>
        %gather3A_604 = tpu.vector_load_idx %arg6[%add3A_564, %broadcast_in_dim3A_603] : memref<3200x16xf32, #tpu.memory_space<vmem>>[vector<16xi32>, vector<16xi32>], vector<16xf32>,
        %add3A_605 = arith.constant 1 : i32
        %add3A_606 = arith.addi %mul3A_578, %add3A_605 : i32
        %swap3A_607 = arith.index_cast %add3A_606 : i32 to index
        %swap3A_608 = arith.constant 0 : index
        %swap3A_609 = tpu.vector_load %arg8[%swap3A_607, %swap3A_608] {strides = array<i32>} : memref<400x64xf32, #tpu.memory_space<vmem>>, vector<16xf32>,
        tpu.vector_store %arg8[%swap3A_607, %swap3A_608], %gather3A_604 {strides = array<i32>} : memref<400x64xf32, #tpu.memory_space<vmem>>, vector<16xf32>,
        %gather3A_610 = tpu.vector_load_idx %arg6[%add3A_568, %broadcast_in_dim3A_603] : memref<3200x16xf32, #tpu.memory_space<vmem>>[vector<16xi32>, vector<16xi32>], vector<16xf32>,
        %add3A_611 = arith.constant 1 : i32
        %add3A_612 = arith.addi %mul3A_578, %add3A_611 : i32
        %swap3A_613 = arith.index_cast %add3A_612 : i32 to index
        %swap3A_614 = arith.constant 16 : index
        %swap3A_615 = tpu.vector_load %arg8[%swap3A_613, %swap3A_614] {strides = array<i32>} : memref<400x64xf32, #tpu.memory_space<vmem>>, vector<16xf32>,
        tpu.vector_store %arg8[%swap3A_613, %swap3A_614], %gather3A_610 {strides = array<i32>} : memref<400x64xf32, #tpu.memory_space<vmem>>, vector<16xf32>,
        %gather3A_616 = tpu.vector_load_idx %arg6[%add3A_572, %broadcast_in_dim3A_603] : memref<3200x16xf32, #tpu.memory_space<vmem>>[vector<16xi32>, vector<16xi32>], vector<16xf32>,
        %add3A_617 = arith.constant 1 : i32
        %add3A_618 = arith.addi %mul3A_578, %add3A_617 : i32
        %swap3A_619 = arith.index_cast %add3A_618 : i32 to index
        %swap3A_620 = arith.constant 32 : index
        %swap3A_621 = tpu.vector_load %arg8[%swap3A_619, %swap3A_620] {strides = array<i32>} : memref<400x64xf32, #tpu.memory_space<vmem>>, vector<16xf32>,
        tpu.vector_store %arg8[%swap3A_619, %swap3A_620], %gather3A_616 {strides = array<i32>} : memref<400x64xf32, #tpu.memory_space<vmem>>, vector<16xf32>,
        %gather3A_622 = tpu.vector_load_idx %arg6[%add3A_576, %broadcast_in_dim3A_603] : memref<3200x16xf32, #tpu.memory_space<vmem>>[vector<16xi32>, vector<16xi32>], vector<16xf32>,
        %add3A_623 = arith.constant 1 : i32
        %add3A_624 = arith.addi %mul3A_578, %add3A_623 : i32
        %swap3A_625 = arith.index_cast %add3A_624 : i32 to index
        %swap3A_626 = arith.constant 48 : index
        %swap3A_627 = tpu.vector_load %arg8[%swap3A_625, %swap3A_626] {strides = array<i32>} : memref<400x64xf32, #tpu.memory_space<vmem>>, vector<16xf32>,
        tpu.vector_store %arg8[%swap3A_625, %swap3A_626], %gather3A_622 {strides = array<i32>} : memref<400x64xf32, #tpu.memory_space<vmem>>, vector<16xf32>,
        %broadcast_in_dim3A_628 = arith.constant 2 : i32
        %broadcast_in_dim3A_629 = vector.broadcast %broadcast_in_dim3A_628 : i32 to vector<16xi32>
        %gather3A_630 = tpu.vector_load_idx %arg6[%add3A_564, %broadcast_in_dim3A_629] : memref<3200x16xf32, #tpu.memory_space<vmem>>[vector<16xi32>, vector<16xi32>], vector<16xf32>,
        %add3A_631 = arith.constant 2 : i32
        %add3A_632 = arith.addi %mul3A_578, %add3A_631 : i32
        %swap3A_633 = arith.index_cast %add3A_632 : i32 to index
        %swap3A_634 = arith.constant 0 : index
        %swap3A_635 = tpu.vector_load %arg8[%swap3A_633, %swap3A_634] {strides = array<i32>} : memref<400x64xf32, #tpu.memory_space<vmem>>, vector<16xf32>,
        tpu.vector_store %arg8[%swap3A_633, %swap3A_634], %gather3A_630 {strides = array<i32>} : memref<400x64xf32, #tpu.memory_space<vmem>>, vector<16xf32>,
        %gather3A_636 = tpu.vector_load_idx %arg6[%add3A_568, %broadcast_in_dim3A_629] : memref<3200x16xf32, #tpu.memory_space<vmem>>[vector<16xi32>, vector<16xi32>], vector<16xf32>,
        %add3A_637 = arith.constant 2 : i32
        %add3A_638 = arith.addi %mul3A_578, %add3A_637 : i32
        %swap3A_639 = arith.index_cast %add3A_638 : i32 to index
        %swap3A_640 = arith.constant 16 : index
        %swap3A_641 = tpu.vector_load %arg8[%swap3A_639, %swap3A_640] {strides = array<i32>} : memref<400x64xf32, #tpu.memory_space<vmem>>, vector<16xf32>,
        tpu.vector_store %arg8[%swap3A_639, %swap3A_640], %gather3A_636 {strides = array<i32>} : memref<400x64xf32, #tpu.memory_space<vmem>>, vector<16xf32>,
        %gather3A_642 = tpu.vector_load_idx %arg6[%add3A_572, %broadcast_in_dim3A_629] : memref<3200x16xf32, #tpu.memory_space<vmem>>[vector<16xi32>, vector<16xi32>], vector<16xf32>,
        %add3A_643 = arith.constant 2 : i32
        %add3A_644 = arith.addi %mul3A_578, %add3A_643 : i32
        %swap3A_645 = arith.index_cast %add3A_644 : i32 to index
        %swap3A_646 = arith.constant 32 : index
        %swap3A_647 = tpu.vector_load %arg8[%swap3A_645, %swap3A_646] {strides = array<i32>} : memref<400x64xf32, #tpu.memory_space<vmem>>, vector<16xf32>,
        tpu.vector_store %arg8[%swap3A_645, %swap3A_646], %gather3A_642 {strides = array<i32>} : memref<400x64xf32, #tpu.memory_space<vmem>>, vector<16xf32>,
        %gather3A_648 = tpu.vector_load_idx %arg6[%add3A_576, %broadcast_in_dim3A_629] : memref<3200x16xf32, #tpu.memory_space<vmem>>[vector<16xi32>, vector<16xi32>], vector<16xf32>,
        %add3A_649 = arith.constant 2 : i32
        %add3A_650 = arith.addi %mul3A_578, %add3A_649 : i32
        %swap3A_651 = arith.index_cast %add3A_650 : i32 to index
        %swap3A_652 = arith.constant 48 : index
        %swap3A_653 = tpu.vector_load %arg8[%swap3A_651, %swap3A_652] {strides = array<i32>} : memref<400x64xf32, #tpu.memory_space<vmem>>, vector<16xf32>,
        tpu.vector_store %arg8[%swap3A_651, %swap3A_652], %gather3A_648 {strides = array<i32>} : memref<400x64xf32, #tpu.memory_space<vmem>>, vector<16xf32>,
        %broadcast_in_dim3A_654 = arith.constant 3 : i32
        %broadcast_in_dim3A_655 = vector.broadcast %broadcast_in_dim3A_654 : i32 to vector<16xi32>
        %gather3A_656 = tpu.vector_load_idx %arg6[%add3A_564, %broadcast_in_dim3A_655] : memref<3200x16xf32, #tpu.memory_space<vmem>>[vector<16xi32>, vector<16xi32>], vector<16xf32>,
        %add3A_657 = arith.constant 3 : i32
        %add3A_658 = arith.addi %mul3A_578, %add3A_657 : i32
        %swap3A_659 = arith.index_cast %add3A_658 : i32 to index
        %swap3A_660 = arith.constant 0 : index
        %swap3A_661 = tpu.vector_load %arg8[%swap3A_659, %swap3A_660] {strides = array<i32>} : memref<400x64xf32, #tpu.memory_space<vmem>>, vector<16xf32>,
        tpu.vector_store %arg8[%swap3A_659, %swap3A_660], %gather3A_656 {strides = array<i32>} : memref<400x64xf32, #tpu.memory_space<vmem>>, vector<16xf32>,
        %gather3A_662 = tpu.vector_load_idx %arg6[%add3A_568, %broadcast_in_dim3A_655] : memref<3200x16xf32, #tpu.memory_space<vmem>>[vector<16xi32>, vector<16xi32>], vector<16xf32>,
        %add3A_663 = arith.constant 3 : i32
        %add3A_664 = arith.addi %mul3A_578, %add3A_663 : i32
        %swap3A_665 = arith.index_cast %add3A_664 : i32 to index
        %swap3A_666 = arith.constant 16 : index
        %swap3A_667 = tpu.vector_load %arg8[%swap3A_665, %swap3A_666] {strides = array<i32>} : memref<400x64xf32, #tpu.memory_space<vmem>>, vector<16xf32>,
        tpu.vector_store %arg8[%swap3A_665, %swap3A_666], %gather3A_662 {strides = array<i32>} : memref<400x64xf32, #tpu.memory_space<vmem>>, vector<16xf32>,
        %gather3A_668 = tpu.vector_load_idx %arg6[%add3A_572, %broadcast_in_dim3A_655] : memref<3200x16xf32, #tpu.memory_space<vmem>>[vector<16xi32>, vector<16xi32>], vector<16xf32>,
        %add3A_669 = arith.constant 3 : i32
        %add3A_670 = arith.addi %mul3A_578, %add3A_669 : i32
        %swap3A_671 = arith.index_cast %add3A_670 : i32 to index
        %swap3A_672 = arith.constant 32 : index
        %swap3A_673 = tpu.vector_load %arg8[%swap3A_671, %swap3A_672] {strides = array<i32>} : memref<400x64xf32, #tpu.memory_space<vmem>>, vector<16xf32>,
        tpu.vector_store %arg8[%swap3A_671, %swap3A_672], %gather3A_668 {strides = array<i32>} : memref<400x64xf32, #tpu.memory_space<vmem>>, vector<16xf32>,
        %gather3A_674 = tpu.vector_load_idx %arg6[%add3A_576, %broadcast_in_dim3A_655] : memref<3200x16xf32, #tpu.memory_space<vmem>>[vector<16xi32>, vector<16xi32>], vector<16xf32>,
        %add3A_675 = arith.constant 3 : i32
        %add3A_676 = arith.addi %mul3A_578, %add3A_675 : i32
        %swap3A_677 = arith.index_cast %add3A_676 : i32 to index
        %swap3A_678 = arith.constant 48 : index
        %swap3A_679 = tpu.vector_load %arg8[%swap3A_677, %swap3A_678] {strides = array<i32>} : memref<400x64xf32, #tpu.memory_space<vmem>>, vector<16xf32>,
        tpu.vector_store %arg8[%swap3A_677, %swap3A_678], %gather3A_674 {strides = array<i32>} : memref<400x64xf32, #tpu.memory_space<vmem>>, vector<16xf32>,
        %broadcast_in_dim3A_680 = arith.constant 4 : i32
        %broadcast_in_dim3A_681 = vector.broadcast %broadcast_in_dim3A_680 : i32 to vector<16xi32>
        %gather3A_682 = tpu.vector_load_idx %arg6[%add3A_564, %broadcast_in_dim3A_681] : memref<3200x16xf32, #tpu.memory_space<vmem>>[vector<16xi32>, vector<16xi32>], vector<16xf32>,
        %add3A_683 = arith.constant 4 : i32
        %add3A_684 = arith.addi %mul3A_578, %add3A_683 : i32
        %swap3A_685 = arith.index_cast %add3A_684 : i32 to index
        %swap3A_686 = arith.constant 0 : index
        %swap3A_687 = tpu.vector_load %arg8[%swap3A_685, %swap3A_686] {strides = array<i32>} : memref<400x64xf32, #tpu.memory_space<vmem>>, vector<16xf32>,
        tpu.vector_store %arg8[%swap3A_685, %swap3A_686], %gather3A_682 {strides = array<i32>} : memref<400x64xf32, #tpu.memory_space<vmem>>, vector<16xf32>,
        %gather3A_688 = tpu.vector_load_idx %arg6[%add3A_568, %broadcast_in_dim3A_681] : memref<3200x16xf32, #tpu.memory_space<vmem>>[vector<16xi32>, vector<16xi32>], vector<16xf32>,
        %add3A_689 = arith.constant 4 : i32
        %add3A_690 = arith.addi %mul3A_578, %add3A_689 : i32
        %swap3A_691 = arith.index_cast %add3A_690 : i32 to index
        %swap3A_692 = arith.constant 16 : index
        %swap3A_693 = tpu.vector_load %arg8[%swap3A_691, %swap3A_692] {strides = array<i32>} : memref<400x64xf32, #tpu.memory_space<vmem>>, vector<16xf32>,
        tpu.vector_store %arg8[%swap3A_691, %swap3A_692], %gather3A_688 {strides = array<i32>} : memref<400x64xf32, #tpu.memory_space<vmem>>, vector<16xf32>,
        %gather3A_694 = tpu.vector_load_idx %arg6[%add3A_572, %broadcast_in_dim3A_681] : memref<3200x16xf32, #tpu.memory_space<vmem>>[vector<16xi32>, vector<16xi32>], vector<16xf32>,
        %add3A_695 = arith.constant 4 : i32
        %add3A_696 = arith.addi %mul3A_578, %add3A_695 : i32
        %swap3A_697 = arith.index_cast %add3A_696 : i32 to index
        %swap3A_698 = arith.constant 32 : index
        %swap3A_699 = tpu.vector_load %arg8[%swap3A_697, %swap3A_698] {strides = array<i32>} : memref<400x64xf32, #tpu.memory_space<vmem>>, vector<16xf32>,
        tpu.vector_store %arg8[%swap3A_697, %swap3A_698], %gather3A_694 {strides = array<i32>} : memref<400x64xf32, #tpu.memory_space<vmem>>, vector<16xf32>,
        %gather3A_700 = tpu.vector_load_idx %arg6[%add3A_576, %broadcast_in_dim3A_681] : memref<3200x16xf32, #tpu.memory_space<vmem>>[vector<16xi32>, vector<16xi32>], vector<16xf32>,
        %add3A_701 = arith.constant 4 : i32
        %add3A_702 = arith.addi %mul3A_578, %add3A_701 : i32
        %swap3A_703 = arith.index_cast %add3A_702 : i32 to index
        %swap3A_704 = arith.constant 48 : index
        %swap3A_705 = tpu.vector_load %arg8[%swap3A_703, %swap3A_704] {strides = array<i32>} : memref<400x64xf32, #tpu.memory_space<vmem>>, vector<16xf32>,
        tpu.vector_store %arg8[%swap3A_703, %swap3A_704], %gather3A_700 {strides = array<i32>} : memref<400x64xf32, #tpu.memory_space<vmem>>, vector<16xf32>,
        %broadcast_in_dim3A_706 = arith.constant 5 : i32
        %broadcast_in_dim3A_707 = vector.broadcast %broadcast_in_dim3A_706 : i32 to vector<16xi32>
        %gather3A_708 = tpu.vector_load_idx %arg6[%add3A_564, %broadcast_in_dim3A_707] : memref<3200x16xf32, #tpu.memory_space<vmem>>[vector<16xi32>, vector<16xi32>], vector<16xf32>,
        %add3A_709 = arith.constant 5 : i32
        %add3A_710 = arith.addi %mul3A_578, %add3A_709 : i32
        %swap3A_711 = arith.index_cast %add3A_710 : i32 to index
        %swap3A_712 = arith.constant 0 : index
        %swap3A_713 = tpu.vector_load %arg8[%swap3A_711, %swap3A_712] {strides = array<i32>} : memref<400x64xf32, #tpu.memory_space<vmem>>, vector<16xf32>,
        tpu.vector_store %arg8[%swap3A_711, %swap3A_712], %gather3A_708 {strides = array<i32>} : memref<400x64xf32, #tpu.memory_space<vmem>>, vector<16xf32>,
        %gather3A_714 = tpu.vector_load_idx %arg6[%add3A_568, %broadcast_in_dim3A_707] : memref<3200x16xf32, #tpu.memory_space<vmem>>[vector<16xi32>, vector<16xi32>], vector<16xf32>,
        %add3A_715 = arith.constant 5 : i32
        %add3A_716 = arith.addi %mul3A_578, %add3A_715 : i32
        %swap3A_717 = arith.index_cast %add3A_716 : i32 to index
        %swap3A_718 = arith.constant 16 : index
        %swap3A_719 = tpu.vector_load %arg8[%swap3A_717, %swap3A_718] {strides = array<i32>} : memref<400x64xf32, #tpu.memory_space<vmem>>, vector<16xf32>,
        tpu.vector_store %arg8[%swap3A_717, %swap3A_718], %gather3A_714 {strides = array<i32>} : memref<400x64xf32, #tpu.memory_space<vmem>>, vector<16xf32>,
        %gather3A_720 = tpu.vector_load_idx %arg6[%add3A_572, %broadcast_in_dim3A_707] : memref<3200x16xf32, #tpu.memory_space<vmem>>[vector<16xi32>, vector<16xi32>], vector<16xf32>,
        %add3A_721 = arith.constant 5 : i32
        %add3A_722 = arith.addi %mul3A_578, %add3A_721 : i32
        %swap3A_723 = arith.index_cast %add3A_722 : i32 to index
        %swap3A_724 = arith.constant 32 : index
        %swap3A_725 = tpu.vector_load %arg8[%swap3A_723, %swap3A_724] {strides = array<i32>} : memref<400x64xf32, #tpu.memory_space<vmem>>, vector<16xf32>,
        tpu.vector_store %arg8[%swap3A_723, %swap3A_724], %gather3A_720 {strides = array<i32>} : memref<400x64xf32, #tpu.memory_space<vmem>>, vector<16xf32>,
        %gather3A_726 = tpu.vector_load_idx %arg6[%add3A_576, %broadcast_in_dim3A_707] : memref<3200x16xf32, #tpu.memory_space<vmem>>[vector<16xi32>, vector<16xi32>], vector<16xf32>,
        %add3A_727 = arith.constant 5 : i32
        %add3A_728 = arith.addi %mul3A_578, %add3A_727 : i32
        %swap3A_729 = arith.index_cast %add3A_728 : i32 to index
        %swap3A_730 = arith.constant 48 : index
        %swap3A_731 = tpu.vector_load %arg8[%swap3A_729, %swap3A_730] {strides = array<i32>} : memref<400x64xf32, #tpu.memory_space<vmem>>, vector<16xf32>,
        tpu.vector_store %arg8[%swap3A_729, %swap3A_730], %gather3A_726 {strides = array<i32>} : memref<400x64xf32, #tpu.memory_space<vmem>>, vector<16xf32>,
        %broadcast_in_dim3A_732 = arith.constant 6 : i32
        %broadcast_in_dim3A_733 = vector.broadcast %broadcast_in_dim3A_732 : i32 to vector<16xi32>
        %gather3A_734 = tpu.vector_load_idx %arg6[%add3A_564, %broadcast_in_dim3A_733] : memref<3200x16xf32, #tpu.memory_space<vmem>>[vector<16xi32>, vector<16xi32>], vector<16xf32>,
        %add3A_735 = arith.constant 6 : i32
        %add3A_736 = arith.addi %mul3A_578, %add3A_735 : i32
        %swap3A_737 = arith.index_cast %add3A_736 : i32 to index
        %swap3A_738 = arith.constant 0 : index
        %swap3A_739 = tpu.vector_load %arg8[%swap3A_737, %swap3A_738] {strides = array<i32>} : memref<400x64xf32, #tpu.memory_space<vmem>>, vector<16xf32>,
        tpu.vector_store %arg8[%swap3A_737, %swap3A_738], %gather3A_734 {strides = array<i32>} : memref<400x64xf32, #tpu.memory_space<vmem>>, vector<16xf32>,
        %gather3A_740 = tpu.vector_load_idx %arg6[%add3A_568, %broadcast_in_dim3A_733] : memref<3200x16xf32, #tpu.memory_space<vmem>>[vector<16xi32>, vector<16xi32>], vector<16xf32>,
        %add3A_741 = arith.constant 6 : i32
        %add3A_742 = arith.addi %mul3A_578, %add3A_741 : i32
        %swap3A_743 = arith.index_cast %add3A_742 : i32 to index
        %swap3A_744 = arith.constant 16 : index
        %swap3A_745 = tpu.vector_load %arg8[%swap3A_743, %swap3A_744] {strides = array<i32>} : memref<400x64xf32, #tpu.memory_space<vmem>>, vector<16xf32>,
        tpu.vector_store %arg8[%swap3A_743, %swap3A_744], %gather3A_740 {strides = array<i32>} : memref<400x64xf32, #tpu.memory_space<vmem>>, vector<16xf32>,
        %gather3A_746 = tpu.vector_load_idx %arg6[%add3A_572, %broadcast_in_dim3A_733] : memref<3200x16xf32, #tpu.memory_space<vmem>>[vector<16xi32>, vector<16xi32>], vector<16xf32>,
        %add3A_747 = arith.constant 6 : i32
        %add3A_748 = arith.addi %mul3A_578, %add3A_747 : i32
        %swap3A_749 = arith.index_cast %add3A_748 : i32 to index
        %swap3A_750 = arith.constant 32 : index
        %swap3A_751 = tpu.vector_load %arg8[%swap3A_749, %swap3A_750] {strides = array<i32>} : memref<400x64xf32, #tpu.memory_space<vmem>>, vector<16xf32>,
        tpu.vector_store %arg8[%swap3A_749, %swap3A_750], %gather3A_746 {strides = array<i32>} : memref<400x64xf32, #tpu.memory_space<vmem>>, vector<16xf32>,
        %gather3A_752 = tpu.vector_load_idx %arg6[%add3A_576, %broadcast_in_dim3A_733] : memref<3200x16xf32, #tpu.memory_space<vmem>>[vector<16xi32>, vector<16xi32>], vector<16xf32>,
        %add3A_753 = arith.constant 6 : i32
        %add3A_754 = arith.addi %mul3A_578, %add3A_753 : i32
        %swap3A_755 = arith.index_cast %add3A_754 : i32 to index
        %swap3A_756 = arith.constant 48 : index
        %swap3A_757 = tpu.vector_load %arg8[%swap3A_755, %swap3A_756] {strides = array<i32>} : memref<400x64xf32, #tpu.memory_space<vmem>>, vector<16xf32>,
        tpu.vector_store %arg8[%swap3A_755, %swap3A_756], %gather3A_752 {strides = array<i32>} : memref<400x64xf32, #tpu.memory_space<vmem>>, vector<16xf32>,
        %broadcast_in_dim3A_758 = arith.constant 7 : i32
        %broadcast_in_dim3A_759 = vector.broadcast %broadcast_in_dim3A_758 : i32 to vector<16xi32>
        %gather3A_760 = tpu.vector_load_idx %arg6[%add3A_564, %broadcast_in_dim3A_759] : memref<3200x16xf32, #tpu.memory_space<vmem>>[vector<16xi32>, vector<16xi32>], vector<16xf32>,
        %add3A_761 = arith.constant 7 : i32
        %add3A_762 = arith.addi %mul3A_578, %add3A_761 : i32
        %swap3A_763 = arith.index_cast %add3A_762 : i32 to index
        %swap3A_764 = arith.constant 0 : index
        %swap3A_765 = tpu.vector_load %arg8[%swap3A_763, %swap3A_764] {strides = array<i32>} : memref<400x64xf32, #tpu.memory_space<vmem>>, vector<16xf32>,
        tpu.vector_store %arg8[%swap3A_763, %swap3A_764], %gather3A_760 {strides = array<i32>} : memref<400x64xf32, #tpu.memory_space<vmem>>, vector<16xf32>,
        %gather3A_766 = tpu.vector_load_idx %arg6[%add3A_568, %broadcast_in_dim3A_759] : memref<3200x16xf32, #tpu.memory_space<vmem>>[vector<16xi32>, vector<16xi32>], vector<16xf32>,
        %add3A_767 = arith.constant 7 : i32
        %add3A_768 = arith.addi %mul3A_578, %add3A_767 : i32
        %swap3A_769 = arith.index_cast %add3A_768 : i32 to index
        %swap3A_770 = arith.constant 16 : index
        %swap3A_771 = tpu.vector_load %arg8[%swap3A_769, %swap3A_770] {strides = array<i32>} : memref<400x64xf32, #tpu.memory_space<vmem>>, vector<16xf32>,
        tpu.vector_store %arg8[%swap3A_769, %swap3A_770], %gather3A_766 {strides = array<i32>} : memref<400x64xf32, #tpu.memory_space<vmem>>, vector<16xf32>,
        %gather3A_772 = tpu.vector_load_idx %arg6[%add3A_572, %broadcast_in_dim3A_759] : memref<3200x16xf32, #tpu.memory_space<vmem>>[vector<16xi32>, vector<16xi32>], vector<16xf32>,
        %add3A_773 = arith.constant 7 : i32
        %add3A_774 = arith.addi %mul3A_578, %add3A_773 : i32
        %swap3A_775 = arith.index_cast %add3A_774 : i32 to index
        %swap3A_776 = arith.constant 32 : index
        %swap3A_777 = tpu.vector_load %arg8[%swap3A_775, %swap3A_776] {strides = array<i32>} : memref<400x64xf32, #tpu.memory_space<vmem>>, vector<16xf32>,
        tpu.vector_store %arg8[%swap3A_775, %swap3A_776], %gather3A_772 {strides = array<i32>} : memref<400x64xf32, #tpu.memory_space<vmem>>, vector<16xf32>,
        %gather3A_778 = tpu.vector_load_idx %arg6[%add3A_576, %broadcast_in_dim3A_759] : memref<3200x16xf32, #tpu.memory_space<vmem>>[vector<16xi32>, vector<16xi32>], vector<16xf32>,
        %add3A_779 = arith.constant 7 : i32
        %add3A_780 = arith.addi %mul3A_578, %add3A_779 : i32
        %swap3A_781 = arith.index_cast %add3A_780 : i32 to index
        %swap3A_782 = arith.constant 48 : index
        %swap3A_783 = tpu.vector_load %arg8[%swap3A_781, %swap3A_782] {strides = array<i32>} : memref<400x64xf32, #tpu.memory_space<vmem>>, vector<16xf32>,
        tpu.vector_store %arg8[%swap3A_781, %swap3A_782], %gather3A_778 {strides = array<i32>} : memref<400x64xf32, #tpu.memory_space<vmem>>, vector<16xf32>,
        %broadcast_in_dim3A_784 = arith.constant 8 : i32
        %broadcast_in_dim3A_785 = vector.broadcast %broadcast_in_dim3A_784 : i32 to vector<16xi32>
        %gather3A_786 = tpu.vector_load_idx %arg6[%add3A_564, %broadcast_in_dim3A_785] : memref<3200x16xf32, #tpu.memory_space<vmem>>[vector<16xi32>, vector<16xi32>], vector<16xf32>,
        %add3A_787 = arith.constant 8 : i32
        %add3A_788 = arith.addi %mul3A_578, %add3A_787 : i32
        %swap3A_789 = arith.index_cast %add3A_788 : i32 to index
        %swap3A_790 = arith.constant 0 : index
        %swap3A_791 = tpu.vector_load %arg8[%swap3A_789, %swap3A_790] {strides = array<i32>} : memref<400x64xf32, #tpu.memory_space<vmem>>, vector<16xf32>,
        tpu.vector_store %arg8[%swap3A_789, %swap3A_790], %gather3A_786 {strides = array<i32>} : memref<400x64xf32, #tpu.memory_space<vmem>>, vector<16xf32>,
        %gather3A_792 = tpu.vector_load_idx %arg6[%add3A_568, %broadcast_in_dim3A_785] : memref<3200x16xf32, #tpu.memory_space<vmem>>[vector<16xi32>, vector<16xi32>], vector<16xf32>,
        %add3A_793 = arith.constant 8 : i32
        %add3A_794 = arith.addi %mul3A_578, %add3A_793 : i32
        %swap3A_795 = arith.index_cast %add3A_794 : i32 to index
        %swap3A_796 = arith.constant 16 : index
        %swap3A_797 = tpu.vector_load %arg8[%swap3A_795, %swap3A_796] {strides = array<i32>} : memref<400x64xf32, #tpu.memory_space<vmem>>, vector<16xf32>,
        tpu.vector_store %arg8[%swap3A_795, %swap3A_796], %gather3A_792 {strides = array<i32>} : memref<400x64xf32, #tpu.memory_space<vmem>>, vector<16xf32>,
        %gather3A_798 = tpu.vector_load_idx %arg6[%add3A_572, %broadcast_in_dim3A_785] : memref<3200x16xf32, #tpu.memory_space<vmem>>[vector<16xi32>, vector<16xi32>], vector<16xf32>,
        %add3A_799 = arith.constant 8 : i32
        %add3A_800 = arith.addi %mul3A_578, %add3A_799 : i32
        %swap3A_801 = arith.index_cast %add3A_800 : i32 to index
        %swap3A_802 = arith.constant 32 : index
        %swap3A_803 = tpu.vector_load %arg8[%swap3A_801, %swap3A_802] {strides = array<i32>} : memref<400x64xf32, #tpu.memory_space<vmem>>, vector<16xf32>,
        tpu.vector_store %arg8[%swap3A_801, %swap3A_802], %gather3A_798 {strides = array<i32>} : memref<400x64xf32, #tpu.memory_space<vmem>>, vector<16xf32>,
        %gather3A_804 = tpu.vector_load_idx %arg6[%add3A_576, %broadcast_in_dim3A_785] : memref<3200x16xf32, #tpu.memory_space<vmem>>[vector<16xi32>, vector<16xi32>], vector<16xf32>,
        %add3A_805 = arith.constant 8 : i32
        %add3A_806 = arith.addi %mul3A_578, %add3A_805 : i32
        %swap3A_807 = arith.index_cast %add3A_806 : i32 to index
        %swap3A_808 = arith.constant 48 : index
        %swap3A_809 = tpu.vector_load %arg8[%swap3A_807, %swap3A_808] {strides = array<i32>} : memref<400x64xf32, #tpu.memory_space<vmem>>, vector<16xf32>,
        tpu.vector_store %arg8[%swap3A_807, %swap3A_808], %gather3A_804 {strides = array<i32>} : memref<400x64xf32, #tpu.memory_space<vmem>>, vector<16xf32>,
        %broadcast_in_dim3A_810 = arith.constant 9 : i32
        %broadcast_in_dim3A_811 = vector.broadcast %broadcast_in_dim3A_810 : i32 to vector<16xi32>
        %gather3A_812 = tpu.vector_load_idx %arg6[%add3A_564, %broadcast_in_dim3A_811] : memref<3200x16xf32, #tpu.memory_space<vmem>>[vector<16xi32>, vector<16xi32>], vector<16xf32>,
        %add3A_813 = arith.constant 9 : i32
        %add3A_814 = arith.addi %mul3A_578, %add3A_813 : i32
        %swap3A_815 = arith.index_cast %add3A_814 : i32 to index
        %swap3A_816 = arith.constant 0 : index
        %swap3A_817 = tpu.vector_load %arg8[%swap3A_815, %swap3A_816] {strides = array<i32>} : memref<400x64xf32, #tpu.memory_space<vmem>>, vector<16xf32>,
        tpu.vector_store %arg8[%swap3A_815, %swap3A_816], %gather3A_812 {strides = array<i32>} : memref<400x64xf32, #tpu.memory_space<vmem>>, vector<16xf32>,
        %gather3A_818 = tpu.vector_load_idx %arg6[%add3A_568, %broadcast_in_dim3A_811] : memref<3200x16xf32, #tpu.memory_space<vmem>>[vector<16xi32>, vector<16xi32>], vector<16xf32>,
        %add3A_819 = arith.constant 9 : i32
        %add3A_820 = arith.addi %mul3A_578, %add3A_819 : i32
        %swap3A_821 = arith.index_cast %add3A_820 : i32 to index
        %swap3A_822 = arith.constant 16 : index
        %swap3A_823 = tpu.vector_load %arg8[%swap3A_821, %swap3A_822] {strides = array<i32>} : memref<400x64xf32, #tpu.memory_space<vmem>>, vector<16xf32>,
        tpu.vector_store %arg8[%swap3A_821, %swap3A_822], %gather3A_818 {strides = array<i32>} : memref<400x64xf32, #tpu.memory_space<vmem>>, vector<16xf32>,
        %gather3A_824 = tpu.vector_load_idx %arg6[%add3A_572, %broadcast_in_dim3A_811] : memref<3200x16xf32, #tpu.memory_space<vmem>>[vector<16xi32>, vector<16xi32>], vector<16xf32>,
        %add3A_825 = arith.constant 9 : i32
        %add3A_826 = arith.addi %mul3A_578, %add3A_825 : i32
        %swap3A_827 = arith.index_cast %add3A_826 : i32 to index
        %swap3A_828 = arith.constant 32 : index
        %swap3A_829 = tpu.vector_load %arg8[%swap3A_827, %swap3A_828] {strides = array<i32>} : memref<400x64xf32, #tpu.memory_space<vmem>>, vector<16xf32>,
        tpu.vector_store %arg8[%swap3A_827, %swap3A_828], %gather3A_824 {strides = array<i32>} : memref<400x64xf32, #tpu.memory_space<vmem>>, vector<16xf32>,
        %gather3A_830 = tpu.vector_load_idx %arg6[%add3A_576, %broadcast_in_dim3A_811] : memref<3200x16xf32, #tpu.memory_space<vmem>>[vector<16xi32>, vector<16xi32>], vector<16xf32>,
        %add3A_831 = arith.constant 9 : i32
        %add3A_832 = arith.addi %mul3A_578, %add3A_831 : i32
        %swap3A_833 = arith.index_cast %add3A_832 : i32 to index
        %swap3A_834 = arith.constant 48 : index
        %swap3A_835 = tpu.vector_load %arg8[%swap3A_833, %swap3A_834] {strides = array<i32>} : memref<400x64xf32, #tpu.memory_space<vmem>>, vector<16xf32>,
        tpu.vector_store %arg8[%swap3A_833, %swap3A_834], %gather3A_830 {strides = array<i32>} : memref<400x64xf32, #tpu.memory_space<vmem>>, vector<16xf32>,
        %broadcast_in_dim3A_836 = arith.constant 10 : i32
        %broadcast_in_dim3A_837 = vector.broadcast %broadcast_in_dim3A_836 : i32 to vector<16xi32>
        %gather3A_838 = tpu.vector_load_idx %arg6[%add3A_564, %broadcast_in_dim3A_837] : memref<3200x16xf32, #tpu.memory_space<vmem>>[vector<16xi32>, vector<16xi32>], vector<16xf32>,
        %add3A_839 = arith.constant 10 : i32
        %add3A_840 = arith.addi %mul3A_578, %add3A_839 : i32
        %swap3A_841 = arith.index_cast %add3A_840 : i32 to index
        %swap3A_842 = arith.constant 0 : index
        %swap3A_843 = tpu.vector_load %arg8[%swap3A_841, %swap3A_842] {strides = array<i32>} : memref<400x64xf32, #tpu.memory_space<vmem>>, vector<16xf32>,
        tpu.vector_store %arg8[%swap3A_841, %swap3A_842], %gather3A_838 {strides = array<i32>} : memref<400x64xf32, #tpu.memory_space<vmem>>, vector<16xf32>,
        %gather3A_844 = tpu.vector_load_idx %arg6[%add3A_568, %broadcast_in_dim3A_837] : memref<3200x16xf32, #tpu.memory_space<vmem>>[vector<16xi32>, vector<16xi32>], vector<16xf32>,
        %add3A_845 = arith.constant 10 : i32
        %add3A_846 = arith.addi %mul3A_578, %add3A_845 : i32
        %swap3A_847 = arith.index_cast %add3A_846 : i32 to index
        %swap3A_848 = arith.constant 16 : index
        %swap3A_849 = tpu.vector_load %arg8[%swap3A_847, %swap3A_848] {strides = array<i32>} : memref<400x64xf32, #tpu.memory_space<vmem>>, vector<16xf32>,
        tpu.vector_store %arg8[%swap3A_847, %swap3A_848], %gather3A_844 {strides = array<i32>} : memref<400x64xf32, #tpu.memory_space<vmem>>, vector<16xf32>,
        %gather3A_850 = tpu.vector_load_idx %arg6[%add3A_572, %broadcast_in_dim3A_837] : memref<3200x16xf32, #tpu.memory_space<vmem>>[vector<16xi32>, vector<16xi32>], vector<16xf32>,
        %add3A_851 = arith.constant 10 : i32
        %add3A_852 = arith.addi %mul3A_578, %add3A_851 : i32
        %swap3A_853 = arith.index_cast %add3A_852 : i32 to index
        %swap3A_854 = arith.constant 32 : index
        %swap3A_855 = tpu.vector_load %arg8[%swap3A_853, %swap3A_854] {strides = array<i32>} : memref<400x64xf32, #tpu.memory_space<vmem>>, vector<16xf32>,
        tpu.vector_store %arg8[%swap3A_853, %swap3A_854], %gather3A_850 {strides = array<i32>} : memref<400x64xf32, #tpu.memory_space<vmem>>, vector<16xf32>,
        %gather3A_856 = tpu.vector_load_idx %arg6[%add3A_576, %broadcast_in_dim3A_837] : memref<3200x16xf32, #tpu.memory_space<vmem>>[vector<16xi32>, vector<16xi32>], vector<16xf32>,
        %add3A_857 = arith.constant 10 : i32
        %add3A_858 = arith.addi %mul3A_578, %add3A_857 : i32
        %swap3A_859 = arith.index_cast %add3A_858 : i32 to index
        %swap3A_860 = arith.constant 48 : index
        %swap3A_861 = tpu.vector_load %arg8[%swap3A_859, %swap3A_860] {strides = array<i32>} : memref<400x64xf32, #tpu.memory_space<vmem>>, vector<16xf32>,
        tpu.vector_store %arg8[%swap3A_859, %swap3A_860], %gather3A_856 {strides = array<i32>} : memref<400x64xf32, #tpu.memory_space<vmem>>, vector<16xf32>,
        %broadcast_in_dim3A_862 = arith.constant 11 : i32
        %broadcast_in_dim3A_863 = vector.broadcast %broadcast_in_dim3A_862 : i32 to vector<16xi32>
        %gather3A_864 = tpu.vector_load_idx %arg6[%add3A_564, %broadcast_in_dim3A_863] : memref<3200x16xf32, #tpu.memory_space<vmem>>[vector<16xi32>, vector<16xi32>], vector<16xf32>,
        %add3A_865 = arith.constant 11 : i32
        %add3A_866 = arith.addi %mul3A_578, %add3A_865 : i32
        %swap3A_867 = arith.index_cast %add3A_866 : i32 to index
        %swap3A_868 = arith.constant 0 : index
        %swap3A_869 = tpu.vector_load %arg8[%swap3A_867, %swap3A_868] {strides = array<i32>} : memref<400x64xf32, #tpu.memory_space<vmem>>, vector<16xf32>,
        tpu.vector_store %arg8[%swap3A_867, %swap3A_868], %gather3A_864 {strides = array<i32>} : memref<400x64xf32, #tpu.memory_space<vmem>>, vector<16xf32>,
        %gather3A_870 = tpu.vector_load_idx %arg6[%add3A_568, %broadcast_in_dim3A_863] : memref<3200x16xf32, #tpu.memory_space<vmem>>[vector<16xi32>, vector<16xi32>], vector<16xf32>,
        %add3A_871 = arith.constant 11 : i32
        %add3A_872 = arith.addi %mul3A_578, %add3A_871 : i32
        %swap3A_873 = arith.index_cast %add3A_872 : i32 to index
        %swap3A_874 = arith.constant 16 : index
        %swap3A_875 = tpu.vector_load %arg8[%swap3A_873, %swap3A_874] {strides = array<i32>} : memref<400x64xf32, #tpu.memory_space<vmem>>, vector<16xf32>,
        tpu.vector_store %arg8[%swap3A_873, %swap3A_874], %gather3A_870 {strides = array<i32>} : memref<400x64xf32, #tpu.memory_space<vmem>>, vector<16xf32>,
        %gather3A_876 = tpu.vector_load_idx %arg6[%add3A_572, %broadcast_in_dim3A_863] : memref<3200x16xf32, #tpu.memory_space<vmem>>[vector<16xi32>, vector<16xi32>], vector<16xf32>,
        %add3A_877 = arith.constant 11 : i32
        %add3A_878 = arith.addi %mul3A_578, %add3A_877 : i32
        %swap3A_879 = arith.index_cast %add3A_878 : i32 to index
        %swap3A_880 = arith.constant 32 : index
        %swap3A_881 = tpu.vector_load %arg8[%swap3A_879, %swap3A_880] {strides = array<i32>} : memref<400x64xf32, #tpu.memory_space<vmem>>, vector<16xf32>,
        tpu.vector_store %arg8[%swap3A_879, %swap3A_880], %gather3A_876 {strides = array<i32>} : memref<400x64xf32, #tpu.memory_space<vmem>>, vector<16xf32>,
        %gather3A_882 = tpu.vector_load_idx %arg6[%add3A_576, %broadcast_in_dim3A_863] : memref<3200x16xf32, #tpu.memory_space<vmem>>[vector<16xi32>, vector<16xi32>], vector<16xf32>,
        %add3A_883 = arith.constant 11 : i32
        %add3A_884 = arith.addi %mul3A_578, %add3A_883 : i32
        %swap3A_885 = arith.index_cast %add3A_884 : i32 to index
        %swap3A_886 = arith.constant 48 : index
        %swap3A_887 = tpu.vector_load %arg8[%swap3A_885, %swap3A_886] {strides = array<i32>} : memref<400x64xf32, #tpu.memory_space<vmem>>, vector<16xf32>,
        tpu.vector_store %arg8[%swap3A_885, %swap3A_886], %gather3A_882 {strides = array<i32>} : memref<400x64xf32, #tpu.memory_space<vmem>>, vector<16xf32>,
        %broadcast_in_dim3A_888 = arith.constant 12 : i32
        %broadcast_in_dim3A_889 = vector.broadcast %broadcast_in_dim3A_888 : i32 to vector<16xi32>
        %gather3A_890 = tpu.vector_load_idx %arg6[%add3A_564, %broadcast_in_dim3A_889] : memref<3200x16xf32, #tpu.memory_space<vmem>>[vector<16xi32>, vector<16xi32>], vector<16xf32>,
        %add3A_891 = arith.constant 12 : i32
        %add3A_892 = arith.addi %mul3A_578, %add3A_891 : i32
        %swap3A_893 = arith.index_cast %add3A_892 : i32 to index
        %swap3A_894 = arith.constant 0 : index
        %swap3A_895 = tpu.vector_load %arg8[%swap3A_893, %swap3A_894] {strides = array<i32>} : memref<400x64xf32, #tpu.memory_space<vmem>>, vector<16xf32>,
        tpu.vector_store %arg8[%swap3A_893, %swap3A_894], %gather3A_890 {strides = array<i32>} : memref<400x64xf32, #tpu.memory_space<vmem>>, vector<16xf32>,
        %gather3A_896 = tpu.vector_load_idx %arg6[%add3A_568, %broadcast_in_dim3A_889] : memref<3200x16xf32, #tpu.memory_space<vmem>>[vector<16xi32>, vector<16xi32>], vector<16xf32>,
        %add3A_897 = arith.constant 12 : i32
        %add3A_898 = arith.addi %mul3A_578, %add3A_897 : i32
        %swap3A_899 = arith.index_cast %add3A_898 : i32 to index
        %swap3A_900 = arith.constant 16 : index
        %swap3A_901 = tpu.vector_load %arg8[%swap3A_899, %swap3A_900] {strides = array<i32>} : memref<400x64xf32, #tpu.memory_space<vmem>>, vector<16xf32>,
        tpu.vector_store %arg8[%swap3A_899, %swap3A_900], %gather3A_896 {strides = array<i32>} : memref<400x64xf32, #tpu.memory_space<vmem>>, vector<16xf32>,
        %gather3A_902 = tpu.vector_load_idx %arg6[%add3A_572, %broadcast_in_dim3A_889] : memref<3200x16xf32, #tpu.memory_space<vmem>>[vector<16xi32>, vector<16xi32>], vector<16xf32>,
        %add3A_903 = arith.constant 12 : i32
        %add3A_904 = arith.addi %mul3A_578, %add3A_903 : i32
        %swap3A_905 = arith.index_cast %add3A_904 : i32 to index
        %swap3A_906 = arith.constant 32 : index
        %swap3A_907 = tpu.vector_load %arg8[%swap3A_905, %swap3A_906] {strides = array<i32>} : memref<400x64xf32, #tpu.memory_space<vmem>>, vector<16xf32>,
        tpu.vector_store %arg8[%swap3A_905, %swap3A_906], %gather3A_902 {strides = array<i32>} : memref<400x64xf32, #tpu.memory_space<vmem>>, vector<16xf32>,
        %gather3A_908 = tpu.vector_load_idx %arg6[%add3A_576, %broadcast_in_dim3A_889] : memref<3200x16xf32, #tpu.memory_space<vmem>>[vector<16xi32>, vector<16xi32>], vector<16xf32>,
        %add3A_909 = arith.constant 12 : i32
        %add3A_910 = arith.addi %mul3A_578, %add3A_909 : i32
        %swap3A_911 = arith.index_cast %add3A_910 : i32 to index
        %swap3A_912 = arith.constant 48 : index
        %swap3A_913 = tpu.vector_load %arg8[%swap3A_911, %swap3A_912] {strides = array<i32>} : memref<400x64xf32, #tpu.memory_space<vmem>>, vector<16xf32>,
        tpu.vector_store %arg8[%swap3A_911, %swap3A_912], %gather3A_908 {strides = array<i32>} : memref<400x64xf32, #tpu.memory_space<vmem>>, vector<16xf32>,
        %broadcast_in_dim3A_914 = arith.constant 13 : i32
        %broadcast_in_dim3A_915 = vector.broadcast %broadcast_in_dim3A_914 : i32 to vector<16xi32>
        %gather3A_916 = tpu.vector_load_idx %arg6[%add3A_564, %broadcast_in_dim3A_915] : memref<3200x16xf32, #tpu.memory_space<vmem>>[vector<16xi32>, vector<16xi32>], vector<16xf32>,
        %add3A_917 = arith.constant 13 : i32
        %add3A_918 = arith.addi %mul3A_578, %add3A_917 : i32
        %swap3A_919 = arith.index_cast %add3A_918 : i32 to index
        %swap3A_920 = arith.constant 0 : index
        %swap3A_921 = tpu.vector_load %arg8[%swap3A_919, %swap3A_920] {strides = array<i32>} : memref<400x64xf32, #tpu.memory_space<vmem>>, vector<16xf32>,
        tpu.vector_store %arg8[%swap3A_919, %swap3A_920], %gather3A_916 {strides = array<i32>} : memref<400x64xf32, #tpu.memory_space<vmem>>, vector<16xf32>,
        %gather3A_922 = tpu.vector_load_idx %arg6[%add3A_568, %broadcast_in_dim3A_915] : memref<3200x16xf32, #tpu.memory_space<vmem>>[vector<16xi32>, vector<16xi32>], vector<16xf32>,
        %add3A_923 = arith.constant 13 : i32
        %add3A_924 = arith.addi %mul3A_578, %add3A_923 : i32
        %swap3A_925 = arith.index_cast %add3A_924 : i32 to index
        %swap3A_926 = arith.constant 16 : index
        %swap3A_927 = tpu.vector_load %arg8[%swap3A_925, %swap3A_926] {strides = array<i32>} : memref<400x64xf32, #tpu.memory_space<vmem>>, vector<16xf32>,
        tpu.vector_store %arg8[%swap3A_925, %swap3A_926], %gather3A_922 {strides = array<i32>} : memref<400x64xf32, #tpu.memory_space<vmem>>, vector<16xf32>,
        %gather3A_928 = tpu.vector_load_idx %arg6[%add3A_572, %broadcast_in_dim3A_915] : memref<3200x16xf32, #tpu.memory_space<vmem>>[vector<16xi32>, vector<16xi32>], vector<16xf32>,
        %add3A_929 = arith.constant 13 : i32
        %add3A_930 = arith.addi %mul3A_578, %add3A_929 : i32
        %swap3A_931 = arith.index_cast %add3A_930 : i32 to index
        %swap3A_932 = arith.constant 32 : index
        %swap3A_933 = tpu.vector_load %arg8[%swap3A_931, %swap3A_932] {strides = array<i32>} : memref<400x64xf32, #tpu.memory_space<vmem>>, vector<16xf32>,
        tpu.vector_store %arg8[%swap3A_931, %swap3A_932], %gather3A_928 {strides = array<i32>} : memref<400x64xf32, #tpu.memory_space<vmem>>, vector<16xf32>,
        %gather3A_934 = tpu.vector_load_idx %arg6[%add3A_576, %broadcast_in_dim3A_915] : memref<3200x16xf32, #tpu.memory_space<vmem>>[vector<16xi32>, vector<16xi32>], vector<16xf32>,
        %add3A_935 = arith.constant 13 : i32
        %add3A_936 = arith.addi %mul3A_578, %add3A_935 : i32
        %swap3A_937 = arith.index_cast %add3A_936 : i32 to index
        %swap3A_938 = arith.constant 48 : index
        %swap3A_939 = tpu.vector_load %arg8[%swap3A_937, %swap3A_938] {strides = array<i32>} : memref<400x64xf32, #tpu.memory_space<vmem>>, vector<16xf32>,
        tpu.vector_store %arg8[%swap3A_937, %swap3A_938], %gather3A_934 {strides = array<i32>} : memref<400x64xf32, #tpu.memory_space<vmem>>, vector<16xf32>,
        %broadcast_in_dim3A_940 = arith.constant 14 : i32
        %broadcast_in_dim3A_941 = vector.broadcast %broadcast_in_dim3A_940 : i32 to vector<16xi32>
        %gather3A_942 = tpu.vector_load_idx %arg6[%add3A_564, %broadcast_in_dim3A_941] : memref<3200x16xf32, #tpu.memory_space<vmem>>[vector<16xi32>, vector<16xi32>], vector<16xf32>,
        %add3A_943 = arith.constant 14 : i32
        %add3A_944 = arith.addi %mul3A_578, %add3A_943 : i32
        %swap3A_945 = arith.index_cast %add3A_944 : i32 to index
        %swap3A_946 = arith.constant 0 : index
        %swap3A_947 = tpu.vector_load %arg8[%swap3A_945, %swap3A_946] {strides = array<i32>} : memref<400x64xf32, #tpu.memory_space<vmem>>, vector<16xf32>,
        tpu.vector_store %arg8[%swap3A_945, %swap3A_946], %gather3A_942 {strides = array<i32>} : memref<400x64xf32, #tpu.memory_space<vmem>>, vector<16xf32>,
        %gather3A_948 = tpu.vector_load_idx %arg6[%add3A_568, %broadcast_in_dim3A_941] : memref<3200x16xf32, #tpu.memory_space<vmem>>[vector<16xi32>, vector<16xi32>], vector<16xf32>,
        %add3A_949 = arith.constant 14 : i32
        %add3A_950 = arith.addi %mul3A_578, %add3A_949 : i32
        %swap3A_951 = arith.index_cast %add3A_950 : i32 to index
        %swap3A_952 = arith.constant 16 : index
        %swap3A_953 = tpu.vector_load %arg8[%swap3A_951, %swap3A_952] {strides = array<i32>} : memref<400x64xf32, #tpu.memory_space<vmem>>, vector<16xf32>,
        tpu.vector_store %arg8[%swap3A_951, %swap3A_952], %gather3A_948 {strides = array<i32>} : memref<400x64xf32, #tpu.memory_space<vmem>>, vector<16xf32>,
        %gather3A_954 = tpu.vector_load_idx %arg6[%add3A_572, %broadcast_in_dim3A_941] : memref<3200x16xf32, #tpu.memory_space<vmem>>[vector<16xi32>, vector<16xi32>], vector<16xf32>,
        %add3A_955 = arith.constant 14 : i32
        %add3A_956 = arith.addi %mul3A_578, %add3A_955 : i32
        %swap3A_957 = arith.index_cast %add3A_956 : i32 to index
        %swap3A_958 = arith.constant 32 : index
        %swap3A_959 = tpu.vector_load %arg8[%swap3A_957, %swap3A_958] {strides = array<i32>} : memref<400x64xf32, #tpu.memory_space<vmem>>, vector<16xf32>,
        tpu.vector_store %arg8[%swap3A_957, %swap3A_958], %gather3A_954 {strides = array<i32>} : memref<400x64xf32, #tpu.memory_space<vmem>>, vector<16xf32>,
        %gather3A_960 = tpu.vector_load_idx %arg6[%add3A_576, %broadcast_in_dim3A_941] : memref<3200x16xf32, #tpu.memory_space<vmem>>[vector<16xi32>, vector<16xi32>], vector<16xf32>,
        %add3A_961 = arith.constant 14 : i32
        %add3A_962 = arith.addi %mul3A_578, %add3A_961 : i32
        %swap3A_963 = arith.index_cast %add3A_962 : i32 to index
        %swap3A_964 = arith.constant 48 : index
        %swap3A_965 = tpu.vector_load %arg8[%swap3A_963, %swap3A_964] {strides = array<i32>} : memref<400x64xf32, #tpu.memory_space<vmem>>, vector<16xf32>,
        tpu.vector_store %arg8[%swap3A_963, %swap3A_964], %gather3A_960 {strides = array<i32>} : memref<400x64xf32, #tpu.memory_space<vmem>>, vector<16xf32>,
        %broadcast_in_dim3A_966 = arith.constant 15 : i32
        %broadcast_in_dim3A_967 = vector.broadcast %broadcast_in_dim3A_966 : i32 to vector<16xi32>
        %gather3A_968 = tpu.vector_load_idx %arg6[%add3A_564, %broadcast_in_dim3A_967] : memref<3200x16xf32, #tpu.memory_space<vmem>>[vector<16xi32>, vector<16xi32>], vector<16xf32>,
        %add3A_969 = arith.constant 15 : i32
        %add3A_970 = arith.addi %mul3A_578, %add3A_969 : i32
        %swap3A_971 = arith.index_cast %add3A_970 : i32 to index
        %swap3A_972 = arith.constant 0 : index
        %swap3A_973 = tpu.vector_load %arg8[%swap3A_971, %swap3A_972] {strides = array<i32>} : memref<400x64xf32, #tpu.memory_space<vmem>>, vector<16xf32>,
        tpu.vector_store %arg8[%swap3A_971, %swap3A_972], %gather3A_968 {strides = array<i32>} : memref<400x64xf32, #tpu.memory_space<vmem>>, vector<16xf32>,
        %gather3A_974 = tpu.vector_load_idx %arg6[%add3A_568, %broadcast_in_dim3A_967] : memref<3200x16xf32, #tpu.memory_space<vmem>>[vector<16xi32>, vector<16xi32>], vector<16xf32>,
        %add3A_975 = arith.constant 15 : i32
        %add3A_976 = arith.addi %mul3A_578, %add3A_975 : i32
        %swap3A_977 = arith.index_cast %add3A_976 : i32 to index
        %swap3A_978 = arith.constant 16 : index
        %swap3A_979 = tpu.vector_load %arg8[%swap3A_977, %swap3A_978] {strides = array<i32>} : memref<400x64xf32, #tpu.memory_space<vmem>>, vector<16xf32>,
        tpu.vector_store %arg8[%swap3A_977, %swap3A_978], %gather3A_974 {strides = array<i32>} : memref<400x64xf32, #tpu.memory_space<vmem>>, vector<16xf32>,
        %gather3A_980 = tpu.vector_load_idx %arg6[%add3A_572, %broadcast_in_dim3A_967] : memref<3200x16xf32, #tpu.memory_space<vmem>>[vector<16xi32>, vector<16xi32>], vector<16xf32>,
        %add3A_981 = arith.constant 15 : i32
        %add3A_982 = arith.addi %mul3A_578, %add3A_981 : i32
        %swap3A_983 = arith.index_cast %add3A_982 : i32 to index
        %swap3A_984 = arith.constant 32 : index
        %swap3A_985 = tpu.vector_load %arg8[%swap3A_983, %swap3A_984] {strides = array<i32>} : memref<400x64xf32, #tpu.memory_space<vmem>>, vector<16xf32>,
        tpu.vector_store %arg8[%swap3A_983, %swap3A_984], %gather3A_980 {strides = array<i32>} : memref<400x64xf32, #tpu.memory_space<vmem>>, vector<16xf32>,
        %gather3A_986 = tpu.vector_load_idx %arg6[%add3A_576, %broadcast_in_dim3A_967] : memref<3200x16xf32, #tpu.memory_space<vmem>>[vector<16xi32>, vector<16xi32>], vector<16xf32>,
        %add3A_987 = arith.constant 15 : i32
        %add3A_988 = arith.addi %mul3A_578, %add3A_987 : i32
        %swap3A_989 = arith.index_cast %add3A_988 : i32 to index
        %swap3A_990 = arith.constant 48 : index
        %swap3A_991 = tpu.vector_load %arg8[%swap3A_989, %swap3A_990] {strides = array<i32>} : memref<400x64xf32, #tpu.memory_space<vmem>>, vector<16xf32>,
        tpu.vector_store %arg8[%swap3A_989, %swap3A_990], %gather3A_986 {strides = array<i32>} : memref<400x64xf32, #tpu.memory_space<vmem>>, vector<16xf32>,
        %scan3A_992 = arith.constant 0 : i32
        scf.yield %scan3A_992 : i32
      }
      %scan3A_549 = arith.constant 25 : i32
      %dma_start3A_550 = arith.constant 400 : i32
      %dma_start3A_551 = tpu.memref_slice %arg4[%dma_start3A_550, %add3A_529] : memref<800x16384xf32, #tpu.memory_space<hbm>> -> memref<400x64xf32, #tpu.memory_space<hbm>>
      %dma_start3A_552 = arith.constant 400 : i32
      %dma_start3A_553 = tpu.memref_slice %arg4[%dma_start3A_552, %add3A_529] : memref<800x16384xf32, #tpu.memory_space<hbm>> -> memref<400x64xf32, #tpu.memory_space<hbm>>
      tpu.enqueue_dma source(%arg8 : memref<400x64xf32, #tpu.memory_space<vmem>>) target(%dma_start3A_553 : memref<400x64xf32, #tpu.memory_space<hbm>>) target_semaphore(%arg11 : memref<!tpu.dma_semaphore, #tpu.memory_space<semaphore_mem>>)
      %dma_wait3A_554 = arith.constant 0 : i32
      %dma_wait3A_555 = tpu.memref_slice %arg4[%dma_wait3A_554, %add3A_529] : memref<800x16384xf32, #tpu.memory_space<hbm>> -> memref<400x64xf32, #tpu.memory_space<hbm>>
      %dma_wait3A_556 = arith.constant 0 : i32
      %dma_wait3A_557 = tpu.memref_slice %arg4[%dma_wait3A_556, %add3A_529] : memref<800x16384xf32, #tpu.memory_space<hbm>> -> memref<400x64xf32, #tpu.memory_space<hbm>>
      tpu.wait_dma2 semaphore(%arg10 : memref<!tpu.dma_semaphore, #tpu.memory_space<semaphore_mem>>) src(%arg7 : memref<400x64xf32, #tpu.memory_space<vmem>>) dst(%dma_wait3A_557 : memref<400x64xf32, #tpu.memory_space<hbm>>)
      %scan3A_558 = arith.constant 0 : i32
      scf.yield %scan3A_558 : i32
    }
    %scan3A_9 = arith.constant 8 : i32
    %mul3A_10 = arith.constant 512 : i32
    %mul3A_11 = arith.muli %add3A, %mul3A_10 : i32
    %add3A_12 = arith.constant 448 : i32
    %add3A_13 = arith.addi %mul3A_11, %add3A_12 : i32
    %dma_wait3A = arith.constant 400 : i32
    %dma_wait3A_14 = tpu.memref_slice %arg4[%dma_wait3A, %add3A_13] : memref<800x16384xf32, #tpu.memory_space<hbm>> -> memref<400x64xf32, #tpu.memory_space<hbm>>
    %dma_wait3A_15 = arith.constant 400 : i32
    %dma_wait3A_16 = tpu.memref_slice %arg4[%dma_wait3A_15, %add3A_13] : memref<800x16384xf32, #tpu.memory_space<hbm>> -> memref<400x64xf32, #tpu.memory_space<hbm>>
    tpu.wait_dma2 semaphore(%arg11 : memref<!tpu.dma_semaphore, #tpu.memory_space<semaphore_mem>>) src(%arg8 : memref<400x64xf32, #tpu.memory_space<vmem>>) dst(%dma_wait3A_16 : memref<400x64xf32, #tpu.memory_space<hbm>>)
    return
  }
}

module attributes {stable_mosaic.version = 14 : i64} {
  func.func @_proj_body(%arg0: i32, %arg1: memref<32x16384xf32, #tpu.memory_space<vmem>>, %arg2: memref<32x16xf32, #tpu.memory_space<vmem>>, %arg3: memref<1x128xf32, #tpu.memory_space<vmem>>, %arg4: memref<2048x128xf32, #tpu.memory_space<vmem>>) attributes {dimension_semantics = [#tpu.dimension_semantics<arbitrary>], iteration_bounds = array<i64: 62>, scalar_prefetch = 0 : i64, scratch_operands = 0 : i64, tpu.core_type = #tpu.core_type<tc>, window_params = [{transform_indices = @transform_0, window_bounds = array<i64: 32, 16384>}, {pipeline_mode = #tpu.pipeline_mode<synchronous>, transform_indices = @transform_1, window_bounds = array<i64: 32, 16>}, {pipeline_mode = #tpu.pipeline_mode<synchronous>, transform_indices = @transform_2, window_bounds = array<i64: 1, 128>}, {transform_indices = @transform_3, window_bounds = array<i64: 2048, 128>}]} {
    %get3A = arith.constant 0 : index
    %get3A_0 = arith.constant 0 : index
    %get3A_1 = vector.load %arg1[%get3A, %get3A_0] : memref<32x16384xf32, #tpu.memory_space<vmem>>, vector<32x16384xf32>
    %get3A_2 = arith.constant 0 : index
    %get3A_3 = arith.constant 0 : index
    %get3A_4 = vector.load %arg2[%get3A_2, %get3A_3] : memref<32x16xf32, #tpu.memory_space<vmem>>, vector<32x16xf32>
    %dot_general3A = arith.constant dense<0.000000e+00> : vector<16384x16xf32>
    %dot_general3A_5 = tpu.matmul %get3A_1, %get3A_4, %dot_general3A {dimension_numbers = #tpu.dot_dimension_numbers<[0], [0], [1], [1], [0, 1, 1, 1], [], []>, transpose_lhs_hint = false} : vector<32x16384xf32>, vector<32x16xf32>, vector<16384x16xf32> -> vector<16384x16xf32>
    %slice3A = vector.extract_strided_slice %dot_general3A_5 {offsets = [0, 0], sizes = [2048, 16], strides = [1, 1]} : vector<16384x16xf32> to vector<2048x16xf32>
    %slice3A_6 = vector.extract_strided_slice %dot_general3A_5 {offsets = [2048, 0], sizes = [2048, 16], strides = [1, 1]} : vector<16384x16xf32> to vector<2048x16xf32>
    %slice3A_7 = vector.extract_strided_slice %dot_general3A_5 {offsets = [4096, 0], sizes = [2048, 16], strides = [1, 1]} : vector<16384x16xf32> to vector<2048x16xf32>
    %slice3A_8 = vector.extract_strided_slice %dot_general3A_5 {offsets = [6144, 0], sizes = [2048, 16], strides = [1, 1]} : vector<16384x16xf32> to vector<2048x16xf32>
    %slice3A_9 = vector.extract_strided_slice %dot_general3A_5 {offsets = [8192, 0], sizes = [2048, 16], strides = [1, 1]} : vector<16384x16xf32> to vector<2048x16xf32>
    %slice3A_10 = vector.extract_strided_slice %dot_general3A_5 {offsets = [10240, 0], sizes = [2048, 16], strides = [1, 1]} : vector<16384x16xf32> to vector<2048x16xf32>
    %slice3A_11 = vector.extract_strided_slice %dot_general3A_5 {offsets = [12288, 0], sizes = [2048, 16], strides = [1, 1]} : vector<16384x16xf32> to vector<2048x16xf32>
    %slice3A_12 = vector.extract_strided_slice %dot_general3A_5 {offsets = [14336, 0], sizes = [2048, 16], strides = [1, 1]} : vector<16384x16xf32> to vector<2048x16xf32>
    %concatenate3A = tpu.concatenate %slice3A, %slice3A_6, %slice3A_7, %slice3A_8, %slice3A_9, %slice3A_10, %slice3A_11, %slice3A_12 in 1 : vector<2048x16xf32>, vector<2048x16xf32>, vector<2048x16xf32>, vector<2048x16xf32>, vector<2048x16xf32>, vector<2048x16xf32>, vector<2048x16xf32>, vector<2048x16xf32> -> vector<2048x128xf32>
    %get3A_13 = arith.constant 0 : index
    %get3A_14 = arith.constant 0 : index
    %get3A_15 = vector.load %arg3[%get3A_13, %get3A_14] : memref<1x128xf32, #tpu.memory_space<vmem>>, vector<1x128xf32>
    %add3A = vector.broadcast %get3A_15 : vector<1x128xf32> to vector<2048x128xf32>
    %add3A_16 = arith.addf %concatenate3A, %add3A : vector<2048x128xf32>
    %swap3A = arith.constant 0 : index
    %swap3A_17 = arith.constant 0 : index
    %swap3A_18 = vector.load %arg4[%swap3A, %swap3A_17] : memref<2048x128xf32, #tpu.memory_space<vmem>>, vector<2048x128xf32>
    tpu.vector_store %arg4[%swap3A, %swap3A_17], %add3A_16 {strides = array<i32>} : memref<2048x128xf32, #tpu.memory_space<vmem>>, vector<2048x128xf32>,
    return
  }
  func.func @transform_0(%arg0: i32) -> (i32, i32) {
    %c0_i32 = arith.constant 0 : i32
    %c0_i32_0 = arith.constant 0 : i32
    return %c0_i32, %arg0 : i32, i32
  }
  func.func @transform_1(%arg0: i32) -> (i32, i32) {
    %c0_i32 = arith.constant 0 : i32
    %c0_i32_0 = arith.constant 0 : i32
    %c0_i32_1 = arith.constant 0 : i32
    return %c0_i32, %c0_i32_0 : i32, i32
  }
  func.func @transform_2(%arg0: i32) -> (i32, i32) {
    %c0_i32 = arith.constant 0 : i32
    %c0_i32_0 = arith.constant 0 : i32
    %c0_i32_1 = arith.constant 0 : i32
    return %c0_i32, %c0_i32_0 : i32, i32
  }
  func.func @transform_3(%arg0: i32) -> (i32, i32) {
    %c0_i32 = arith.constant 0 : i32
    %c0_i32_0 = arith.constant 0 : i32
    return %arg0, %c0_i32 : i32, i32
  }
}

</mosaic_0001>

<sc_bundles>
// kernel: kernel.4.cloned.1.call-start
scs
__scs_entry_jumppad:
0x0: {  	(pc) =	sbr.rel $0x88, $3  }
0x1: {  	(tag) =	ssettag $0x0;
	lr =	simm.s32 $0x1  }
0x2: {  	[smem:$0x3F9D] =	sst lr;
	_ =	strace $0xD0000000  }
0x3: {  	_ = 	snop  }
0x4: {  	_ = 	snop  }
0x5: {  	_ = 	snop  }
0x6: {  	_ = 	snop  }
0x7: {  	_ = 	snop  }
__scs_overlays_trampoline_lowered:
0x8: {  	[smem:$0x3FAC] =	sst s0  }
0x9: {  	[smem:$0x3FAD] =	sst s1  }
0xa: {  	[smem:$0x3FAE] =	sst s2  }
0xb: {  	[smem:$0x3FAF] =	sst s3  }
0xc: {  	[smem:$0x3FB0] =	sst s4  }
0xd: {  	[smem:$0x3FB1] =	sst s5  }
0xe: {  	[smem:$0x3FB2] =	sst s6  }
0xf: {  	[smem:$0x3FB3] =	sst s7  }
0x10: {  	[smem:$0x3FB4] =	sst s8  }
0x11: {  	[smem:$0x3FB5] =	sst s9;
	s0 =	simm.s32 @!p0 $0x0  }
0x12: {  	s1 =	sld [smem:$0x3F9B];
	s0 =	simm.s32 @p0 $0x1  }
0x13: {  	[smem:$0x3FB6] =	sst s0;
	s0 =	simm.s32 @!p1 $0x0  }
0x14: {  	s2 =	sld [smem:$0x3F9A];
	s0 =	simm.s32 @p1 $0x1  }
0x15: {  	[smem:$0x3FB7] =	sst s0;
	s0 =	simm.s32 @!p2 $0x0  }
0x16: {  	s3 =	sld [smem:$0x3FDB];
	s0 =	simm.s32 @p2 $0x1  }
0x17: {  	s4 =	simm.s32 $0x1BF5;
	[smem:$0x3FB9] =	sst s0  }
0x18: {  	s0 =	sld [smem:$0x3F9C];
	_ =	swait.ge [sflag:s4], $0x0  }
0x19: {  	s7 =	sld [smem:$0x3F9D]  }
0x1a: {  	s8 =	sadd.s32 $0xFFFFE003, lr  }
0x1b: {  	s9 =	sadd.s32 $0xFFFFFEF7, lr;
	s5 =	simm.s32 $0xFFFFFFFF;
	p2 =	slt.u32 s8, $0xFFFFF086  }
0x1c: {  	p1 =	slt.u32 s9, $0xF7A;
	s5 =	simm.s32 @!p2 $0x0  }
0x1d: {  	s5 =	simm.s32 @p1 $0x1;
	p0 =	seq.s32 s7, s2  }
0x1e: {  	s7 =	smul.u32 @!p0 $0xF7A, s2;
	p2 =	seq.s32 @!p0 s5, $0x0  }
0x1f: {  	s9 =	smul.u32 $0xF7A, s1;
	s8 =	simm.s32 @!p0 $0x1BF5;
	p2 =	por !p2, p0  }
0x20: {  	[sflag:s8] =	ssyncset.s32 @!p0 $0xFFFFF086;
	s6 =	sadd.s32 @!p0 s3, s7;
	s7 =	simm.s32 @!p0 $0x108  }
0x21: {  	s3 =	sadd.s32 s3, s9;
	s6 =	sadd.s32 @!p0 $0x88, s6;
	s7 =	simm.s32 @p2 $0x1082  }
0x22: {  	[simem:s7], [sflag:s8] =	dma.local @!p0 [hbm:s6], $0xF7A  }
0x23: {  	s9 =	sor.u32 $0xD0000000, s2;
	s6 =	simm.s32 $0x108;
	_ =	swait.ge @!p0 [sflag:s8], $0x0  }
0x24: {  	s3 =	sadd.s32 $0x88, s3;
	s6 =	simm.s32 @!p1 $0x1082;
	[sflag:s4] =	ssyncset.s32 $0xFFFFF086  }
0x25: {  	[simem:s6], [sflag:s4] =	dma.local [hbm:s3], $0xF7A  }
0x26: {  	[smem:$0x3F9D] =	sst s1;
	(tag) =	ssettag s2;
	_ =	strace s9  }
0x27: {  	s1 =	sld [smem:$0x3FAD]  }
0x28: {  	s2 =	sld [smem:$0x3FAE]  }
0x29: {  	s4 =	sld [smem:$0x3FB0]  }
0x2a: {  	p0 =	seq.s32 s5, $0x0;
	s5 =	sld [smem:$0x3FB1]  }
0x2b: {  	s6 =	sld [smem:$0x3FB2]  }
0x2c: {  	s7 =	sld [smem:$0x3FB3]  }
0x2d: {  	s3 =	simm.s32 $0x108;
	s8 =	sld [smem:$0x3FB4]  }
0x2e: {  	s3 =	simm.s32 @!p0 $0x1082;
	s9 =	sld [smem:$0x3FB5]  }
0x2f: {  	lr =	sadd.s32 s0, s3;
	s0 =	sld [smem:$0x3FAC]  }
0x30: {  	s3 =	sld [smem:$0x3FAF]  }
0x31: {  	[smem:$0x3FB8] =	sst s10  }
0x32: {  	s10 =	sld [smem:$0x3FB6];
	_ =	sdelay $0x3  }
0x33: {  	p0 =	seq.s32 s10, $0x1;
	s10 =	sld [smem:$0x3FB8];
	_ =	sdelay $0x3  }
0x34: {  	[smem:$0x3FB8] =	sst s10  }
0x35: {  	s10 =	sld [smem:$0x3FB7];
	_ =	sdelay $0x3  }
0x36: {  	p1 =	seq.s32 s10, $0x1;
	s10 =	sld [smem:$0x3FB8];
	_ =	sdelay $0x3  }
0x37: {  	[smem:$0x3FB8] =	sst s10  }
0x38: {  	s10 =	sld [smem:$0x3FB9]  }
0x39: {  	_ = 	snop;
	(pc) =	sbr.ind lr, $3  }
0x3a: {  	_ = 	snop  }
0x3b: {  	_ = 	snop  }
0x3c: {  	p2 =	seq.s32 s10, $0x1;
	s10 =	sld [smem:$0x3FB8]  }
0x3d: {  	_ =	shalt  }
0x3e: {  	_ =	shalt  }
0x3f: {  	_ =	shalt  }
0x40: {  	_ =	shalt  }
0x41: {  	_ =	shalt  }
0x42: {  	_ =	shalt  }
0x43: {  	_ =	shalt  }
0x44: {  	_ =	shalt  }
0x45: {  	_ =	shalt  }
0x46: {  	_ =	shalt  }
0x47: {  	_ =	shalt  }
0x48: {  	_ =	shalt  }
0x49: {  	_ =	shalt  }
0x4a: {  	_ =	shalt  }
0x4b: {  	_ =	shalt  }
0x4c: {  	_ =	shalt  }
0x4d: {  	_ =	shalt  }
0x4e: {  	_ =	shalt  }
0x4f: {  	_ =	shalt  }
0x50: {  	_ =	shalt  }
0x51: {  	_ =	shalt  }
0x52: {  	_ =	shalt  }
0x53: {  	_ =	shalt  }
0x54: {  	_ =	shalt  }
0x55: {  	_ =	shalt  }
0x56: {  	_ =	shalt  }
0x57: {  	_ =	shalt  }
0x58: {  	_ =	shalt  }
0x59: {  	_ =	shalt  }
0x5a: {  	_ =	shalt  }
0x5b: {  	_ =	shalt  }
0x5c: {  	_ =	shalt  }
0x5d: {  	_ =	shalt  }
0x5e: {  	_ =	shalt  }
0x5f: {  	_ =	shalt  }
0x60: {  	_ =	shalt  }
0x61: {  	_ =	shalt  }
0x62: {  	_ =	shalt  }
0x63: {  	_ =	shalt  }
0x64: {  	_ =	shalt  }
0x65: {  	_ =	shalt  }
0x66: {  	_ =	shalt  }
0x67: {  	_ =	shalt  }
0x68: {  	_ =	shalt  }
0x69: {  	_ =	shalt  }
0x6a: {  	_ =	shalt  }
0x6b: {  	_ =	shalt  }
0x6c: {  	_ =	shalt  }
0x6d: {  	_ =	shalt  }
0x6e: {  	_ =	shalt  }
0x6f: {  	_ =	shalt  }
0x70: {  	_ =	shalt  }
0x71: {  	_ =	shalt  }
0x72: {  	_ =	shalt  }
0x73: {  	_ =	shalt  }
0x74: {  	_ =	shalt  }
0x75: {  	_ =	shalt  }
0x76: {  	_ =	shalt  }
0x77: {  	_ =	shalt  }
0x78: {  	_ =	shalt  }
0x79: {  	_ =	shalt  }
0x7a: {  	_ =	shalt  }
0x7b: {  	_ =	shalt  }
0x7c: {  	_ =	shalt  }
0x7d: {  	_ =	shalt  }
0x7e: {  	_ =	shalt  }
0x7f: {  	_ =	shalt  }
0x80: {  	_ =	shalt  }
0x81: {  	_ =	shalt  }
0x82: {  	_ =	shalt  }
0x83: {  	_ =	shalt  }
0x84: {  	_ =	shalt  }
0x85: {  	_ =	shalt  }
0x86: {  	_ =	shalt  }
0x87: {  	_ =	shalt  }
.Lfunc_end0:
.L_simem_size_0:
called_computation_lowered:
.L_overlay_start_0:
0x88: {  	s2 =	sld [smem:$0x3FD9]  }
0x89: {  	s3 =	sld [smem:$0x3FFE];
	_ =	sdelay $0x1  }
0x8a: {  	s1 =	srdreg.scid  }
0x8b: {  	s0 =	sand.u32 $0x1, s1  }
0x8c: {  	s17 =	sshll.u32 s0, $0xA;
	s2 =	sadd.s32 s3, s2  }
0x8d: {  	s2 =	sadd.s32 s2, s17  }
0x8e: {  	[smem:$0x3FC4] =	sst s2  }
0x8f: {  	_ = 	snop  }
0x90: {  	s2 =	sld [smem:$0x3FD0];
	(tm) =	ssettm $0x1  }
0x91: {  	s18 =	sld [smem:$0x3FFB];
	_ =	sdelay $0x3  }
0x92: {  	_ =	strace s18  }
0x93: {  	s3 =	sld [smem:$0x3FFC];
	_ =	sdelay $0x3  }
0x94: {  	_ =	strace s3  }
0x95: {  	s3 =	sld [smem:$0x3FFD];
	_ =	sdelay $0x3  }
0x96: {  	_ =	strace s3  }
0x97: {  	_ =	strace $0x8FFFFFFF  }
0x98: {  	s19 =	sld [smem:$0x3FDB];
	_ =	sdelay $0x1  }
0x99: {  	s4 =	simm.s32 $_scs_section_size  }
0x9a: {  	s5 =	simm.s32 $_size__tile_overlayer_lowered;
	s6 =	simm.s32 $_tile_overlayer_lowered  }
0x9b: {  	s22 =	simm.s32 $0x1BFF;
	s21 =	sshll.u32 s6, $0x1;
	s3 =	sadd.s32 s4, s19  }
0x9c: {  	s7 =	simm.s32 $0x0;
	s20 =	sshll.u32 s5, $0x1;
	s5 =	sadd.s32 s21, s3  }
0x9d: {  	[timem:s7], [sflag:s22] =	dma.local [hbm:s5], s20  }
0x9e: {  	_ =	swait.ge [sflag:s22], s20  }
0x9f: {  	s4 =	ssub.s32 $0x0, s20;
	[sflag:s22] =	ssyncset.done $0x0  }
0xa0: {  	[sflag:s22] =	ssyncadd.s32 s4;
	_ =	sdelay $0x1  }
0xa1: {  	s23 =	simm.s32 $0x1B8B  }
0xa2: {  	_ =	swait.ge [sflag:s23], $0x1  }
0xa3: {  	[sflag:s23] =	ssyncset.done $0x0  }
0xa4: {  	s25 =	simm.s32 $0x1B8E;
	s24 =	sld [smem:$0x3FFE];
	[sflag:s23] =	ssyncadd.s32 $0xFFFFFFFF  }
0xa5: {  	s26 =	simm.s32 $execute0_lowered;
	[smem:$0x3FD2] =	sst s25  }
0xa6: {  	s5 =	sshll.u32 s26, $0x1;
	_ =	strace $0x80000046;
	[dreg:$0x1] =	wrdreg $0xFFFFFFFF  }
0xa7: {  	s28 =	simm.s32 $_size_execute0_lowered;
	s3 =	sadd.s32 s3, s5;
	[dreg:$0x0] =	wrdreg $0x0  }
0xa8: {  	s5 =	sshll.u32 s28, $0x1;
	[dreg:$0x2] =	wrdreg s3  }
0xa9: {  	[dreg:$0x3] =	wrdreg s5  }
0xaa: {  	[dreg:$0x4] =	wrdreg $0xC0  }
0xab: {  	_ =	task [dreg:s7], $0x5FFFF  }
0xac: {  	[dreg:$0x1] =	wrdreg $0xFFFFFFFF  }
0xad: {  	[dreg:$0x0] =	wrdreg $0x60  }
0xae: {  	[dreg:$0x2] =	wrdreg s24  }
0xaf: {  	[dreg:$0x3] =	wrdreg s2  }
0xb0: {  	[dreg:$0x4] =	wrdreg $0x9  }
0xb1: {  	_ =	task.clear_ibuf [dreg:s7], $0x5FFFF;
	_ =	strace $0x90000046  }
0xb2: {  	s29 =	simm.s32 $0x9;
	_ =	strace $0x80000048  }
0xb3: {  	_ =	swait.ge [sflag:s29], $0x1  }
0xb4: {  	[sflag:s29] =	ssyncadd.s32 $0xFFFFFFFF  }
0xb5: {  	_ =	strace $0x90000048  }
0xb6: {  	_ =	sfence  }
0xb7: {  	s30 =	sld [smem:$0x0];
	_ =	sdelay $0x2  }
0xb8: {  	s31 =	sshll.u32 s1, $0xD;
	s1 =	sshrl.u32 s1, $0x2  }
0xb9: {  	s3 =	sand.u32 $0x4000, s31;
	s1 =	sadd.s32 s1, s30  }
0xba: {  	s0 =	sor.u32 s3, s0;
	s1 =	sshll.u32 s1, $0x11  }
0xbb: {  	s0 =	sor.u32 s1, s0  }
0xbc: {  	s0 =	sadd.s32 $0x8F2B, s0  }
0xbd: {  	[sflag:s0] =	ssyncadd.remote.s32 $0x1  }
0xbe: {  	_ =	sfence.sel $0xFFFF  }
0xbf: {  	[dreg:$0x0] =	wrdreg $0xFFFFFFFF;
	(pc) =	sbr.abs _section_cstart, $3  }
0xc0: {  	[dreg:$0x1] =	wrdreg $0xFFFFFFFF  }
0xc1: {  	_ =	task.clear_ibuf [dreg:s7], $0x2FFFF;
	_ =	strace $0x9FFFFFFF  }
0xc2: {  	(tm) =	ssettm $0x7FFFFFFF  }
0xc3: {  	_ =	shalt  }
tec
execute0_lowered:
.L_overlay_start_1:
0x0: {  	(tag) =	ssettag $0x1  }
0x1: {  	s0 =	rddreg [dreg:$0x0];
	s20 =	simm.s32 $0x0;
	s1 =	srdreg.scid  }
0x2: {  	s3 =	stileid.u32;
	s10 =	simm.s32 $0x4;
	s11 =	simm.s32 $0x80  }
0x3: {  	s12 =	simm.s32 $0xC80;
	s28 =	simm.s32 $0xA00;
	s29 =	simm.s32 $0xAC80  }
0x4: {  	s30 =	simm.s32 $0xA80;
	s31 =	simm.s32 $0xB480;
	s9 =	simm.s32 $0xB80  }
0x5: {  	s13 =	simm.s32 $0xCC80;
	s14 =	simm.s32 $0x1;
	s15 =	simm.s32 $0x40  }
0x6: {  	s16 =	simm.s32 $0x4000;
	s17 =	simm.s32 $0xD480;
	s18 =	simm.s32 $0x13880  }
0x7: {  	s19 =	simm.s32 $0x2;
	[smem:$0x7FF] =	sst s20;
	s1 =	sand.u32 $0x1, s1  }
0x8: {  	s3 =	sshll.u32 s3, $0x1;
	s4 =	sadd.s32 $0x400, s0;
	s5 =	sadd.s32 $0x1F0400, s0  }
0x9: {  	s8 =	sadd.s32 $0x2B8400, s0;
	s0 =	simm.s32 $0xB00;
	s2 =	ssub.s32 $0x2, s1  }
0xa: {  	_ =	strace $0x80000047;
	s1 =	sor.u32 s1, s3;
	s6 =	sshrl.u32 s2, $0x1  }
0xb: {  	s3 =	simm.s32 $0xC480;
	s7 =	sshll.u32 s1, $0x6;
	s2 =	ssub.s32 s2, s6  }
0xc: {  	v0 =	vlaneseq.u32;
	s6 =	smul.u32 $0xC8, s1;
	s1 =	simm.s32 $0xC00;
	s26 =	smax.u32 s2, $0x1  }
0xd: {  	v0 =	vmul.u32 $0x320, v0;
	s2 =	simm.s32 $0xBC80;
	[dreg:$0x4] =	wrdreg s26;
	s26 =	simm.s32 $0xA480  }
.LBB2_1:
0xe: {  	[dreg:$0x3] =	wrdreg s20;
	s20 =	simm.s32 $0x0  }
.LBB2_2:
0xf: {  	s21 =	smul.u32 $0x19, s20;
	_ =	sdelay $0x1  }
0x10: {  	s21 =	sadd.s32 s6, s21  }
0x11: {  	s22 =	rddreg [dreg:$0x1];
	s21 =	sshll.u32 s21, $0x4  }
0x12: {  	s22 =	sadd.s32 s22, s21;
	s21 =	simm.s32 $0x0  }
0x13: {  	[tilespmem:s21], [sflag:$0x4] =	stream.linear.gather [hbm4b:s22+s21], $0xC80, $0x38;
	[tilespmem:$0x19C80] =	vst v63  }
0x14: {  	_ =	swait.ge [sflag:s10], $0xC80  }
0x15: {  	[sflag:s10] =	ssyncset.done $0x0  }
0x16: {  	[sflag:s10] =	ssyncadd.s32 $0xFFFFF380  }
0x17: {  	[tilespmem:s12], [sflag:$0x1] =	stream.indirect.gather [hbm4b:s4+s11], $0x10, s21, s11, $0xb8;
	[tilespmem:$0x19C80] =	vst v63  }
0x18: {  	s24 =	simm.s32 $0x1480  }
0x19: {  	[tilespmem:s24], [sflag:$0x1] =	stream.indirect.gather [hbm4b:s4+s11], $0x10, s11, s11, $0xb8;
	[tilespmem:$0x19C80] =	vst v63  }
0x1a: {  	s25 =	simm.s32 $0x100;
	s23 =	simm.s32 $0x1C80  }
0x1b: {  	[tilespmem:s23], [sflag:$0x1] =	stream.indirect.gather [hbm4b:s4+s11], $0x10, s25, s11, $0xb8;
	[tilespmem:$0x19C80] =	vst v63  }
0x1c: {  	s24 =	simm.s32 $0x180;
	s25 =	simm.s32 $0x2480  }
0x1d: {  	[tilespmem:s25], [sflag:$0x1] =	stream.indirect.gather [hbm4b:s4+s11], $0x10, s24, s11, $0xb8;
	[tilespmem:$0x19C80] =	vst v63  }
0x1e: {  	s24 =	simm.s32 $0x200;
	s25 =	simm.s32 $0x2C80  }
0x1f: {  	[tilespmem:s25], [sflag:$0x1] =	stream.indirect.gather [hbm4b:s4+s11], $0x10, s24, s11, $0xb8;
	[tilespmem:$0x19C80] =	vst v63  }
0x20: {  	s24 =	simm.s32 $0x280;
	s25 =	simm.s32 $0x3480  }
0x21: {  	[tilespmem:s25], [sflag:$0x1] =	stream.indirect.gather [hbm4b:s4+s11], $0x10, s24, s11, $0xb8;
	[tilespmem:$0x19C80] =	vst v63  }
0x22: {  	s24 =	simm.s32 $0x300;
	s25 =	simm.s32 $0x3C80  }
0x23: {  	[tilespmem:s25], [sflag:$0x1] =	stream.indirect.gather [hbm4b:s4+s11], $0x10, s24, s11, $0xb8;
	[tilespmem:$0x19C80] =	vst v63  }
0x24: {  	s24 =	simm.s32 $0x380;
	s25 =	simm.s32 $0x4480  }
0x25: {  	[tilespmem:s25], [sflag:$0x1] =	stream.indirect.gather [hbm4b:s4+s11], $0x10, s24, s11, $0xb8;
	[tilespmem:$0x19C80] =	vst v63  }
0x26: {  	s24 =	simm.s32 $0x400;
	s25 =	simm.s32 $0x4C80  }
0x27: {  	[tilespmem:s25], [sflag:$0x1] =	stream.indirect.gather [hbm4b:s4+s11], $0x10, s24, s11, $0xb8;
	[tilespmem:$0x19C80] =	vst v63  }
0x28: {  	s24 =	simm.s32 $0x480;
	s25 =	simm.s32 $0x5480  }
0x29: {  	[tilespmem:s25], [sflag:$0x1] =	stream.indirect.gather [hbm4b:s4+s11], $0x10, s24, s11, $0xb8;
	[tilespmem:$0x19C80] =	vst v63  }
0x2a: {  	s24 =	simm.s32 $0x500;
	s25 =	simm.s32 $0x5C80  }
0x2b: {  	[tilespmem:s25], [sflag:$0x1] =	stream.indirect.gather [hbm4b:s4+s11], $0x10, s24, s11, $0xb8;
	[tilespmem:$0x19C80] =	vst v63  }
0x2c: {  	s24 =	simm.s32 $0x580;
	s25 =	simm.s32 $0x6480  }
0x2d: {  	[tilespmem:s25], [sflag:$0x1] =	stream.indirect.gather [hbm4b:s4+s11], $0x10, s24, s11, $0xb8;
	[tilespmem:$0x19C80] =	vst v63  }
0x2e: {  	s24 =	simm.s32 $0x600;
	s25 =	simm.s32 $0x6C80  }
0x2f: {  	[tilespmem:s25], [sflag:$0x1] =	stream.indirect.gather [hbm4b:s4+s11], $0x10, s24, s11, $0xb8;
	[tilespmem:$0x19C80] =	vst v63  }
0x30: {  	s24 =	simm.s32 $0x680;
	s25 =	simm.s32 $0x7480  }
0x31: {  	[tilespmem:s25], [sflag:$0x1] =	stream.indirect.gather [hbm4b:s4+s11], $0x10, s24, s11, $0xb8;
	[tilespmem:$0x19C80] =	vst v63  }
0x32: {  	s24 =	simm.s32 $0x700;
	s25 =	simm.s32 $0x7C80  }
0x33: {  	[tilespmem:s25], [sflag:$0x1] =	stream.indirect.gather [hbm4b:s4+s11], $0x10, s24, s11, $0xb8;
	[tilespmem:$0x19C80] =	vst v63  }
0x34: {  	s24 =	simm.s32 $0x780;
	s25 =	simm.s32 $0x8480  }
0x35: {  	[tilespmem:s25], [sflag:$0x1] =	stream.indirect.gather [hbm4b:s4+s11], $0x10, s24, s11, $0xb8;
	[tilespmem:$0x19C80] =	vst v63  }
0x36: {  	s24 =	simm.s32 $0x800;
	s25 =	simm.s32 $0x8C80  }
0x37: {  	[tilespmem:s25], [sflag:$0x1] =	stream.indirect.gather [hbm4b:s4+s11], $0x10, s24, s11, $0xb8;
	[tilespmem:$0x19C80] =	vst v63  }
0x38: {  	s24 =	simm.s32 $0x880;
	s25 =	simm.s32 $0x9480  }
0x39: {  	[tilespmem:s25], [sflag:$0x1] =	stream.indirect.gather [hbm4b:s4+s11], $0x10, s24, s11, $0xb8;
	[tilespmem:$0x19C80] =	vst v63  }
0x3a: {  	s23 =	simm.s32 $0x900;
	s24 =	simm.s32 $0x9C80  }
0x3b: {  	[tilespmem:s24], [sflag:$0x1] =	stream.indirect.gather [hbm4b:s4+s11], $0x10, s23, s11, $0xb8;
	[tilespmem:$0x19C80] =	vst v63  }
0x3c: {  	s25 =	simm.s32 $0x980  }
0x3d: {  	[tilespmem:s26], [sflag:$0x1] =	stream.indirect.gather [hbm4b:s4+s11], $0x10, s25, s11, $0xb8;
	[tilespmem:$0x19C80] =	vst v63  }
0x3e: {  	_ = 	snop  }
0x3f: {  	[tilespmem:s29], [sflag:$0x1] =	stream.indirect.gather [hbm4b:s4+s11], $0x10, s28, s11, $0xb8;
	[tilespmem:$0x19C80] =	vst v63  }
0x40: {  	_ = 	snop  }
0x41: {  	[tilespmem:s31], [sflag:$0x1] =	stream.indirect.gather [hbm4b:s4+s11], $0x10, s30, s11, $0xb8;
	[tilespmem:$0x19C80] =	vst v63  }
0x42: {  	_ = 	snop  }
0x43: {  	[tilespmem:s2], [sflag:$0x1] =	stream.indirect.gather [hbm4b:s4+s11], $0x10, s0, s11, $0xb8;
	[tilespmem:$0x19C80] =	vst v63  }
0x44: {  	_ = 	snop  }
0x45: {  	[tilespmem:s3], [sflag:$0x1] =	stream.indirect.gather [hbm4b:s4+s11], $0x10, s9, s11, $0xb8;
	[tilespmem:$0x19C80] =	vst v63  }
0x46: {  	_ = 	snop  }
0x47: {  	[tilespmem:s13], [sflag:$0x1] =	stream.indirect.gather [hbm4b:s4+s11], $0x10, s1, s11, $0xb8;
	[tilespmem:$0x19C80] =	vst v63  }
0x48: {  	_ =	swait.ge [sflag:s14], $0x800  }
0x49: {  	[sflag:s14] =	ssyncset.done $0x0  }
0x4a: {  	[sflag:s14] =	ssyncadd.s32 $0xFFFFF800  }
0x4b: {  	_ =	swait.ge [sflag:s14], $0x800  }
0x4c: {  	[sflag:s14] =	ssyncset.done $0x0  }
0x4d: {  	[sflag:s14] =	ssyncadd.s32 $0xFFFFF800  }
0x4e: {  	_ =	swait.ge [sflag:s14], $0x800  }
0x4f: {  	[sflag:s14] =	ssyncset.done $0x0  }
0x50: {  	[sflag:s14] =	ssyncadd.s32 $0xFFFFF800  }
0x51: {  	_ =	swait.ge [sflag:s14], $0x800  }
0x52: {  	[sflag:s14] =	ssyncset.done $0x0  }
0x53: {  	[sflag:s14] =	ssyncadd.s32 $0xFFFFF800  }
0x54: {  	_ =	swait.ge [sflag:s14], $0x800  }
0x55: {  	[sflag:s14] =	ssyncset.done $0x0  }
0x56: {  	[sflag:s14] =	ssyncadd.s32 $0xFFFFF800  }
0x57: {  	_ =	swait.ge [sflag:s14], $0x800  }
0x58: {  	[sflag:s14] =	ssyncset.done $0x0  }
0x59: {  	[sflag:s14] =	ssyncadd.s32 $0xFFFFF800  }
0x5a: {  	_ =	swait.ge [sflag:s14], $0x800  }
0x5b: {  	[sflag:s14] =	ssyncset.done $0x0  }
0x5c: {  	[sflag:s14] =	ssyncadd.s32 $0xFFFFF800  }
0x5d: {  	_ =	swait.ge [sflag:s14], $0x800  }
0x5e: {  	[sflag:s14] =	ssyncset.done $0x0  }
0x5f: {  	[sflag:s14] =	ssyncadd.s32 $0xFFFFF800  }
0x60: {  	_ =	swait.ge [sflag:s14], $0x800  }
0x61: {  	[sflag:s14] =	ssyncset.done $0x0  }
0x62: {  	[sflag:s14] =	ssyncadd.s32 $0xFFFFF800  }
0x63: {  	_ =	swait.ge [sflag:s14], $0x800  }
0x64: {  	[sflag:s14] =	ssyncset.done $0x0  }
0x65: {  	[sflag:s14] =	ssyncadd.s32 $0xFFFFF800  }
0x66: {  	_ =	swait.ge [sflag:s14], $0x800  }
0x67: {  	[sflag:s14] =	ssyncset.done $0x0  }
0x68: {  	[sflag:s14] =	ssyncadd.s32 $0xFFFFF800  }
0x69: {  	_ =	swait.ge [sflag:s14], $0x800  }
0x6a: {  	[sflag:s14] =	ssyncset.done $0x0  }
0x6b: {  	[sflag:s14] =	ssyncadd.s32 $0xFFFFF800  }
0x6c: {  	_ =	swait.ge [sflag:s14], $0x800  }
0x6d: {  	[sflag:s14] =	ssyncset.done $0x0  }
0x6e: {  	[sflag:s14] =	ssyncadd.s32 $0xFFFFF800  }
0x6f: {  	_ =	swait.ge [sflag:s14], $0x800  }
0x70: {  	[sflag:s14] =	ssyncset.done $0x0  }
0x71: {  	[sflag:s14] =	ssyncadd.s32 $0xFFFFF800  }
0x72: {  	_ =	swait.ge [sflag:s14], $0x800  }
0x73: {  	[sflag:s14] =	ssyncset.done $0x0  }
0x74: {  	[sflag:s14] =	ssyncadd.s32 $0xFFFFF800  }
0x75: {  	_ =	swait.ge [sflag:s14], $0x800  }
0x76: {  	[sflag:s14] =	ssyncset.done $0x0  }
0x77: {  	[sflag:s14] =	ssyncadd.s32 $0xFFFFF800  }
0x78: {  	_ =	swait.ge [sflag:s14], $0x800  }
0x79: {  	[sflag:s14] =	ssyncset.done $0x0  }
0x7a: {  	[sflag:s14] =	ssyncadd.s32 $0xFFFFF800  }
0x7b: {  	_ =	swait.ge [sflag:s14], $0x800  }
0x7c: {  	[sflag:s14] =	ssyncset.done $0x0  }
0x7d: {  	[sflag:s14] =	ssyncadd.s32 $0xFFFFF800  }
0x7e: {  	_ =	swait.ge [sflag:s14], $0x800  }
0x7f: {  	[sflag:s14] =	ssyncset.done $0x0  }
0x80: {  	[sflag:s14] =	ssyncadd.s32 $0xFFFFF800  }
0x81: {  	_ =	swait.ge [sflag:s14], $0x800  }
0x82: {  	[sflag:s14] =	ssyncset.done $0x0  }
0x83: {  	[sflag:s14] =	ssyncadd.s32 $0xFFFFF800  }
0x84: {  	_ =	swait.ge [sflag:s14], $0x800  }
0x85: {  	[sflag:s14] =	ssyncset.done $0x0  }
0x86: {  	[sflag:s14] =	ssyncadd.s32 $0xFFFFF800  }
0x87: {  	_ =	swait.ge [sflag:s14], $0x800  }
0x88: {  	[sflag:s14] =	ssyncset.done $0x0  }
0x89: {  	[sflag:s14] =	ssyncadd.s32 $0xFFFFF800  }
0x8a: {  	_ =	swait.ge [sflag:s14], $0x800  }
0x8b: {  	[sflag:s14] =	ssyncset.done $0x0  }
0x8c: {  	v1 =	vmov s21;
	[sflag:s14] =	ssyncadd.s32 $0xFFFFF800  }
0x8d: {  	v1 =	vshll.u32 v1, $0x4;
	_ =	swait.ge [sflag:s14], $0x800  }
0x8e: {  	v1 =	vadd.s32 v0, v1;
	[sflag:s14] =	ssyncset.done $0x0  }
0x8f: {  	[sflag:s14] =	ssyncadd.s32 $0xFFFFF800  }
0x90: {  	_ =	swait.ge [sflag:s14], $0x800  }
0x91: {  	s23 =	simm.s32 $0x320;
	[sflag:s14] =	ssyncset.done $0x0  }
0x92: {  	v2 =	vmov s23;
	[sflag:s14] =	ssyncadd.s32 $0xFFFFF800  }
0x93: {  	v2 =	vshll.u32 v2, $0x4;
	v3 =	vld.idx.msk [tilespmem:v1+s12+$0x0], $0xffff  }
0x94: {  	v2 =	vadd.s32 v0, v2;
	_ =	sdelay $0x2  }
0x95: {  	s21 =	simm.s32 $0xD680;
	s24 =	simm.s32 $0x640  }
0x96: {  	[tilespmem:s21+$0xFFFFFE00] =	vst v3;
	v3 =	vmov s24  }
0x97: {  	v4 =	vld.idx.msk [tilespmem:v2+s12+$0x0], $0xffff;
	v3 =	vshll.u32 v3, $0x4  }
0x98: {  	v3 =	vadd.s32 v0, v3;
	_ =	sdelay $0x2  }
0x99: {  	s25 =	simm.s32 $0x960  }
0x9a: {  	v8 =	vmov s25;
	[tilespmem:s21+$0xFFFFFE10] =	vst v4  }
0x9b: {  	v4 =	vshll.u32 v8, $0x4;
	v5 =	vld.idx.msk [tilespmem:v3+s12+$0x0], $0xffff  }
0x9c: {  	v4 =	vadd.s32 v0, v4;
	_ =	sdelay $0x3  }
0x9d: {  	[tilespmem:s21+$0xFFFFFE20] =	vst v5  }
0x9e: {  	v5 =	vld.idx.msk [tilespmem:v4+s12+$0x0], $0xffff  }
0x9f: {  	v6 =	vor.u32 $0x1, v1;
	_ =	sdelay $0x3  }
0xa0: {  	[tilespmem:s21+$0xFFFFFE30] =	vst v5  }
0xa1: {  	v5 =	vld.idx.msk [tilespmem:v6+s12+$0x0], $0xffff  }
0xa2: {  	v9 =	vor.u32 $0x1, v2;
	_ =	sdelay $0x3  }
0xa3: {  	[tilespmem:s21+$0xFFFFFE40] =	vst v5  }
0xa4: {  	v5 =	vld.idx.msk [tilespmem:v9+s12+$0x0], $0xffff  }
0xa5: {  	v10 =	vor.u32 $0x1, v3;
	_ =	sdelay $0x3  }
0xa6: {  	[tilespmem:s21+$0xFFFFFE50] =	vst v5  }
0xa7: {  	v5 =	vld.idx.msk [tilespmem:v10+s12+$0x0], $0xffff  }
0xa8: {  	v11 =	vor.u32 $0x1, v4;
	_ =	sdelay $0x3  }
0xa9: {  	[tilespmem:s21+$0xFFFFFE60] =	vst v5  }
0xaa: {  	v5 =	vld.idx.msk [tilespmem:v11+s12+$0x0], $0xffff  }
0xab: {  	v12 =	vor.u32 $0x2, v1;
	_ =	sdelay $0x3  }
0xac: {  	[tilespmem:s21+$0xFFFFFE70] =	vst v5  }
0xad: {  	v5 =	vld.idx.msk [tilespmem:v12+s12+$0x0], $0xffff  }
0xae: {  	v13 =	vor.u32 $0x2, v2;
	_ =	sdelay $0x3  }
0xaf: {  	[tilespmem:s21+$0xFFFFFE80] =	vst v5  }
0xb0: {  	v5 =	vld.idx.msk [tilespmem:v13+s12+$0x0], $0xffff  }
0xb1: {  	v14 =	vor.u32 $0x2, v3;
	_ =	sdelay $0x3  }
0xb2: {  	[tilespmem:s21+$0xFFFFFE90] =	vst v5  }
0xb3: {  	v5 =	vld.idx.msk [tilespmem:v14+s12+$0x0], $0xffff  }
0xb4: {  	v15 =	vor.u32 $0x2, v4;
	_ =	sdelay $0x3  }
0xb5: {  	[tilespmem:s21+$0xFFFFFEA0] =	vst v5  }
0xb6: {  	v5 =	vld.idx.msk [tilespmem:v15+s12+$0x0], $0xffff  }
0xb7: {  	v16 =	vor.u32 $0x3, v1;
	_ =	sdelay $0x3  }
0xb8: {  	[tilespmem:s21+$0xFFFFFEB0] =	vst v5  }
0xb9: {  	v5 =	vld.idx.msk [tilespmem:v16+s12+$0x0], $0xffff  }
0xba: {  	v17 =	vor.u32 $0x3, v2;
	_ =	sdelay $0x3  }
0xbb: {  	[tilespmem:s21+$0xFFFFFEC0] =	vst v5  }
0xbc: {  	v5 =	vld.idx.msk [tilespmem:v17+s12+$0x0], $0xffff  }
0xbd: {  	v18 =	vor.u32 $0x3, v3;
	_ =	sdelay $0x3  }
0xbe: {  	[tilespmem:s21+$0xFFFFFED0] =	vst v5  }
0xbf: {  	v5 =	vld.idx.msk [tilespmem:v18+s12+$0x0], $0xffff  }
0xc0: {  	v19 =	vor.u32 $0x3, v4;
	_ =	sdelay $0x3  }
0xc1: {  	[tilespmem:s21+$0xFFFFFEE0] =	vst v5  }
0xc2: {  	v5 =	vld.idx.msk [tilespmem:v19+s12+$0x0], $0xffff  }
0xc3: {  	v20 =	vor.u32 $0x4, v1;
	_ =	sdelay $0x3  }
0xc4: {  	[tilespmem:s21+$0xFFFFFEF0] =	vst v5  }
0xc5: {  	v5 =	vld.idx.msk [tilespmem:v20+s12+$0x0], $0xffff  }
0xc6: {  	v21 =	vor.u32 $0x4, v2;
	_ =	sdelay $0x3  }
0xc7: {  	[tilespmem:s21+$0xFFFFFF00] =	vst v5  }
0xc8: {  	v5 =	vld.idx.msk [tilespmem:v21+s12+$0x0], $0xffff  }
0xc9: {  	v22 =	vor.u32 $0x4, v3;
	_ =	sdelay $0x3  }
0xca: {  	[tilespmem:s21+$0xFFFFFF10] =	vst v5  }
0xcb: {  	v5 =	vld.idx.msk [tilespmem:v22+s12+$0x0], $0xffff  }
0xcc: {  	v23 =	vor.u32 $0x4, v4;
	_ =	sdelay $0x3  }
0xcd: {  	[tilespmem:s21+$0xFFFFFF20] =	vst v5  }
0xce: {  	v5 =	vld.idx.msk [tilespmem:v23+s12+$0x0], $0xffff  }
0xcf: {  	v24 =	vor.u32 $0x5, v1;
	_ =	sdelay $0x3  }
0xd0: {  	[tilespmem:s21+$0xFFFFFF30] =	vst v5  }
0xd1: {  	v5 =	vld.idx.msk [tilespmem:v24+s12+$0x0], $0xffff  }
0xd2: {  	v25 =	vor.u32 $0x5, v2;
	_ =	sdelay $0x3  }
0xd3: {  	[tilespmem:s21+$0xFFFFFF40] =	vst v5  }
0xd4: {  	v5 =	vld.idx.msk [tilespmem:v25+s12+$0x0], $0xffff  }
0xd5: {  	v26 =	vor.u32 $0x5, v3;
	_ =	sdelay $0x3  }
0xd6: {  	[tilespmem:s21+$0xFFFFFF50] =	vst v5  }
0xd7: {  	v5 =	vld.idx.msk [tilespmem:v26+s12+$0x0], $0xffff  }
0xd8: {  	v27 =	vor.u32 $0x5, v4;
	_ =	sdelay $0x3  }
0xd9: {  	[tilespmem:s21+$0xFFFFFF60] =	vst v5  }
0xda: {  	v5 =	vld.idx.msk [tilespmem:v27+s12+$0x0], $0xffff  }
0xdb: {  	v28 =	vor.u32 $0x6, v1;
	_ =	sdelay $0x3  }
0xdc: {  	[tilespmem:s21+$0xFFFFFF70] =	vst v5  }
0xdd: {  	v5 =	vld.idx.msk [tilespmem:v28+s12+$0x0], $0xffff  }
0xde: {  	v29 =	vor.u32 $0x6, v2;
	_ =	sdelay $0x3  }
0xdf: {  	[tilespmem:s21+$0xFFFFFF80] =	vst v5  }
0xe0: {  	v5 =	vld.idx.msk [tilespmem:v29+s12+$0x0], $0xffff  }
0xe1: {  	v30 =	vor.u32 $0x6, v3;
	_ =	sdelay $0x3  }
0xe2: {  	[tilespmem:s21+$0xFFFFFF90] =	vst v5  }
0xe3: {  	v5 =	vld.idx.msk [tilespmem:v30+s12+$0x0], $0xffff  }
0xe4: {  	v31 =	vor.u32 $0x6, v4;
	_ =	sdelay $0x3  }
0xe5: {  	[tilespmem:s21+$0xFFFFFFA0] =	vst v5  }
0xe6: {  	v5 =	vld.idx.msk [tilespmem:v31+s12+$0x0], $0xffff  }
0xe7: {  	v32 =	vor.u32 $0x7, v1;
	_ =	sdelay $0x3  }
0xe8: {  	[tilespmem:s21+$0xFFFFFFB0] =	vst v5  }
0xe9: {  	v5 =	vld.idx.msk [tilespmem:v32+s12+$0x0], $0xffff  }
0xea: {  	v33 =	vor.u32 $0x7, v2;
	_ =	sdelay $0x3  }
0xeb: {  	[tilespmem:s21+$0xFFFFFFC0] =	vst v5  }
0xec: {  	v5 =	vld.idx.msk [tilespmem:v33+s12+$0x0], $0xffff  }
0xed: {  	v34 =	vor.u32 $0x7, v3;
	_ =	sdelay $0x3  }
0xee: {  	[tilespmem:s21+$0xFFFFFFD0] =	vst v5  }
0xef: {  	v5 =	vld.idx.msk [tilespmem:v34+s12+$0x0], $0xffff  }
0xf0: {  	v35 =	vor.u32 $0x7, v4;
	_ =	sdelay $0x3  }
0xf1: {  	[tilespmem:s21+$0xFFFFFFE0] =	vst v5  }
0xf2: {  	v5 =	vld.idx.msk [tilespmem:v35+s12+$0x0], $0xffff  }
0xf3: {  	v36 =	vor.u32 $0x8, v1;
	_ =	sdelay $0x3  }
0xf4: {  	[tilespmem:s21+$0xFFFFFFF0] =	vst v5  }
0xf5: {  	v5 =	vld.idx.msk [tilespmem:v36+s12+$0x0], $0xffff  }
0xf6: {  	v37 =	vor.u32 $0x8, v2;
	_ =	sdelay $0x3  }
0xf7: {  	[tilespmem:s21+$0x0] =	vst v5  }
0xf8: {  	v5 =	vld.idx.msk [tilespmem:v37+s12+$0x0], $0xffff  }
0xf9: {  	v38 =	vor.u32 $0x8, v3;
	_ =	sdelay $0x3  }
0xfa: {  	[tilespmem:s21+$0x10] =	vst v5  }
0xfb: {  	v5 =	vld.idx.msk [tilespmem:v38+s12+$0x0], $0xffff  }
0xfc: {  	v39 =	vor.u32 $0x8, v4;
	_ =	sdelay $0x3  }
0xfd: {  	[tilespmem:s21+$0x20] =	vst v5  }
0xfe: {  	v5 =	vld.idx.msk [tilespmem:v39+s12+$0x0], $0xffff  }
0xff: {  	v40 =	vor.u32 $0x9, v1;
	_ =	sdelay $0x3  }
0x100: {  	[tilespmem:s21+$0x30] =	vst v5  }
0x101: {  	v5 =	vld.idx.msk [tilespmem:v40+s12+$0x0], $0xffff  }
0x102: {  	v41 =	vor.u32 $0x9, v2;
	_ =	sdelay $0x3  }
0x103: {  	[tilespmem:s21+$0x40] =	vst v5  }
0x104: {  	v5 =	vld.idx.msk [tilespmem:v41+s12+$0x0], $0xffff  }
0x105: {  	v42 =	vor.u32 $0x9, v3;
	_ =	sdelay $0x3  }
0x106: {  	[tilespmem:s21+$0x50] =	vst v5  }
0x107: {  	v5 =	vld.idx.msk [tilespmem:v42+s12+$0x0], $0xffff  }
0x108: {  	v43 =	vor.u32 $0x9, v4;
	_ =	sdelay $0x3  }
0x109: {  	[tilespmem:s21+$0x60] =	vst v5  }
0x10a: {  	v5 =	vld.idx.msk [tilespmem:v43+s12+$0x0], $0xffff  }
0x10b: {  	v44 =	vor.u32 $0xA, v1;
	_ =	sdelay $0x3  }
0x10c: {  	[tilespmem:s21+$0x70] =	vst v5  }
0x10d: {  	v5 =	vld.idx.msk [tilespmem:v44+s12+$0x0], $0xffff  }
0x10e: {  	v45 =	vor.u32 $0xA, v2;
	_ =	sdelay $0x3  }
0x10f: {  	[tilespmem:s21+$0x80] =	vst v5  }
0x110: {  	v5 =	vld.idx.msk [tilespmem:v45+s12+$0x0], $0xffff  }
0x111: {  	v46 =	vor.u32 $0xA, v3;
	_ =	sdelay $0x3  }
0x112: {  	[tilespmem:s21+$0x90] =	vst v5  }
0x113: {  	v5 =	vld.idx.msk [tilespmem:v46+s12+$0x0], $0xffff  }
0x114: {  	v47 =	vor.u32 $0xA, v4;
	_ =	sdelay $0x3  }
0x115: {  	[tilespmem:s21+$0xA0] =	vst v5  }
0x116: {  	v5 =	vld.idx.msk [tilespmem:v47+s12+$0x0], $0xffff  }
0x117: {  	v48 =	vor.u32 $0xB, v1;
	_ =	sdelay $0x3  }
0x118: {  	[tilespmem:s21+$0xB0] =	vst v5  }
0x119: {  	v5 =	vld.idx.msk [tilespmem:v48+s12+$0x0], $0xffff  }
0x11a: {  	v49 =	vor.u32 $0xB, v2;
	_ =	sdelay $0x3  }
0x11b: {  	[tilespmem:s21+$0xC0] =	vst v5  }
0x11c: {  	v5 =	vld.idx.msk [tilespmem:v49+s12+$0x0], $0xffff  }
0x11d: {  	v50 =	vor.u32 $0xB, v3;
	_ =	sdelay $0x3  }
0x11e: {  	[tilespmem:s21+$0xD0] =	vst v5  }
0x11f: {  	v5 =	vld.idx.msk [tilespmem:v50+s12+$0x0], $0xffff  }
0x120: {  	v51 =	vor.u32 $0xB, v4;
	_ =	sdelay $0x3  }
0x121: {  	[tilespmem:s21+$0xE0] =	vst v5  }
0x122: {  	v5 =	vld.idx.msk [tilespmem:v51+s12+$0x0], $0xffff  }
0x123: {  	v52 =	vor.u32 $0xC, v1;
	_ =	sdelay $0x3  }
0x124: {  	[tilespmem:s21+$0xF0] =	vst v5  }
0x125: {  	v5 =	vld.idx.msk [tilespmem:v52+s12+$0x0], $0xffff  }
0x126: {  	v53 =	vor.u32 $0xC, v2;
	_ =	sdelay $0x3  }
0x127: {  	[tilespmem:s21+$0x100] =	vst v5  }
0x128: {  	v5 =	vld.idx.msk [tilespmem:v53+s12+$0x0], $0xffff  }
0x129: {  	v54 =	vor.u32 $0xC, v3;
	_ =	sdelay $0x3  }
0x12a: {  	[tilespmem:s21+$0x110] =	vst v5  }
0x12b: {  	v5 =	vld.idx.msk [tilespmem:v54+s12+$0x0], $0xffff  }
0x12c: {  	v55 =	vor.u32 $0xC, v4;
	_ =	sdelay $0x3  }
0x12d: {  	[tilespmem:s21+$0x120] =	vst v5  }
0x12e: {  	v5 =	vld.idx.msk [tilespmem:v55+s12+$0x0], $0xffff  }
0x12f: {  	v56 =	vor.u32 $0xD, v1;
	_ =	sdelay $0x3  }
0x130: {  	[tilespmem:s21+$0x130] =	vst v5  }
0x131: {  	v5 =	vld.idx.msk [tilespmem:v56+s12+$0x0], $0xffff  }
0x132: {  	v57 =	vor.u32 $0xD, v2;
	_ =	sdelay $0x3  }
0x133: {  	[tilespmem:s21+$0x140] =	vst v5  }
0x134: {  	v5 =	vld.idx.msk [tilespmem:v57+s12+$0x0], $0xffff  }
0x135: {  	v58 =	vor.u32 $0xD, v3;
	_ =	sdelay $0x3  }
0x136: {  	[tilespmem:s21+$0x150] =	vst v5  }
0x137: {  	v5 =	vld.idx.msk [tilespmem:v58+s12+$0x0], $0xffff  }
0x138: {  	v59 =	vor.u32 $0xD, v4;
	_ =	sdelay $0x3  }
0x139: {  	[tilespmem:s21+$0x160] =	vst v5  }
0x13a: {  	v5 =	vld.idx.msk [tilespmem:v59+s12+$0x0], $0xffff  }
0x13b: {  	v60 =	vor.u32 $0xE, v1;
	_ =	sdelay $0x3  }
0x13c: {  	[tilespmem:s21+$0x170] =	vst v5  }
0x13d: {  	v5 =	vld.idx.msk [tilespmem:v60+s12+$0x0], $0xffff  }
0x13e: {  	v61 =	vor.u32 $0xE, v2;
	_ =	sdelay $0x3  }
0x13f: {  	[tilespmem:s21+$0x180] =	vst v5  }
0x140: {  	v5 =	vld.idx.msk [tilespmem:v61+s12+$0x0], $0xffff  }
0x141: {  	v62 =	vor.u32 $0xE, v3;
	_ =	sdelay $0x3  }
0x142: {  	[tilespmem:s21+$0x190] =	vst v5  }
0x143: {  	v5 =	vld.idx.msk [tilespmem:v62+s12+$0x0], $0xffff  }
0x144: {  	v63 =	vor.u32 $0xE, v4;
	_ =	sdelay $0x3  }
0x145: {  	[tilespmem:s21+$0x1A0] =	vst v5  }
0x146: {  	v5 =	vld.idx.msk [tilespmem:v63+s12+$0x0], $0xffff  }
0x147: {  	v1 =	vor.u32 $0xF, v1;
	_ =	sdelay $0x3  }
0x148: {  	[tilespmem:s21+$0x1B0] =	vst v5  }
0x149: {  	v1 =	vld.idx.msk [tilespmem:v1+s12+$0x0], $0xffff  }
0x14a: {  	v2 =	vor.u32 $0xF, v2;
	_ =	sdelay $0x3  }
0x14b: {  	[tilespmem:s21+$0x1C0] =	vst v1  }
0x14c: {  	v1 =	vld.idx.msk [tilespmem:v2+s12+$0x0], $0xffff  }
0x14d: {  	v2 =	vor.u32 $0xF, v3;
	_ =	sdelay $0x3  }
0x14e: {  	[tilespmem:s21+$0x1D0] =	vst v1  }
0x14f: {  	v1 =	vld.idx.msk [tilespmem:v2+s12+$0x0], $0xffff  }
0x150: {  	v2 =	vor.u32 $0xF, v4;
	_ =	sdelay $0x3  }
0x151: {  	s22 =	simm.s32 $0x1;
	[tilespmem:s21+$0x1E0] =	vst v1  }
0x152: {  	s23 =	simm.s32 $0x2;
	v1 =	vmov s22;
	v2 =	vld.idx.msk [tilespmem:v2+s12+$0x0], $0xffff  }
.LBB2_3:
0x153: {  	p0 =	sne.s32 s23, $0x18;
	v1 =	vshll.u32 v1, $0x4  }
0x154: {  	v1 =	vadd.s32 v0, v1;
	_ =	sdelay $0x3  }
0x155: {  	s24 =	sadd.s32 $0x320, s22;
	[tilespmem:s21+$0x1F0] =	vst v2  }
0x156: {  	v2 =	vmov s24;
	v3 =	vld.idx.msk [tilespmem:v1+s12+$0x0], $0xffff  }
0x157: {  	v2 =	vshll.u32 v2, $0x4  }
0x158: {  	v2 =	vadd.s32 v0, v2;
	_ =	sdelay $0x2  }
0x159: {  	s21 =	sadd.s32 $0x400, s21  }
0x15a: {  	s24 =	sadd.s32 $0x640, s22;
	[tilespmem:s21+$0xFFFFFE00] =	vst v3  }
0x15b: {  	v3 =	vmov s24;
	v4 =	vld.idx.msk [tilespmem:v2+s12+$0x0], $0xffff  }
0x15c: {  	v3 =	vshll.u32 v3, $0x4  }
0x15d: {  	v3 =	vadd.s32 v0, v3;
	_ =	sdelay $0x3  }
0x15e: {  	s24 =	sadd.s32 $0x960, s22;
	s22 =	smov.u32 s23;
	[tilespmem:s21+$0xFFFFFE10] =	vst v4  }
0x15f: {  	v4 =	vmov s24;
	v5 =	vld.idx.msk [tilespmem:v3+s12+$0x0], $0xffff  }
0x160: {  	v4 =	vshll.u32 v4, $0x4  }
0x161: {  	v4 =	vadd.s32 v0, v4;
	_ =	sdelay $0x3  }
0x162: {  	[tilespmem:s21+$0xFFFFFE20] =	vst v5  }
0x163: {  	v5 =	vld.idx.msk [tilespmem:v4+s12+$0x0], $0xffff;
	_ =	sdelay $0x1  }
0x164: {  	v6 =	vor.u32 $0x1, v1;
	_ =	sdelay $0x3  }
0x165: {  	[tilespmem:s21+$0xFFFFFE30] =	vst v5  }
0x166: {  	v5 =	vld.idx.msk [tilespmem:v6+s12+$0x0], $0xffff;
	_ =	sdelay $0x1  }
0x167: {  	v6 =	vor.u32 $0x1, v2;
	_ =	sdelay $0x3  }
0x168: {  	[tilespmem:s21+$0xFFFFFE40] =	vst v5  }
0x169: {  	v5 =	vld.idx.msk [tilespmem:v6+s12+$0x0], $0xffff;
	_ =	sdelay $0x1  }
0x16a: {  	v6 =	vor.u32 $0x1, v3;
	_ =	sdelay $0x3  }
0x16b: {  	[tilespmem:s21+$0xFFFFFE50] =	vst v5  }
0x16c: {  	v5 =	vld.idx.msk [tilespmem:v6+s12+$0x0], $0xffff;
	_ =	sdelay $0x1  }
0x16d: {  	v6 =	vor.u32 $0x1, v4;
	_ =	sdelay $0x3  }
0x16e: {  	[tilespmem:s21+$0xFFFFFE60] =	vst v5  }
0x16f: {  	v5 =	vld.idx.msk [tilespmem:v6+s12+$0x0], $0xffff;
	_ =	sdelay $0x1  }
0x170: {  	v6 =	vor.u32 $0x2, v1;
	_ =	sdelay $0x3  }
0x171: {  	[tilespmem:s21+$0xFFFFFE70] =	vst v5  }
0x172: {  	v5 =	vld.idx.msk [tilespmem:v6+s12+$0x0], $0xffff;
	_ =	sdelay $0x1  }
0x173: {  	v6 =	vor.u32 $0x2, v2;
	_ =	sdelay $0x3  }
0x174: {  	[tilespmem:s21+$0xFFFFFE80] =	vst v5  }
0x175: {  	v5 =	vld.idx.msk [tilespmem:v6+s12+$0x0], $0xffff;
	_ =	sdelay $0x1  }
0x176: {  	v6 =	vor.u32 $0x2, v3;
	_ =	sdelay $0x3  }
0x177: {  	[tilespmem:s21+$0xFFFFFE90] =	vst v5  }
0x178: {  	v5 =	vld.idx.msk [tilespmem:v6+s12+$0x0], $0xffff;
	_ =	sdelay $0x1  }
0x179: {  	v6 =	vor.u32 $0x2, v4;
	_ =	sdelay $0x3  }
0x17a: {  	[tilespmem:s21+$0xFFFFFEA0] =	vst v5  }
0x17b: {  	v5 =	vld.idx.msk [tilespmem:v6+s12+$0x0], $0xffff;
	_ =	sdelay $0x1  }
0x17c: {  	v6 =	vor.u32 $0x3, v1;
	_ =	sdelay $0x3  }
0x17d: {  	[tilespmem:s21+$0xFFFFFEB0] =	vst v5  }
0x17e: {  	v5 =	vld.idx.msk [tilespmem:v6+s12+$0x0], $0xffff;
	_ =	sdelay $0x1  }
0x17f: {  	v6 =	vor.u32 $0x3, v2;
	_ =	sdelay $0x3  }
0x180: {  	[tilespmem:s21+$0xFFFFFEC0] =	vst v5  }
0x181: {  	v5 =	vld.idx.msk [tilespmem:v6+s12+$0x0], $0xffff;
	_ =	sdelay $0x1  }
0x182: {  	v6 =	vor.u32 $0x3, v3;
	_ =	sdelay $0x3  }
0x183: {  	[tilespmem:s21+$0xFFFFFED0] =	vst v5  }
0x184: {  	v5 =	vld.idx.msk [tilespmem:v6+s12+$0x0], $0xffff;
	_ =	sdelay $0x1  }
0x185: {  	v6 =	vor.u32 $0x3, v4;
	_ =	sdelay $0x3  }
0x186: {  	[tilespmem:s21+$0xFFFFFEE0] =	vst v5  }
0x187: {  	v5 =	vld.idx.msk [tilespmem:v6+s12+$0x0], $0xffff;
	_ =	sdelay $0x1  }
0x188: {  	v6 =	vor.u32 $0x4, v1;
	_ =	sdelay $0x3  }
0x189: {  	[tilespmem:s21+$0xFFFFFEF0] =	vst v5  }
0x18a: {  	v5 =	vld.idx.msk [tilespmem:v6+s12+$0x0], $0xffff;
	_ =	sdelay $0x1  }
0x18b: {  	v6 =	vor.u32 $0x4, v2;
	_ =	sdelay $0x3  }
0x18c: {  	[tilespmem:s21+$0xFFFFFF00] =	vst v5  }
0x18d: {  	v5 =	vld.idx.msk [tilespmem:v6+s12+$0x0], $0xffff;
	_ =	sdelay $0x1  }
0x18e: {  	v6 =	vor.u32 $0x4, v3;
	_ =	sdelay $0x3  }
0x18f: {  	[tilespmem:s21+$0xFFFFFF10] =	vst v5  }
0x190: {  	v5 =	vld.idx.msk [tilespmem:v6+s12+$0x0], $0xffff;
	_ =	sdelay $0x1  }
0x191: {  	v6 =	vor.u32 $0x4, v4;
	_ =	sdelay $0x3  }
0x192: {  	[tilespmem:s21+$0xFFFFFF20] =	vst v5  }
0x193: {  	v5 =	vld.idx.msk [tilespmem:v6+s12+$0x0], $0xffff;
	_ =	sdelay $0x1  }
0x194: {  	v6 =	vor.u32 $0x5, v1;
	_ =	sdelay $0x3  }
0x195: {  	[tilespmem:s21+$0xFFFFFF30] =	vst v5  }
0x196: {  	v5 =	vld.idx.msk [tilespmem:v6+s12+$0x0], $0xffff;
	_ =	sdelay $0x1  }
0x197: {  	v6 =	vor.u32 $0x5, v2;
	_ =	sdelay $0x3  }
0x198: {  	[tilespmem:s21+$0xFFFFFF40] =	vst v5  }
0x199: {  	v5 =	vld.idx.msk [tilespmem:v6+s12+$0x0], $0xffff;
	_ =	sdelay $0x1  }
0x19a: {  	v6 =	vor.u32 $0x5, v3;
	_ =	sdelay $0x3  }
0x19b: {  	[tilespmem:s21+$0xFFFFFF50] =	vst v5  }
0x19c: {  	v5 =	vld.idx.msk [tilespmem:v6+s12+$0x0], $0xffff;
	_ =	sdelay $0x1  }
0x19d: {  	v6 =	vor.u32 $0x5, v4;
	_ =	sdelay $0x3  }
0x19e: {  	[tilespmem:s21+$0xFFFFFF60] =	vst v5  }
0x19f: {  	v5 =	vld.idx.msk [tilespmem:v6+s12+$0x0], $0xffff;
	_ =	sdelay $0x1  }
0x1a0: {  	v6 =	vor.u32 $0x6, v1;
	_ =	sdelay $0x3  }
0x1a1: {  	[tilespmem:s21+$0xFFFFFF70] =	vst v5  }
0x1a2: {  	v5 =	vld.idx.msk [tilespmem:v6+s12+$0x0], $0xffff;
	_ =	sdelay $0x1  }
0x1a3: {  	v6 =	vor.u32 $0x6, v2;
	_ =	sdelay $0x3  }
0x1a4: {  	[tilespmem:s21+$0xFFFFFF80] =	vst v5  }
0x1a5: {  	v5 =	vld.idx.msk [tilespmem:v6+s12+$0x0], $0xffff;
	_ =	sdelay $0x1  }
0x1a6: {  	v6 =	vor.u32 $0x6, v3;
	_ =	sdelay $0x3  }
0x1a7: {  	[tilespmem:s21+$0xFFFFFF90] =	vst v5  }
0x1a8: {  	v5 =	vld.idx.msk [tilespmem:v6+s12+$0x0], $0xffff;
	_ =	sdelay $0x1  }
0x1a9: {  	v6 =	vor.u32 $0x6, v4;
	_ =	sdelay $0x3  }
0x1aa: {  	[tilespmem:s21+$0xFFFFFFA0] =	vst v5  }
0x1ab: {  	v5 =	vld.idx.msk [tilespmem:v6+s12+$0x0], $0xffff;
	_ =	sdelay $0x1  }
0x1ac: {  	v6 =	vor.u32 $0x7, v1;
	_ =	sdelay $0x3  }
0x1ad: {  	[tilespmem:s21+$0xFFFFFFB0] =	vst v5  }
0x1ae: {  	v5 =	vld.idx.msk [tilespmem:v6+s12+$0x0], $0xffff;
	_ =	sdelay $0x1  }
0x1af: {  	v6 =	vor.u32 $0x7, v2;
	_ =	sdelay $0x3  }
0x1b0: {  	[tilespmem:s21+$0xFFFFFFC0] =	vst v5  }
0x1b1: {  	v5 =	vld.idx.msk [tilespmem:v6+s12+$0x0], $0xffff;
	_ =	sdelay $0x1  }
0x1b2: {  	v6 =	vor.u32 $0x7, v3;
	_ =	sdelay $0x3  }
0x1b3: {  	[tilespmem:s21+$0xFFFFFFD0] =	vst v5  }
0x1b4: {  	v5 =	vld.idx.msk [tilespmem:v6+s12+$0x0], $0xffff;
	_ =	sdelay $0x1  }
0x1b5: {  	v6 =	vor.u32 $0x7, v4;
	_ =	sdelay $0x3  }
0x1b6: {  	[tilespmem:s21+$0xFFFFFFE0] =	vst v5  }
0x1b7: {  	v5 =	vld.idx.msk [tilespmem:v6+s12+$0x0], $0xffff;
	_ =	sdelay $0x1  }
0x1b8: {  	v6 =	vor.u32 $0x8, v1;
	_ =	sdelay $0x3  }
0x1b9: {  	[tilespmem:s21+$0xFFFFFFF0] =	vst v5  }
0x1ba: {  	v5 =	vld.idx.msk [tilespmem:v6+s12+$0x0], $0xffff;
	_ =	sdelay $0x1  }
0x1bb: {  	v6 =	vor.u32 $0x8, v2;
	_ =	sdelay $0x3  }
0x1bc: {  	[tilespmem:s21+$0x0] =	vst v5  }
0x1bd: {  	v5 =	vld.idx.msk [tilespmem:v6+s12+$0x0], $0xffff;
	_ =	sdelay $0x1  }
0x1be: {  	v6 =	vor.u32 $0x8, v3;
	_ =	sdelay $0x3  }
0x1bf: {  	[tilespmem:s21+$0x10] =	vst v5  }
0x1c0: {  	v5 =	vld.idx.msk [tilespmem:v6+s12+$0x0], $0xffff;
	_ =	sdelay $0x1  }
0x1c1: {  	v6 =	vor.u32 $0x8, v4;
	_ =	sdelay $0x3  }
0x1c2: {  	[tilespmem:s21+$0x20] =	vst v5  }
0x1c3: {  	v5 =	vld.idx.msk [tilespmem:v6+s12+$0x0], $0xffff;
	_ =	sdelay $0x1  }
0x1c4: {  	v6 =	vor.u32 $0x9, v1;
	_ =	sdelay $0x3  }
0x1c5: {  	[tilespmem:s21+$0x30] =	vst v5  }
0x1c6: {  	v5 =	vld.idx.msk [tilespmem:v6+s12+$0x0], $0xffff;
	_ =	sdelay $0x1  }
0x1c7: {  	v6 =	vor.u32 $0x9, v2;
	_ =	sdelay $0x3  }
0x1c8: {  	[tilespmem:s21+$0x40] =	vst v5  }
0x1c9: {  	v5 =	vld.idx.msk [tilespmem:v6+s12+$0x0], $0xffff;
	_ =	sdelay $0x1  }
0x1ca: {  	v6 =	vor.u32 $0x9, v3;
	_ =	sdelay $0x3  }
0x1cb: {  	[tilespmem:s21+$0x50] =	vst v5  }
0x1cc: {  	v5 =	vld.idx.msk [tilespmem:v6+s12+$0x0], $0xffff;
	_ =	sdelay $0x1  }
0x1cd: {  	v6 =	vor.u32 $0x9, v4;
	_ =	sdelay $0x3  }
0x1ce: {  	[tilespmem:s21+$0x60] =	vst v5  }
0x1cf: {  	v5 =	vld.idx.msk [tilespmem:v6+s12+$0x0], $0xffff;
	_ =	sdelay $0x1  }
0x1d0: {  	v6 =	vor.u32 $0xA, v1;
	_ =	sdelay $0x3  }
0x1d1: {  	[tilespmem:s21+$0x70] =	vst v5  }
0x1d2: {  	v5 =	vld.idx.msk [tilespmem:v6+s12+$0x0], $0xffff;
	_ =	sdelay $0x1  }
0x1d3: {  	v6 =	vor.u32 $0xA, v2;
	_ =	sdelay $0x3  }
0x1d4: {  	[tilespmem:s21+$0x80] =	vst v5  }
0x1d5: {  	v5 =	vld.idx.msk [tilespmem:v6+s12+$0x0], $0xffff;
	_ =	sdelay $0x1  }
0x1d6: {  	v6 =	vor.u32 $0xA, v3;
	_ =	sdelay $0x3  }
0x1d7: {  	[tilespmem:s21+$0x90] =	vst v5  }
0x1d8: {  	v5 =	vld.idx.msk [tilespmem:v6+s12+$0x0], $0xffff;
	_ =	sdelay $0x1  }
0x1d9: {  	v6 =	vor.u32 $0xA, v4;
	_ =	sdelay $0x3  }
0x1da: {  	[tilespmem:s21+$0xA0] =	vst v5  }
0x1db: {  	v5 =	vld.idx.msk [tilespmem:v6+s12+$0x0], $0xffff;
	_ =	sdelay $0x1  }
0x1dc: {  	v6 =	vor.u32 $0xB, v1;
	_ =	sdelay $0x3  }
0x1dd: {  	[tilespmem:s21+$0xB0] =	vst v5  }
0x1de: {  	v5 =	vld.idx.msk [tilespmem:v6+s12+$0x0], $0xffff;
	_ =	sdelay $0x1  }
0x1df: {  	v6 =	vor.u32 $0xB, v2;
	_ =	sdelay $0x3  }
0x1e0: {  	[tilespmem:s21+$0xC0] =	vst v5  }
0x1e1: {  	v5 =	vld.idx.msk [tilespmem:v6+s12+$0x0], $0xffff;
	_ =	sdelay $0x1  }
0x1e2: {  	v6 =	vor.u32 $0xB, v3;
	_ =	sdelay $0x3  }
0x1e3: {  	[tilespmem:s21+$0xD0] =	vst v5  }
0x1e4: {  	v5 =	vld.idx.msk [tilespmem:v6+s12+$0x0], $0xffff;
	_ =	sdelay $0x1  }
0x1e5: {  	v6 =	vor.u32 $0xB, v4;
	_ =	sdelay $0x3  }
0x1e6: {  	[tilespmem:s21+$0xE0] =	vst v5  }
0x1e7: {  	v5 =	vld.idx.msk [tilespmem:v6+s12+$0x0], $0xffff;
	_ =	sdelay $0x1  }
0x1e8: {  	v6 =	vor.u32 $0xC, v1;
	_ =	sdelay $0x3  }
0x1e9: {  	[tilespmem:s21+$0xF0] =	vst v5  }
0x1ea: {  	v5 =	vld.idx.msk [tilespmem:v6+s12+$0x0], $0xffff;
	_ =	sdelay $0x1  }
0x1eb: {  	v6 =	vor.u32 $0xC, v2;
	_ =	sdelay $0x3  }
0x1ec: {  	[tilespmem:s21+$0x100] =	vst v5  }
0x1ed: {  	v5 =	vld.idx.msk [tilespmem:v6+s12+$0x0], $0xffff;
	_ =	sdelay $0x1  }
0x1ee: {  	v6 =	vor.u32 $0xC, v3;
	_ =	sdelay $0x3  }
0x1ef: {  	[tilespmem:s21+$0x110] =	vst v5  }
0x1f0: {  	v5 =	vld.idx.msk [tilespmem:v6+s12+$0x0], $0xffff;
	_ =	sdelay $0x1  }
0x1f1: {  	v6 =	vor.u32 $0xC, v4;
	_ =	sdelay $0x3  }
0x1f2: {  	[tilespmem:s21+$0x120] =	vst v5  }
0x1f3: {  	v5 =	vld.idx.msk [tilespmem:v6+s12+$0x0], $0xffff;
	_ =	sdelay $0x1  }
0x1f4: {  	v6 =	vor.u32 $0xD, v1;
	_ =	sdelay $0x3  }
0x1f5: {  	[tilespmem:s21+$0x130] =	vst v5  }
0x1f6: {  	v5 =	vld.idx.msk [tilespmem:v6+s12+$0x0], $0xffff;
	_ =	sdelay $0x1  }
0x1f7: {  	v6 =	vor.u32 $0xD, v2;
	_ =	sdelay $0x3  }
0x1f8: {  	[tilespmem:s21+$0x140] =	vst v5  }
0x1f9: {  	v5 =	vld.idx.msk [tilespmem:v6+s12+$0x0], $0xffff;
	_ =	sdelay $0x1  }
0x1fa: {  	v6 =	vor.u32 $0xD, v3;
	_ =	sdelay $0x3  }
0x1fb: {  	[tilespmem:s21+$0x150] =	vst v5  }
0x1fc: {  	v5 =	vld.idx.msk [tilespmem:v6+s12+$0x0], $0xffff;
	_ =	sdelay $0x1  }
0x1fd: {  	v6 =	vor.u32 $0xD, v4;
	_ =	sdelay $0x3  }
0x1fe: {  	[tilespmem:s21+$0x160] =	vst v5  }
0x1ff: {  	v5 =	vld.idx.msk [tilespmem:v6+s12+$0x0], $0xffff;
	_ =	sdelay $0x1  }
0x200: {  	v6 =	vor.u32 $0xE, v1;
	_ =	sdelay $0x3  }
0x201: {  	[tilespmem:s21+$0x170] =	vst v5  }
0x202: {  	v5 =	vld.idx.msk [tilespmem:v6+s12+$0x0], $0xffff;
	_ =	sdelay $0x1  }
0x203: {  	v6 =	vor.u32 $0xE, v2;
	_ =	sdelay $0x3  }
0x204: {  	[tilespmem:s21+$0x180] =	vst v5  }
0x205: {  	v5 =	vld.idx.msk [tilespmem:v6+s12+$0x0], $0xffff;
	_ =	sdelay $0x1  }
0x206: {  	v6 =	vor.u32 $0xE, v3;
	_ =	sdelay $0x3  }
0x207: {  	[tilespmem:s21+$0x190] =	vst v5  }
0x208: {  	v5 =	vld.idx.msk [tilespmem:v6+s12+$0x0], $0xffff;
	_ =	sdelay $0x1  }
0x209: {  	v6 =	vor.u32 $0xE, v4;
	_ =	sdelay $0x3  }
0x20a: {  	[tilespmem:s21+$0x1A0] =	vst v5  }
0x20b: {  	v5 =	vld.idx.msk [tilespmem:v6+s12+$0x0], $0xffff;
	_ =	sdelay $0x1  }
0x20c: {  	v1 =	vor.u32 $0xF, v1;
	_ =	sdelay $0x3  }
0x20d: {  	[tilespmem:s21+$0x1B0] =	vst v5  }
0x20e: {  	v1 =	vld.idx.msk [tilespmem:v1+s12+$0x0], $0xffff;
	_ =	sdelay $0x1  }
0x20f: {  	v2 =	vor.u32 $0xF, v2;
	_ =	sdelay $0x3  }
0x210: {  	[tilespmem:s21+$0x1C0] =	vst v1  }
0x211: {  	v1 =	vld.idx.msk [tilespmem:v2+s12+$0x0], $0xffff;
	_ =	sdelay $0x1  }
0x212: {  	v2 =	vor.u32 $0xF, v3;
	_ =	sdelay $0x3  }
0x213: {  	[tilespmem:s21+$0x1D0] =	vst v1  }
0x214: {  	v1 =	vld.idx.msk [tilespmem:v2+s12+$0x0], $0xffff;
	_ =	sdelay $0x1  }
0x215: {  	v2 =	vor.u32 $0xF, v4  }
.Ltmp0:
0x216: {  	(pc) =	sbr.rel @p0 .LBB2_3-.Ltmp0, $3  }
0x217: {  	_ =	sdelay $0x1  }
0x218: {  	[tilespmem:s21+$0x1E0] =	vst v1  }
0x219: {  	s23 =	sadd.s32 $0x1, s23;
	v1 =	vmov s22;
	v2 =	vld.idx.msk [tilespmem:v2+s12+$0x0], $0xffff  }
0x21a: {  	v1 =	vshll.u32 v1, $0x4  }
0x21b: {  	v1 =	vadd.s32 v0, v1;
	_ =	sdelay $0x2  }
0x21c: {  	s23 =	sadd.s32 $0x320, s22  }
0x21d: {  	[tilespmem:s21+$0x1F0] =	vst v2;
	v2 =	vmov s23  }
0x21e: {  	v2 =	vshll.u32 v2, $0x4;
	v3 =	vld.idx.msk [tilespmem:v1+s12+$0x0], $0xffff  }
0x21f: {  	v2 =	vadd.s32 v0, v2;
	_ =	sdelay $0x2  }
0x220: {  	s25 =	sadd.s32 $0x640, s22;
	s21 =	sadd.s32 $0x400, s21  }
0x221: {  	[tilespmem:s21+$0xFFFFFE00] =	vst v3;
	v3 =	vmov s25  }
0x222: {  	v4 =	vld.idx.msk [tilespmem:v2+s12+$0x0], $0xffff;
	v3 =	vshll.u32 v3, $0x4  }
0x223: {  	v3 =	vadd.s32 v0, v3;
	_ =	sdelay $0x2  }
0x224: {  	s24 =	sadd.s32 $0x960, s22  }
0x225: {  	v59 =	vmov s24;
	[tilespmem:s21+$0xFFFFFE10] =	vst v4  }
0x226: {  	v4 =	vshll.u32 v59, $0x4;
	v5 =	vld.idx.msk [tilespmem:v3+s12+$0x0], $0xffff  }
0x227: {  	v4 =	vadd.s32 v0, v4;
	_ =	sdelay $0x3  }
0x228: {  	[tilespmem:s21+$0xFFFFFE20] =	vst v5  }
0x229: {  	v5 =	vld.idx.msk [tilespmem:v4+s12+$0x0], $0xffff  }
0x22a: {  	v6 =	vor.u32 $0x1, v1;
	_ =	sdelay $0x3  }
0x22b: {  	[tilespmem:s21+$0xFFFFFE30] =	vst v5  }
0x22c: {  	v5 =	vld.idx.msk [tilespmem:v6+s12+$0x0], $0xffff  }
0x22d: {  	v60 =	vor.u32 $0x1, v2;
	_ =	sdelay $0x3  }
0x22e: {  	[tilespmem:s21+$0xFFFFFE40] =	vst v5  }
0x22f: {  	v5 =	vld.idx.msk [tilespmem:v60+s12+$0x0], $0xffff  }
0x230: {  	v61 =	vor.u32 $0x1, v3;
	_ =	sdelay $0x3  }
0x231: {  	[tilespmem:s21+$0xFFFFFE50] =	vst v5  }
0x232: {  	v5 =	vld.idx.msk [tilespmem:v61+s12+$0x0], $0xffff  }
0x233: {  	v62 =	vor.u32 $0x1, v4;
	_ =	sdelay $0x3  }
0x234: {  	[tilespmem:s21+$0xFFFFFE60] =	vst v5  }
0x235: {  	v5 =	vld.idx.msk [tilespmem:v62+s12+$0x0], $0xffff  }
0x236: {  	v63 =	vor.u32 $0x2, v1;
	_ =	sdelay $0x3  }
0x237: {  	[tilespmem:s21+$0xFFFFFE70] =	vst v5  }
0x238: {  	v5 =	vld.idx.msk [tilespmem:v63+s12+$0x0], $0xffff  }
0x239: {  	v9 =	vor.u32 $0x2, v2;
	_ =	sdelay $0x3  }
0x23a: {  	[tilespmem:s21+$0xFFFFFE80] =	vst v5  }
0x23b: {  	v5 =	vld.idx.msk [tilespmem:v9+s12+$0x0], $0xffff  }
0x23c: {  	v10 =	vor.u32 $0x2, v3;
	_ =	sdelay $0x3  }
0x23d: {  	[tilespmem:s21+$0xFFFFFE90] =	vst v5  }
0x23e: {  	v5 =	vld.idx.msk [tilespmem:v10+s12+$0x0], $0xffff  }
0x23f: {  	v11 =	vor.u32 $0x2, v4;
	_ =	sdelay $0x3  }
0x240: {  	[tilespmem:s21+$0xFFFFFEA0] =	vst v5  }
0x241: {  	v5 =	vld.idx.msk [tilespmem:v11+s12+$0x0], $0xffff  }
0x242: {  	v12 =	vor.u32 $0x3, v1;
	_ =	sdelay $0x3  }
0x243: {  	[tilespmem:s21+$0xFFFFFEB0] =	vst v5  }
0x244: {  	v5 =	vld.idx.msk [tilespmem:v12+s12+$0x0], $0xffff  }
0x245: {  	v13 =	vor.u32 $0x3, v2;
	_ =	sdelay $0x3  }
0x246: {  	[tilespmem:s21+$0xFFFFFEC0] =	vst v5  }
0x247: {  	v5 =	vld.idx.msk [tilespmem:v13+s12+$0x0], $0xffff  }
0x248: {  	v14 =	vor.u32 $0x3, v3;
	_ =	sdelay $0x3  }
0x249: {  	[tilespmem:s21+$0xFFFFFED0] =	vst v5  }
0x24a: {  	v5 =	vld.idx.msk [tilespmem:v14+s12+$0x0], $0xffff  }
0x24b: {  	v15 =	vor.u32 $0x3, v4;
	_ =	sdelay $0x3  }
0x24c: {  	[tilespmem:s21+$0xFFFFFEE0] =	vst v5  }
0x24d: {  	v5 =	vld.idx.msk [tilespmem:v15+s12+$0x0], $0xffff  }
0x24e: {  	v16 =	vor.u32 $0x4, v1;
	_ =	sdelay $0x3  }
0x24f: {  	[tilespmem:s21+$0xFFFFFEF0] =	vst v5  }
0x250: {  	v5 =	vld.idx.msk [tilespmem:v16+s12+$0x0], $0xffff  }
0x251: {  	v17 =	vor.u32 $0x4, v2;
	_ =	sdelay $0x3  }
0x252: {  	[tilespmem:s21+$0xFFFFFF00] =	vst v5  }
0x253: {  	v5 =	vld.idx.msk [tilespmem:v17+s12+$0x0], $0xffff  }
0x254: {  	v18 =	vor.u32 $0x4, v3;
	_ =	sdelay $0x3  }
0x255: {  	[tilespmem:s21+$0xFFFFFF10] =	vst v5  }
0x256: {  	v5 =	vld.idx.msk [tilespmem:v18+s12+$0x0], $0xffff  }
0x257: {  	v19 =	vor.u32 $0x4, v4;
	_ =	sdelay $0x3  }
0x258: {  	[tilespmem:s21+$0xFFFFFF20] =	vst v5  }
0x259: {  	v5 =	vld.idx.msk [tilespmem:v19+s12+$0x0], $0xffff  }
0x25a: {  	v20 =	vor.u32 $0x5, v1;
	_ =	sdelay $0x3  }
0x25b: {  	[tilespmem:s21+$0xFFFFFF30] =	vst v5  }
0x25c: {  	v5 =	vld.idx.msk [tilespmem:v20+s12+$0x0], $0xffff  }
0x25d: {  	v21 =	vor.u32 $0x5, v2;
	_ =	sdelay $0x3  }
0x25e: {  	[tilespmem:s21+$0xFFFFFF40] =	vst v5  }
0x25f: {  	v5 =	vld.idx.msk [tilespmem:v21+s12+$0x0], $0xffff  }
0x260: {  	v22 =	vor.u32 $0x5, v3;
	_ =	sdelay $0x3  }
0x261: {  	[tilespmem:s21+$0xFFFFFF50] =	vst v5  }
0x262: {  	v5 =	vld.idx.msk [tilespmem:v22+s12+$0x0], $0xffff  }
0x263: {  	v23 =	vor.u32 $0x5, v4;
	_ =	sdelay $0x3  }
0x264: {  	[tilespmem:s21+$0xFFFFFF60] =	vst v5  }
0x265: {  	v5 =	vld.idx.msk [tilespmem:v23+s12+$0x0], $0xffff  }
0x266: {  	v24 =	vor.u32 $0x6, v1;
	_ =	sdelay $0x3  }
0x267: {  	[tilespmem:s21+$0xFFFFFF70] =	vst v5  }
0x268: {  	v5 =	vld.idx.msk [tilespmem:v24+s12+$0x0], $0xffff  }
0x269: {  	v25 =	vor.u32 $0x6, v2;
	_ =	sdelay $0x3  }
0x26a: {  	[tilespmem:s21+$0xFFFFFF80] =	vst v5  }
0x26b: {  	v5 =	vld.idx.msk [tilespmem:v25+s12+$0x0], $0xffff  }
0x26c: {  	v26 =	vor.u32 $0x6, v3;
	_ =	sdelay $0x3  }
0x26d: {  	[tilespmem:s21+$0xFFFFFF90] =	vst v5  }
0x26e: {  	v5 =	vld.idx.msk [tilespmem:v26+s12+$0x0], $0xffff  }
0x26f: {  	v27 =	vor.u32 $0x6, v4;
	_ =	sdelay $0x3  }
0x270: {  	[tilespmem:s21+$0xFFFFFFA0] =	vst v5  }
0x271: {  	v5 =	vld.idx.msk [tilespmem:v27+s12+$0x0], $0xffff  }
0x272: {  	v28 =	vor.u32 $0x7, v1;
	_ =	sdelay $0x3  }
0x273: {  	[tilespmem:s21+$0xFFFFFFB0] =	vst v5  }
0x274: {  	v5 =	vld.idx.msk [tilespmem:v28+s12+$0x0], $0xffff  }
0x275: {  	v29 =	vor.u32 $0x7, v2;
	_ =	sdelay $0x3  }
0x276: {  	[tilespmem:s21+$0xFFFFFFC0] =	vst v5  }
0x277: {  	v5 =	vld.idx.msk [tilespmem:v29+s12+$0x0], $0xffff  }
0x278: {  	v30 =	vor.u32 $0x7, v3;
	_ =	sdelay $0x3  }
0x279: {  	[tilespmem:s21+$0xFFFFFFD0] =	vst v5  }
0x27a: {  	v5 =	vld.idx.msk [tilespmem:v30+s12+$0x0], $0xffff  }
0x27b: {  	v31 =	vor.u32 $0x7, v4;
	_ =	sdelay $0x3  }
0x27c: {  	[tilespmem:s21+$0xFFFFFFE0] =	vst v5  }
0x27d: {  	v5 =	vld.idx.msk [tilespmem:v31+s12+$0x0], $0xffff  }
0x27e: {  	v32 =	vor.u32 $0x8, v1;
	_ =	sdelay $0x3  }
0x27f: {  	[tilespmem:s21+$0xFFFFFFF0] =	vst v5  }
0x280: {  	v5 =	vld.idx.msk [tilespmem:v32+s12+$0x0], $0xffff  }
0x281: {  	v33 =	vor.u32 $0x8, v2;
	_ =	sdelay $0x3  }
0x282: {  	[tilespmem:s21+$0x0] =	vst v5  }
0x283: {  	v5 =	vld.idx.msk [tilespmem:v33+s12+$0x0], $0xffff  }
0x284: {  	v34 =	vor.u32 $0x8, v3;
	_ =	sdelay $0x3  }
0x285: {  	[tilespmem:s21+$0x10] =	vst v5  }
0x286: {  	v5 =	vld.idx.msk [tilespmem:v34+s12+$0x0], $0xffff  }
0x287: {  	v35 =	vor.u32 $0x8, v4;
	_ =	sdelay $0x3  }
0x288: {  	[tilespmem:s21+$0x20] =	vst v5  }
0x289: {  	v5 =	vld.idx.msk [tilespmem:v35+s12+$0x0], $0xffff  }
0x28a: {  	v36 =	vor.u32 $0x9, v1;
	_ =	sdelay $0x3  }
0x28b: {  	[tilespmem:s21+$0x30] =	vst v5  }
0x28c: {  	v5 =	vld.idx.msk [tilespmem:v36+s12+$0x0], $0xffff  }
0x28d: {  	v37 =	vor.u32 $0x9, v2;
	_ =	sdelay $0x3  }
0x28e: {  	[tilespmem:s21+$0x40] =	vst v5  }
0x28f: {  	v5 =	vld.idx.msk [tilespmem:v37+s12+$0x0], $0xffff  }
0x290: {  	v38 =	vor.u32 $0x9, v3;
	_ =	sdelay $0x3  }
0x291: {  	[tilespmem:s21+$0x50] =	vst v5  }
0x292: {  	v5 =	vld.idx.msk [tilespmem:v38+s12+$0x0], $0xffff  }
0x293: {  	v39 =	vor.u32 $0x9, v4;
	_ =	sdelay $0x3  }
0x294: {  	[tilespmem:s21+$0x60] =	vst v5  }
0x295: {  	v5 =	vld.idx.msk [tilespmem:v39+s12+$0x0], $0xffff  }
0x296: {  	v40 =	vor.u32 $0xA, v1;
	_ =	sdelay $0x3  }
0x297: {  	[tilespmem:s21+$0x70] =	vst v5  }
0x298: {  	v5 =	vld.idx.msk [tilespmem:v40+s12+$0x0], $0xffff  }
0x299: {  	v41 =	vor.u32 $0xA, v2;
	_ =	sdelay $0x3  }
0x29a: {  	[tilespmem:s21+$0x80] =	vst v5  }
0x29b: {  	v5 =	vld.idx.msk [tilespmem:v41+s12+$0x0], $0xffff  }
0x29c: {  	v42 =	vor.u32 $0xA, v3;
	_ =	sdelay $0x3  }
0x29d: {  	[tilespmem:s21+$0x90] =	vst v5  }
0x29e: {  	v5 =	vld.idx.msk [tilespmem:v42+s12+$0x0], $0xffff  }
0x29f: {  	v43 =	vor.u32 $0xA, v4;
	_ =	sdelay $0x3  }
0x2a0: {  	[tilespmem:s21+$0xA0] =	vst v5  }
0x2a1: {  	v5 =	vld.idx.msk [tilespmem:v43+s12+$0x0], $0xffff  }
0x2a2: {  	v44 =	vor.u32 $0xB, v1;
	_ =	sdelay $0x3  }
0x2a3: {  	[tilespmem:s21+$0xB0] =	vst v5  }
0x2a4: {  	v5 =	vld.idx.msk [tilespmem:v44+s12+$0x0], $0xffff  }
0x2a5: {  	v45 =	vor.u32 $0xB, v2;
	_ =	sdelay $0x3  }
0x2a6: {  	[tilespmem:s21+$0xC0] =	vst v5  }
0x2a7: {  	v5 =	vld.idx.msk [tilespmem:v45+s12+$0x0], $0xffff  }
0x2a8: {  	v46 =	vor.u32 $0xB, v3;
	_ =	sdelay $0x3  }
0x2a9: {  	[tilespmem:s21+$0xD0] =	vst v5  }
0x2aa: {  	v5 =	vld.idx.msk [tilespmem:v46+s12+$0x0], $0xffff  }
0x2ab: {  	v47 =	vor.u32 $0xB, v4;
	_ =	sdelay $0x3  }
0x2ac: {  	[tilespmem:s21+$0xE0] =	vst v5  }
0x2ad: {  	v5 =	vld.idx.msk [tilespmem:v47+s12+$0x0], $0xffff  }
0x2ae: {  	v48 =	vor.u32 $0xC, v1;
	_ =	sdelay $0x3  }
0x2af: {  	[tilespmem:s21+$0xF0] =	vst v5  }
0x2b0: {  	v5 =	vld.idx.msk [tilespmem:v48+s12+$0x0], $0xffff  }
0x2b1: {  	v49 =	vor.u32 $0xC, v2;
	_ =	sdelay $0x3  }
0x2b2: {  	[tilespmem:s21+$0x100] =	vst v5  }
0x2b3: {  	v5 =	vld.idx.msk [tilespmem:v49+s12+$0x0], $0xffff  }
0x2b4: {  	v50 =	vor.u32 $0xC, v3;
	_ =	sdelay $0x3  }
0x2b5: {  	[tilespmem:s21+$0x110] =	vst v5  }
0x2b6: {  	v5 =	vld.idx.msk [tilespmem:v50+s12+$0x0], $0xffff  }
0x2b7: {  	v51 =	vor.u32 $0xC, v4;
	_ =	sdelay $0x3  }
0x2b8: {  	[tilespmem:s21+$0x120] =	vst v5  }
0x2b9: {  	v5 =	vld.idx.msk [tilespmem:v51+s12+$0x0], $0xffff  }
0x2ba: {  	v52 =	vor.u32 $0xD, v1;
	_ =	sdelay $0x3  }
0x2bb: {  	[tilespmem:s21+$0x130] =	vst v5  }
0x2bc: {  	v5 =	vld.idx.msk [tilespmem:v52+s12+$0x0], $0xffff  }
0x2bd: {  	v53 =	vor.u32 $0xD, v2;
	_ =	sdelay $0x3  }
0x2be: {  	[tilespmem:s21+$0x140] =	vst v5  }
0x2bf: {  	v5 =	vld.idx.msk [tilespmem:v53+s12+$0x0], $0xffff  }
0x2c0: {  	v54 =	vor.u32 $0xD, v3;
	_ =	sdelay $0x3  }
0x2c1: {  	[tilespmem:s21+$0x150] =	vst v5  }
0x2c2: {  	v5 =	vld.idx.msk [tilespmem:v54+s12+$0x0], $0xffff  }
0x2c3: {  	v55 =	vor.u32 $0xD, v4;
	_ =	sdelay $0x3  }
0x2c4: {  	[tilespmem:s21+$0x160] =	vst v5  }
0x2c5: {  	v5 =	vld.idx.msk [tilespmem:v55+s12+$0x0], $0xffff  }
0x2c6: {  	v56 =	vor.u32 $0xE, v1;
	_ =	sdelay $0x3  }
0x2c7: {  	[tilespmem:s21+$0x170] =	vst v5  }
0x2c8: {  	v5 =	vld.idx.msk [tilespmem:v56+s12+$0x0], $0xffff  }
0x2c9: {  	v57 =	vor.u32 $0xE, v2;
	_ =	sdelay $0x3  }
0x2ca: {  	[tilespmem:s21+$0x180] =	vst v5  }
0x2cb: {  	v5 =	vld.idx.msk [tilespmem:v57+s12+$0x0], $0xffff  }
0x2cc: {  	v58 =	vor.u32 $0xE, v3;
	_ =	sdelay $0x3  }
0x2cd: {  	[tilespmem:s21+$0x190] =	vst v5  }
0x2ce: {  	v5 =	vld.idx.msk [tilespmem:v58+s12+$0x0], $0xffff  }
0x2cf: {  	v59 =	vor.u32 $0xE, v4;
	_ =	sdelay $0x3  }
0x2d0: {  	[tilespmem:s21+$0x1A0] =	vst v5  }
0x2d1: {  	v5 =	vld.idx.msk [tilespmem:v59+s12+$0x0], $0xffff  }
0x2d2: {  	v1 =	vor.u32 $0xF, v1;
	_ =	sdelay $0x3  }
0x2d3: {  	[tilespmem:s21+$0x1B0] =	vst v5  }
0x2d4: {  	v1 =	vld.idx.msk [tilespmem:v1+s12+$0x0], $0xffff  }
0x2d5: {  	v2 =	vor.u32 $0xF, v2;
	_ =	sdelay $0x3  }
0x2d6: {  	[tilespmem:s21+$0x1C0] =	vst v1  }
0x2d7: {  	v1 =	vld.idx.msk [tilespmem:v2+s12+$0x0], $0xffff  }
0x2d8: {  	v2 =	vor.u32 $0xF, v3;
	_ =	sdelay $0x3  }
0x2d9: {  	[tilespmem:s21+$0x1D0] =	vst v1  }
0x2da: {  	v1 =	vld.idx.msk [tilespmem:v2+s12+$0x0], $0xffff  }
0x2db: {  	v2 =	vor.u32 $0xF, v4;
	_ =	sdelay $0x3  }
0x2dc: {  	[tilespmem:s21+$0x1E0] =	vst v1  }
0x2dd: {  	v1 =	vld.idx.msk [tilespmem:v2+s12+$0x0], $0xffff;
	_ =	sdelay $0x1  }
0x2de: {  	s25 =	simm.s32 $0x19  }
0x2df: {  	v2 =	vmov s25  }
0x2e0: {  	p0 =	seq.s32 s20, $0x0;
	v2 =	vshll.u32 v2, $0x4  }
0x2e1: {  	s22 =	simm.s32 @!p0 $0x3;
	[tilespmem:s21+$0x1F0] =	vst v1;
	v1 =	vadd.s32 v0, v2  }
0x2e2: {  	s23 =	sshll.u32 s20, $0x3;
	_ =	swait.ge @!p0 [sflag:s22], $0x6400  }
0x2e3: {  	s21 =	sadd.s32 s7, s23;
	[sflag:s22] =	ssyncset.done @!p0 $0x0  }
0x2e4: {  	s25 =	simm.s32 $0x339;
	s24 =	sadd.s32 s5, s21;
	[sflag:s22] =	ssyncadd.s32 @!p0 $0xFFFF9C00  }
0x2e5: {  	v2 =	vmov s25;
	[hbm4b:s24+s15] =	stream.strided.scatter [tilespmem:s17], [sflag:$0x2], $0x6400, s16, s15, $0x38;
	[tilespmem:$0x19C80] =	vst v63  }
0x2e6: {  	v2 =	vshll.u32 v2, $0x4;
	v3 =	vld.idx.msk [tilespmem:v1+s12+$0x0], $0xffff  }
0x2e7: {  	v2 =	vadd.s32 v0, v2;
	_ =	sdelay $0x2  }
0x2e8: {  	s22 =	simm.s32 $0x13A80;
	s24 =	simm.s32 $0x659  }
0x2e9: {  	[tilespmem:s22+$0xFFFFFE00] =	vst v3;
	v3 =	vmov s24  }
0x2ea: {  	v60 =	vld.idx.msk [tilespmem:v2+s12+$0x0], $0xffff;
	v3 =	vshll.u32 v3, $0x4  }
0x2eb: {  	v3 =	vadd.s32 v0, v3;
	_ =	sdelay $0x2  }
0x2ec: {  	s25 =	simm.s32 $0x979  }
0x2ed: {  	v61 =	vmov s25;
	[tilespmem:s22+$0xFFFFFE10] =	vst v60  }
0x2ee: {  	v4 =	vshll.u32 v61, $0x4;
	v62 =	vld.idx.msk [tilespmem:v3+s12+$0x0], $0xffff  }
0x2ef: {  	v4 =	vadd.s32 v0, v4;
	_ =	sdelay $0x3  }
0x2f0: {  	[tilespmem:s22+$0xFFFFFE20] =	vst v62  }
0x2f1: {  	v5 =	vld.idx.msk [tilespmem:v4+s12+$0x0], $0xffff  }
0x2f2: {  	v63 =	vor.u32 $0x1, v1;
	_ =	sdelay $0x3  }
0x2f3: {  	[tilespmem:s22+$0xFFFFFE30] =	vst v5  }
0x2f4: {  	v5 =	vld.idx.msk [tilespmem:v63+s12+$0x0], $0xffff  }
0x2f5: {  	v9 =	vor.u32 $0x1, v2;
	_ =	sdelay $0x3  }
0x2f6: {  	[tilespmem:s22+$0xFFFFFE40] =	vst v5  }
0x2f7: {  	v5 =	vld.idx.msk [tilespmem:v9+s12+$0x0], $0xffff  }
0x2f8: {  	v10 =	vor.u32 $0x1, v3;
	_ =	sdelay $0x3  }
0x2f9: {  	[tilespmem:s22+$0xFFFFFE50] =	vst v5  }
0x2fa: {  	v5 =	vld.idx.msk [tilespmem:v10+s12+$0x0], $0xffff  }
0x2fb: {  	v11 =	vor.u32 $0x1, v4;
	_ =	sdelay $0x3  }
0x2fc: {  	[tilespmem:s22+$0xFFFFFE60] =	vst v5  }
0x2fd: {  	v5 =	vld.idx.msk [tilespmem:v11+s12+$0x0], $0xffff  }
0x2fe: {  	v12 =	vor.u32 $0x2, v1;
	_ =	sdelay $0x3  }
0x2ff: {  	[tilespmem:s22+$0xFFFFFE70] =	vst v5  }
0x300: {  	v5 =	vld.idx.msk [tilespmem:v12+s12+$0x0], $0xffff  }
0x301: {  	v13 =	vor.u32 $0x2, v2;
	_ =	sdelay $0x3  }
0x302: {  	[tilespmem:s22+$0xFFFFFE80] =	vst v5  }
0x303: {  	v5 =	vld.idx.msk [tilespmem:v13+s12+$0x0], $0xffff  }
0x304: {  	v14 =	vor.u32 $0x2, v3;
	_ =	sdelay $0x3  }
0x305: {  	[tilespmem:s22+$0xFFFFFE90] =	vst v5  }
0x306: {  	v5 =	vld.idx.msk [tilespmem:v14+s12+$0x0], $0xffff  }
0x307: {  	v15 =	vor.u32 $0x2, v4;
	_ =	sdelay $0x3  }
0x308: {  	[tilespmem:s22+$0xFFFFFEA0] =	vst v5  }
0x309: {  	v5 =	vld.idx.msk [tilespmem:v15+s12+$0x0], $0xffff  }
0x30a: {  	v16 =	vor.u32 $0x3, v1;
	_ =	sdelay $0x3  }
0x30b: {  	[tilespmem:s22+$0xFFFFFEB0] =	vst v5  }
0x30c: {  	v5 =	vld.idx.msk [tilespmem:v16+s12+$0x0], $0xffff  }
0x30d: {  	v17 =	vor.u32 $0x3, v2;
	_ =	sdelay $0x3  }
0x30e: {  	[tilespmem:s22+$0xFFFFFEC0] =	vst v5  }
0x30f: {  	v5 =	vld.idx.msk [tilespmem:v17+s12+$0x0], $0xffff  }
0x310: {  	v18 =	vor.u32 $0x3, v3;
	_ =	sdelay $0x3  }
0x311: {  	[tilespmem:s22+$0xFFFFFED0] =	vst v5  }
0x312: {  	v5 =	vld.idx.msk [tilespmem:v18+s12+$0x0], $0xffff  }
0x313: {  	v19 =	vor.u32 $0x3, v4;
	_ =	sdelay $0x3  }
0x314: {  	[tilespmem:s22+$0xFFFFFEE0] =	vst v5  }
0x315: {  	v5 =	vld.idx.msk [tilespmem:v19+s12+$0x0], $0xffff  }
0x316: {  	v20 =	vor.u32 $0x4, v1;
	_ =	sdelay $0x3  }
0x317: {  	[tilespmem:s22+$0xFFFFFEF0] =	vst v5  }
0x318: {  	v5 =	vld.idx.msk [tilespmem:v20+s12+$0x0], $0xffff  }
0x319: {  	v21 =	vor.u32 $0x4, v2;
	_ =	sdelay $0x3  }
0x31a: {  	[tilespmem:s22+$0xFFFFFF00] =	vst v5  }
0x31b: {  	v5 =	vld.idx.msk [tilespmem:v21+s12+$0x0], $0xffff  }
0x31c: {  	v22 =	vor.u32 $0x4, v3;
	_ =	sdelay $0x3  }
0x31d: {  	[tilespmem:s22+$0xFFFFFF10] =	vst v5  }
0x31e: {  	v5 =	vld.idx.msk [tilespmem:v22+s12+$0x0], $0xffff  }
0x31f: {  	v23 =	vor.u32 $0x4, v4;
	_ =	sdelay $0x3  }
0x320: {  	[tilespmem:s22+$0xFFFFFF20] =	vst v5  }
0x321: {  	v5 =	vld.idx.msk [tilespmem:v23+s12+$0x0], $0xffff  }
0x322: {  	v24 =	vor.u32 $0x5, v1;
	_ =	sdelay $0x3  }
0x323: {  	[tilespmem:s22+$0xFFFFFF30] =	vst v5  }
0x324: {  	v5 =	vld.idx.msk [tilespmem:v24+s12+$0x0], $0xffff  }
0x325: {  	v25 =	vor.u32 $0x5, v2;
	_ =	sdelay $0x3  }
0x326: {  	[tilespmem:s22+$0xFFFFFF40] =	vst v5  }
0x327: {  	v5 =	vld.idx.msk [tilespmem:v25+s12+$0x0], $0xffff  }
0x328: {  	v26 =	vor.u32 $0x5, v3;
	_ =	sdelay $0x3  }
0x329: {  	[tilespmem:s22+$0xFFFFFF50] =	vst v5  }
0x32a: {  	v5 =	vld.idx.msk [tilespmem:v26+s12+$0x0], $0xffff  }
0x32b: {  	v27 =	vor.u32 $0x5, v4;
	_ =	sdelay $0x3  }
0x32c: {  	[tilespmem:s22+$0xFFFFFF60] =	vst v5  }
0x32d: {  	v5 =	vld.idx.msk [tilespmem:v27+s12+$0x0], $0xffff  }
0x32e: {  	v28 =	vor.u32 $0x6, v1;
	_ =	sdelay $0x3  }
0x32f: {  	[tilespmem:s22+$0xFFFFFF70] =	vst v5  }
0x330: {  	v5 =	vld.idx.msk [tilespmem:v28+s12+$0x0], $0xffff  }
0x331: {  	v29 =	vor.u32 $0x6, v2;
	_ =	sdelay $0x3  }
0x332: {  	[tilespmem:s22+$0xFFFFFF80] =	vst v5  }
0x333: {  	v5 =	vld.idx.msk [tilespmem:v29+s12+$0x0], $0xffff  }
0x334: {  	v30 =	vor.u32 $0x6, v3;
	_ =	sdelay $0x3  }
0x335: {  	[tilespmem:s22+$0xFFFFFF90] =	vst v5  }
0x336: {  	v5 =	vld.idx.msk [tilespmem:v30+s12+$0x0], $0xffff  }
0x337: {  	v31 =	vor.u32 $0x6, v4;
	_ =	sdelay $0x3  }
0x338: {  	[tilespmem:s22+$0xFFFFFFA0] =	vst v5  }
0x339: {  	v5 =	vld.idx.msk [tilespmem:v31+s12+$0x0], $0xffff  }
0x33a: {  	v32 =	vor.u32 $0x7, v1;
	_ =	sdelay $0x3  }
0x33b: {  	[tilespmem:s22+$0xFFFFFFB0] =	vst v5  }
0x33c: {  	v5 =	vld.idx.msk [tilespmem:v32+s12+$0x0], $0xffff  }
0x33d: {  	v33 =	vor.u32 $0x7, v2;
	_ =	sdelay $0x3  }
0x33e: {  	[tilespmem:s22+$0xFFFFFFC0] =	vst v5  }
0x33f: {  	v5 =	vld.idx.msk [tilespmem:v33+s12+$0x0], $0xffff  }
0x340: {  	v34 =	vor.u32 $0x7, v3;
	_ =	sdelay $0x3  }
0x341: {  	[tilespmem:s22+$0xFFFFFFD0] =	vst v5  }
0x342: {  	v5 =	vld.idx.msk [tilespmem:v34+s12+$0x0], $0xffff  }
0x343: {  	v35 =	vor.u32 $0x7, v4;
	_ =	sdelay $0x3  }
0x344: {  	[tilespmem:s22+$0xFFFFFFE0] =	vst v5  }
0x345: {  	v5 =	vld.idx.msk [tilespmem:v35+s12+$0x0], $0xffff  }
0x346: {  	v36 =	vor.u32 $0x8, v1;
	_ =	sdelay $0x3  }
0x347: {  	[tilespmem:s22+$0xFFFFFFF0] =	vst v5  }
0x348: {  	v5 =	vld.idx.msk [tilespmem:v36+s12+$0x0], $0xffff  }
0x349: {  	v37 =	vor.u32 $0x8, v2;
	_ =	sdelay $0x3  }
0x34a: {  	[tilespmem:s22+$0x0] =	vst v5  }
0x34b: {  	v5 =	vld.idx.msk [tilespmem:v37+s12+$0x0], $0xffff  }
0x34c: {  	v38 =	vor.u32 $0x8, v3;
	_ =	sdelay $0x3  }
0x34d: {  	[tilespmem:s22+$0x10] =	vst v5  }
0x34e: {  	v5 =	vld.idx.msk [tilespmem:v38+s12+$0x0], $0xffff  }
0x34f: {  	v39 =	vor.u32 $0x8, v4;
	_ =	sdelay $0x3  }
0x350: {  	[tilespmem:s22+$0x20] =	vst v5  }
0x351: {  	v5 =	vld.idx.msk [tilespmem:v39+s12+$0x0], $0xffff  }
0x352: {  	v40 =	vor.u32 $0x9, v1;
	_ =	sdelay $0x3  }
0x353: {  	[tilespmem:s22+$0x30] =	vst v5  }
0x354: {  	v5 =	vld.idx.msk [tilespmem:v40+s12+$0x0], $0xffff  }
0x355: {  	v41 =	vor.u32 $0x9, v2;
	_ =	sdelay $0x3  }
0x356: {  	[tilespmem:s22+$0x40] =	vst v5  }
0x357: {  	v5 =	vld.idx.msk [tilespmem:v41+s12+$0x0], $0xffff  }
0x358: {  	v42 =	vor.u32 $0x9, v3;
	_ =	sdelay $0x3  }
0x359: {  	[tilespmem:s22+$0x50] =	vst v5  }
0x35a: {  	v5 =	vld.idx.msk [tilespmem:v42+s12+$0x0], $0xffff  }
0x35b: {  	v43 =	vor.u32 $0x9, v4;
	_ =	sdelay $0x3  }
0x35c: {  	[tilespmem:s22+$0x60] =	vst v5  }
0x35d: {  	v5 =	vld.idx.msk [tilespmem:v43+s12+$0x0], $0xffff  }
0x35e: {  	v44 =	vor.u32 $0xA, v1;
	_ =	sdelay $0x3  }
0x35f: {  	[tilespmem:s22+$0x70] =	vst v5  }
0x360: {  	v5 =	vld.idx.msk [tilespmem:v44+s12+$0x0], $0xffff  }
0x361: {  	v45 =	vor.u32 $0xA, v2;
	_ =	sdelay $0x3  }
0x362: {  	[tilespmem:s22+$0x80] =	vst v5  }
0x363: {  	v5 =	vld.idx.msk [tilespmem:v45+s12+$0x0], $0xffff  }
0x364: {  	v46 =	vor.u32 $0xA, v3;
	_ =	sdelay $0x3  }
0x365: {  	[tilespmem:s22+$0x90] =	vst v5  }
0x366: {  	v5 =	vld.idx.msk [tilespmem:v46+s12+$0x0], $0xffff  }
0x367: {  	v47 =	vor.u32 $0xA, v4;
	_ =	sdelay $0x3  }
0x368: {  	[tilespmem:s22+$0xA0] =	vst v5  }
0x369: {  	v5 =	vld.idx.msk [tilespmem:v47+s12+$0x0], $0xffff  }
0x36a: {  	v48 =	vor.u32 $0xB, v1;
	_ =	sdelay $0x3  }
0x36b: {  	[tilespmem:s22+$0xB0] =	vst v5  }
0x36c: {  	v5 =	vld.idx.msk [tilespmem:v48+s12+$0x0], $0xffff  }
0x36d: {  	v49 =	vor.u32 $0xB, v2;
	_ =	sdelay $0x3  }
0x36e: {  	[tilespmem:s22+$0xC0] =	vst v5  }
0x36f: {  	v5 =	vld.idx.msk [tilespmem:v49+s12+$0x0], $0xffff  }
0x370: {  	v50 =	vor.u32 $0xB, v3;
	_ =	sdelay $0x3  }
0x371: {  	[tilespmem:s22+$0xD0] =	vst v5  }
0x372: {  	v5 =	vld.idx.msk [tilespmem:v50+s12+$0x0], $0xffff  }
0x373: {  	v51 =	vor.u32 $0xB, v4;
	_ =	sdelay $0x3  }
0x374: {  	[tilespmem:s22+$0xE0] =	vst v5  }
0x375: {  	v5 =	vld.idx.msk [tilespmem:v51+s12+$0x0], $0xffff  }
0x376: {  	v52 =	vor.u32 $0xC, v1;
	_ =	sdelay $0x3  }
0x377: {  	[tilespmem:s22+$0xF0] =	vst v5  }
0x378: {  	v5 =	vld.idx.msk [tilespmem:v52+s12+$0x0], $0xffff  }
0x379: {  	v53 =	vor.u32 $0xC, v2;
	_ =	sdelay $0x3  }
0x37a: {  	[tilespmem:s22+$0x100] =	vst v5  }
0x37b: {  	v5 =	vld.idx.msk [tilespmem:v53+s12+$0x0], $0xffff  }
0x37c: {  	v54 =	vor.u32 $0xC, v3;
	_ =	sdelay $0x3  }
0x37d: {  	[tilespmem:s22+$0x110] =	vst v5  }
0x37e: {  	v5 =	vld.idx.msk [tilespmem:v54+s12+$0x0], $0xffff  }
0x37f: {  	v55 =	vor.u32 $0xC, v4;
	_ =	sdelay $0x3  }
0x380: {  	[tilespmem:s22+$0x120] =	vst v5  }
0x381: {  	v5 =	vld.idx.msk [tilespmem:v55+s12+$0x0], $0xffff  }
0x382: {  	v56 =	vor.u32 $0xD, v1;
	_ =	sdelay $0x3  }
0x383: {  	[tilespmem:s22+$0x130] =	vst v5  }
0x384: {  	v5 =	vld.idx.msk [tilespmem:v56+s12+$0x0], $0xffff  }
0x385: {  	v57 =	vor.u32 $0xD, v2;
	_ =	sdelay $0x3  }
0x386: {  	[tilespmem:s22+$0x140] =	vst v5  }
0x387: {  	v5 =	vld.idx.msk [tilespmem:v57+s12+$0x0], $0xffff  }
0x388: {  	v58 =	vor.u32 $0xD, v3;
	_ =	sdelay $0x3  }
0x389: {  	[tilespmem:s22+$0x150] =	vst v5  }
0x38a: {  	v5 =	vld.idx.msk [tilespmem:v58+s12+$0x0], $0xffff  }
0x38b: {  	v59 =	vor.u32 $0xD, v4;
	_ =	sdelay $0x3  }
0x38c: {  	[tilespmem:s22+$0x160] =	vst v5  }
0x38d: {  	v5 =	vld.idx.msk [tilespmem:v59+s12+$0x0], $0xffff  }
0x38e: {  	v60 =	vor.u32 $0xE, v1;
	_ =	sdelay $0x3  }
0x38f: {  	[tilespmem:s22+$0x170] =	vst v5  }
0x390: {  	v5 =	vld.idx.msk [tilespmem:v60+s12+$0x0], $0xffff  }
0x391: {  	v61 =	vor.u32 $0xE, v2;
	_ =	sdelay $0x3  }
0x392: {  	[tilespmem:s22+$0x180] =	vst v5  }
0x393: {  	v5 =	vld.idx.msk [tilespmem:v61+s12+$0x0], $0xffff  }
0x394: {  	v62 =	vor.u32 $0xE, v3;
	_ =	sdelay $0x3  }
0x395: {  	[tilespmem:s22+$0x190] =	vst v5  }
0x396: {  	v5 =	vld.idx.msk [tilespmem:v62+s12+$0x0], $0xffff  }
0x397: {  	v63 =	vor.u32 $0xE, v4;
	_ =	sdelay $0x3  }
0x398: {  	[tilespmem:s22+$0x1A0] =	vst v5  }
0x399: {  	v5 =	vld.idx.msk [tilespmem:v63+s12+$0x0], $0xffff  }
0x39a: {  	v1 =	vor.u32 $0xF, v1;
	_ =	sdelay $0x3  }
0x39b: {  	[tilespmem:s22+$0x1B0] =	vst v5  }
0x39c: {  	v1 =	vld.idx.msk [tilespmem:v1+s12+$0x0], $0xffff  }
0x39d: {  	v2 =	vor.u32 $0xF, v2;
	_ =	sdelay $0x3  }
0x39e: {  	[tilespmem:s22+$0x1C0] =	vst v1  }
0x39f: {  	v1 =	vld.idx.msk [tilespmem:v2+s12+$0x0], $0xffff  }
0x3a0: {  	v2 =	vor.u32 $0xF, v3;
	_ =	sdelay $0x3  }
0x3a1: {  	[tilespmem:s22+$0x1D0] =	vst v1  }
0x3a2: {  	v2 =	vld.idx.msk [tilespmem:v2+s12+$0x0], $0xffff  }
0x3a3: {  	v1 =	vor.u32 $0xF, v4;
	_ =	sdelay $0x3  }
0x3a4: {  	s23 =	simm.s32 $0x65A;
	s25 =	simm.s32 $0x1A;
	s24 =	simm.s32 $0x65B;
	[tilespmem:s22+$0x1E0] =	vst v2  }
.LBB2_5:
0x3a5: {  	p0 =	sne.s32 s24, $0x671;
	v2 =	vmov s25;
	v3 =	vld.idx.msk [tilespmem:v1+s12+$0x0], $0xffff  }
0x3a6: {  	v1 =	vshll.u32 v2, $0x4  }
0x3a7: {  	v1 =	vadd.s32 v0, v1;
	_ =	sdelay $0x3  }
0x3a8: {  	s25 =	sadd.s32 $0xFFFFFCE0, s23;
	[tilespmem:s22+$0x1F0] =	vst v3  }
0x3a9: {  	v2 =	vmov s25;
	v3 =	vld.idx.msk [tilespmem:v1+s12+$0x0], $0xffff  }
0x3aa: {  	v2 =	vshll.u32 v2, $0x4  }
0x3ab: {  	v2 =	vadd.s32 v0, v2;
	_ =	sdelay $0x2  }
0x3ac: {  	s22 =	sadd.s32 $0x400, s22  }
0x3ad: {  	[tilespmem:s22+$0xFFFFFE00] =	vst v3  }
0x3ae: {  	v3 =	vmov s23;
	v4 =	vld.idx.msk [tilespmem:v2+s12+$0x0], $0xffff  }
0x3af: {  	v3 =	vshll.u32 v3, $0x4  }
0x3b0: {  	v3 =	vadd.s32 v0, v3;
	_ =	sdelay $0x3  }
0x3b1: {  	s25 =	sadd.s32 $0x320, s23;
	s23 =	smov.u32 s24;
	[tilespmem:s22+$0xFFFFFE10] =	vst v4  }
0x3b2: {  	v4 =	vmov s25;
	v5 =	vld.idx.msk [tilespmem:v3+s12+$0x0], $0xffff  }
0x3b3: {  	v4 =	vshll.u32 v4, $0x4  }
0x3b4: {  	v4 =	vadd.s32 v0, v4;
	_ =	sdelay $0x3  }
0x3b5: {  	[tilespmem:s22+$0xFFFFFE20] =	vst v5  }
0x3b6: {  	v5 =	vld.idx.msk [tilespmem:v4+s12+$0x0], $0xffff;
	_ =	sdelay $0x1  }
0x3b7: {  	v6 =	vor.u32 $0x1, v1;
	_ =	sdelay $0x3  }
0x3b8: {  	[tilespmem:s22+$0xFFFFFE30] =	vst v5  }
0x3b9: {  	v5 =	vld.idx.msk [tilespmem:v6+s12+$0x0], $0xffff;
	_ =	sdelay $0x1  }
0x3ba: {  	v6 =	vor.u32 $0x1, v2;
	_ =	sdelay $0x3  }
0x3bb: {  	[tilespmem:s22+$0xFFFFFE40] =	vst v5  }
0x3bc: {  	v5 =	vld.idx.msk [tilespmem:v6+s12+$0x0], $0xffff;
	_ =	sdelay $0x1  }
0x3bd: {  	v6 =	vor.u32 $0x1, v3;
	_ =	sdelay $0x3  }
0x3be: {  	[tilespmem:s22+$0xFFFFFE50] =	vst v5  }
0x3bf: {  	v5 =	vld.idx.msk [tilespmem:v6+s12+$0x0], $0xffff;
	_ =	sdelay $0x1  }
0x3c0: {  	v6 =	vor.u32 $0x1, v4;
	_ =	sdelay $0x3  }
0x3c1: {  	[tilespmem:s22+$0xFFFFFE60] =	vst v5  }
0x3c2: {  	v5 =	vld.idx.msk [tilespmem:v6+s12+$0x0], $0xffff;
	_ =	sdelay $0x1  }
0x3c3: {  	v6 =	vor.u32 $0x2, v1;
	_ =	sdelay $0x3  }
0x3c4: {  	[tilespmem:s22+$0xFFFFFE70] =	vst v5  }
0x3c5: {  	v5 =	vld.idx.msk [tilespmem:v6+s12+$0x0], $0xffff;
	_ =	sdelay $0x1  }
0x3c6: {  	v6 =	vor.u32 $0x2, v2;
	_ =	sdelay $0x3  }
0x3c7: {  	[tilespmem:s22+$0xFFFFFE80] =	vst v5  }
0x3c8: {  	v5 =	vld.idx.msk [tilespmem:v6+s12+$0x0], $0xffff;
	_ =	sdelay $0x1  }
0x3c9: {  	v6 =	vor.u32 $0x2, v3;
	_ =	sdelay $0x3  }
0x3ca: {  	[tilespmem:s22+$0xFFFFFE90] =	vst v5  }
0x3cb: {  	v5 =	vld.idx.msk [tilespmem:v6+s12+$0x0], $0xffff;
	_ =	sdelay $0x1  }
0x3cc: {  	v6 =	vor.u32 $0x2, v4;
	_ =	sdelay $0x3  }
0x3cd: {  	[tilespmem:s22+$0xFFFFFEA0] =	vst v5  }
0x3ce: {  	v5 =	vld.idx.msk [tilespmem:v6+s12+$0x0], $0xffff;
	_ =	sdelay $0x1  }
0x3cf: {  	v6 =	vor.u32 $0x3, v1;
	_ =	sdelay $0x3  }
0x3d0: {  	[tilespmem:s22+$0xFFFFFEB0] =	vst v5  }
0x3d1: {  	v5 =	vld.idx.msk [tilespmem:v6+s12+$0x0], $0xffff;
	_ =	sdelay $0x1  }
0x3d2: {  	v6 =	vor.u32 $0x3, v2;
	_ =	sdelay $0x3  }
0x3d3: {  	[tilespmem:s22+$0xFFFFFEC0] =	vst v5  }
0x3d4: {  	v5 =	vld.idx.msk [tilespmem:v6+s12+$0x0], $0xffff;
	_ =	sdelay $0x1  }
0x3d5: {  	v6 =	vor.u32 $0x3, v3;
	_ =	sdelay $0x3  }
0x3d6: {  	[tilespmem:s22+$0xFFFFFED0] =	vst v5  }
0x3d7: {  	v5 =	vld.idx.msk [tilespmem:v6+s12+$0x0], $0xffff;
	_ =	sdelay $0x1  }
0x3d8: {  	v6 =	vor.u32 $0x3, v4;
	_ =	sdelay $0x3  }
0x3d9: {  	[tilespmem:s22+$0xFFFFFEE0] =	vst v5  }
0x3da: {  	v5 =	vld.idx.msk [tilespmem:v6+s12+$0x0], $0xffff;
	_ =	sdelay $0x1  }
0x3db: {  	v6 =	vor.u32 $0x4, v1;
	_ =	sdelay $0x3  }
0x3dc: {  	[tilespmem:s22+$0xFFFFFEF0] =	vst v5  }
0x3dd: {  	v5 =	vld.idx.msk [tilespmem:v6+s12+$0x0], $0xffff;
	_ =	sdelay $0x1  }
0x3de: {  	v6 =	vor.u32 $0x4, v2;
	_ =	sdelay $0x3  }
0x3df: {  	[tilespmem:s22+$0xFFFFFF00] =	vst v5  }
0x3e0: {  	v5 =	vld.idx.msk [tilespmem:v6+s12+$0x0], $0xffff;
	_ =	sdelay $0x1  }
0x3e1: {  	v6 =	vor.u32 $0x4, v3;
	_ =	sdelay $0x3  }
0x3e2: {  	[tilespmem:s22+$0xFFFFFF10] =	vst v5  }
0x3e3: {  	v5 =	vld.idx.msk [tilespmem:v6+s12+$0x0], $0xffff;
	_ =	sdelay $0x1  }
0x3e4: {  	v6 =	vor.u32 $0x4, v4;
	_ =	sdelay $0x3  }
0x3e5: {  	[tilespmem:s22+$0xFFFFFF20] =	vst v5  }
0x3e6: {  	v5 =	vld.idx.msk [tilespmem:v6+s12+$0x0], $0xffff;
	_ =	sdelay $0x1  }
0x3e7: {  	v6 =	vor.u32 $0x5, v1;
	_ =	sdelay $0x3  }
0x3e8: {  	[tilespmem:s22+$0xFFFFFF30] =	vst v5  }
0x3e9: {  	v5 =	vld.idx.msk [tilespmem:v6+s12+$0x0], $0xffff;
	_ =	sdelay $0x1  }
0x3ea: {  	v6 =	vor.u32 $0x5, v2;
	_ =	sdelay $0x3  }
0x3eb: {  	[tilespmem:s22+$0xFFFFFF40] =	vst v5  }
0x3ec: {  	v5 =	vld.idx.msk [tilespmem:v6+s12+$0x0], $0xffff;
	_ =	sdelay $0x1  }
0x3ed: {  	v6 =	vor.u32 $0x5, v3;
	_ =	sdelay $0x3  }
0x3ee: {  	[tilespmem:s22+$0xFFFFFF50] =	vst v5  }
0x3ef: {  	v5 =	vld.idx.msk [tilespmem:v6+s12+$0x0], $0xffff;
	_ =	sdelay $0x1  }
0x3f0: {  	v6 =	vor.u32 $0x5, v4;
	_ =	sdelay $0x3  }
0x3f1: {  	[tilespmem:s22+$0xFFFFFF60] =	vst v5  }
0x3f2: {  	v5 =	vld.idx.msk [tilespmem:v6+s12+$0x0], $0xffff;
	_ =	sdelay $0x1  }
0x3f3: {  	v6 =	vor.u32 $0x6, v1;
	_ =	sdelay $0x3  }
0x3f4: {  	[tilespmem:s22+$0xFFFFFF70] =	vst v5  }
0x3f5: {  	v5 =	vld.idx.msk [tilespmem:v6+s12+$0x0], $0xffff;
	_ =	sdelay $0x1  }
0x3f6: {  	v6 =	vor.u32 $0x6, v2;
	_ =	sdelay $0x3  }
0x3f7: {  	[tilespmem:s22+$0xFFFFFF80] =	vst v5  }
0x3f8: {  	v5 =	vld.idx.msk [tilespmem:v6+s12+$0x0], $0xffff;
	_ =	sdelay $0x1  }
0x3f9: {  	v6 =	vor.u32 $0x6, v3;
	_ =	sdelay $0x3  }
0x3fa: {  	[tilespmem:s22+$0xFFFFFF90] =	vst v5  }
0x3fb: {  	v5 =	vld.idx.msk [tilespmem:v6+s12+$0x0], $0xffff;
	_ =	sdelay $0x1  }
0x3fc: {  	v6 =	vor.u32 $0x6, v4;
	_ =	sdelay $0x3  }
0x3fd: {  	[tilespmem:s22+$0xFFFFFFA0] =	vst v5  }
0x3fe: {  	v5 =	vld.idx.msk [tilespmem:v6+s12+$0x0], $0xffff;
	_ =	sdelay $0x1  }
0x3ff: {  	v6 =	vor.u32 $0x7, v1;
	_ =	sdelay $0x3  }
0x400: {  	[tilespmem:s22+$0xFFFFFFB0] =	vst v5  }
0x401: {  	v5 =	vld.idx.msk [tilespmem:v6+s12+$0x0], $0xffff;
	_ =	sdelay $0x1  }
0x402: {  	v6 =	vor.u32 $0x7, v2;
	_ =	sdelay $0x3  }
0x403: {  	[tilespmem:s22+$0xFFFFFFC0] =	vst v5  }
0x404: {  	v5 =	vld.idx.msk [tilespmem:v6+s12+$0x0], $0xffff;
	_ =	sdelay $0x1  }
0x405: {  	v6 =	vor.u32 $0x7, v3;
	_ =	sdelay $0x3  }
0x406: {  	[tilespmem:s22+$0xFFFFFFD0] =	vst v5  }
0x407: {  	v5 =	vld.idx.msk [tilespmem:v6+s12+$0x0], $0xffff;
	_ =	sdelay $0x1  }
0x408: {  	v6 =	vor.u32 $0x7, v4;
	_ =	sdelay $0x3  }
0x409: {  	[tilespmem:s22+$0xFFFFFFE0] =	vst v5  }
0x40a: {  	v5 =	vld.idx.msk [tilespmem:v6+s12+$0x0], $0xffff;
	_ =	sdelay $0x1  }
0x40b: {  	v6 =	vor.u32 $0x8, v1;
	_ =	sdelay $0x3  }
0x40c: {  	[tilespmem:s22+$0xFFFFFFF0] =	vst v5  }
0x40d: {  	v5 =	vld.idx.msk [tilespmem:v6+s12+$0x0], $0xffff;
	_ =	sdelay $0x1  }
0x40e: {  	v6 =	vor.u32 $0x8, v2;
	_ =	sdelay $0x3  }
0x40f: {  	[tilespmem:s22+$0x0] =	vst v5  }
0x410: {  	v5 =	vld.idx.msk [tilespmem:v6+s12+$0x0], $0xffff;
	_ =	sdelay $0x1  }
0x411: {  	v6 =	vor.u32 $0x8, v3;
	_ =	sdelay $0x3  }
0x412: {  	[tilespmem:s22+$0x10] =	vst v5  }
0x413: {  	v5 =	vld.idx.msk [tilespmem:v6+s12+$0x0], $0xffff;
	_ =	sdelay $0x1  }
0x414: {  	v6 =	vor.u32 $0x8, v4;
	_ =	sdelay $0x3  }
0x415: {  	[tilespmem:s22+$0x20] =	vst v5  }
0x416: {  	v5 =	vld.idx.msk [tilespmem:v6+s12+$0x0], $0xffff;
	_ =	sdelay $0x1  }
0x417: {  	v6 =	vor.u32 $0x9, v1;
	_ =	sdelay $0x3  }
0x418: {  	[tilespmem:s22+$0x30] =	vst v5  }
0x419: {  	v5 =	vld.idx.msk [tilespmem:v6+s12+$0x0], $0xffff;
	_ =	sdelay $0x1  }
0x41a: {  	v6 =	vor.u32 $0x9, v2;
	_ =	sdelay $0x3  }
0x41b: {  	[tilespmem:s22+$0x40] =	vst v5  }
0x41c: {  	v5 =	vld.idx.msk [tilespmem:v6+s12+$0x0], $0xffff;
	_ =	sdelay $0x1  }
0x41d: {  	v6 =	vor.u32 $0x9, v3;
	_ =	sdelay $0x3  }
0x41e: {  	[tilespmem:s22+$0x50] =	vst v5  }
0x41f: {  	v5 =	vld.idx.msk [tilespmem:v6+s12+$0x0], $0xffff;
	_ =	sdelay $0x1  }
0x420: {  	v6 =	vor.u32 $0x9, v4;
	_ =	sdelay $0x3  }
0x421: {  	[tilespmem:s22+$0x60] =	vst v5  }
0x422: {  	v5 =	vld.idx.msk [tilespmem:v6+s12+$0x0], $0xffff;
	_ =	sdelay $0x1  }
0x423: {  	v6 =	vor.u32 $0xA, v1;
	_ =	sdelay $0x3  }
0x424: {  	[tilespmem:s22+$0x70] =	vst v5  }
0x425: {  	v5 =	vld.idx.msk [tilespmem:v6+s12+$0x0], $0xffff;
	_ =	sdelay $0x1  }
0x426: {  	v6 =	vor.u32 $0xA, v2;
	_ =	sdelay $0x3  }
0x427: {  	[tilespmem:s22+$0x80] =	vst v5  }
0x428: {  	v5 =	vld.idx.msk [tilespmem:v6+s12+$0x0], $0xffff;
	_ =	sdelay $0x1  }
0x429: {  	v6 =	vor.u32 $0xA, v3;
	_ =	sdelay $0x3  }
0x42a: {  	[tilespmem:s22+$0x90] =	vst v5  }
0x42b: {  	v5 =	vld.idx.msk [tilespmem:v6+s12+$0x0], $0xffff;
	_ =	sdelay $0x1  }
0x42c: {  	v6 =	vor.u32 $0xA, v4;
	_ =	sdelay $0x3  }
0x42d: {  	[tilespmem:s22+$0xA0] =	vst v5  }
0x42e: {  	v5 =	vld.idx.msk [tilespmem:v6+s12+$0x0], $0xffff;
	_ =	sdelay $0x1  }
0x42f: {  	v6 =	vor.u32 $0xB, v1;
	_ =	sdelay $0x3  }
0x430: {  	[tilespmem:s22+$0xB0] =	vst v5  }
0x431: {  	v5 =	vld.idx.msk [tilespmem:v6+s12+$0x0], $0xffff;
	_ =	sdelay $0x1  }
0x432: {  	v6 =	vor.u32 $0xB, v2;
	_ =	sdelay $0x3  }
0x433: {  	[tilespmem:s22+$0xC0] =	vst v5  }
0x434: {  	v5 =	vld.idx.msk [tilespmem:v6+s12+$0x0], $0xffff;
	_ =	sdelay $0x1  }
0x435: {  	v6 =	vor.u32 $0xB, v3;
	_ =	sdelay $0x3  }
0x436: {  	[tilespmem:s22+$0xD0] =	vst v5  }
0x437: {  	v5 =	vld.idx.msk [tilespmem:v6+s12+$0x0], $0xffff;
	_ =	sdelay $0x1  }
0x438: {  	v6 =	vor.u32 $0xB, v4;
	_ =	sdelay $0x3  }
0x439: {  	[tilespmem:s22+$0xE0] =	vst v5  }
0x43a: {  	v5 =	vld.idx.msk [tilespmem:v6+s12+$0x0], $0xffff;
	_ =	sdelay $0x1  }
0x43b: {  	v6 =	vor.u32 $0xC, v1;
	_ =	sdelay $0x3  }
0x43c: {  	[tilespmem:s22+$0xF0] =	vst v5  }
0x43d: {  	v5 =	vld.idx.msk [tilespmem:v6+s12+$0x0], $0xffff;
	_ =	sdelay $0x1  }
0x43e: {  	v6 =	vor.u32 $0xC, v2;
	_ =	sdelay $0x3  }
0x43f: {  	[tilespmem:s22+$0x100] =	vst v5  }
0x440: {  	v5 =	vld.idx.msk [tilespmem:v6+s12+$0x0], $0xffff;
	_ =	sdelay $0x1  }
0x441: {  	v6 =	vor.u32 $0xC, v3;
	_ =	sdelay $0x3  }
0x442: {  	[tilespmem:s22+$0x110] =	vst v5  }
0x443: {  	v5 =	vld.idx.msk [tilespmem:v6+s12+$0x0], $0xffff;
	_ =	sdelay $0x1  }
0x444: {  	v6 =	vor.u32 $0xC, v4;
	_ =	sdelay $0x3  }
0x445: {  	[tilespmem:s22+$0x120] =	vst v5  }
0x446: {  	v5 =	vld.idx.msk [tilespmem:v6+s12+$0x0], $0xffff;
	_ =	sdelay $0x1  }
0x447: {  	v6 =	vor.u32 $0xD, v1;
	_ =	sdelay $0x3  }
0x448: {  	[tilespmem:s22+$0x130] =	vst v5  }
0x449: {  	v5 =	vld.idx.msk [tilespmem:v6+s12+$0x0], $0xffff;
	_ =	sdelay $0x1  }
0x44a: {  	v6 =	vor.u32 $0xD, v2;
	_ =	sdelay $0x3  }
0x44b: {  	[tilespmem:s22+$0x140] =	vst v5  }
0x44c: {  	v5 =	vld.idx.msk [tilespmem:v6+s12+$0x0], $0xffff;
	_ =	sdelay $0x1  }
0x44d: {  	v6 =	vor.u32 $0xD, v3;
	_ =	sdelay $0x3  }
0x44e: {  	[tilespmem:s22+$0x150] =	vst v5  }
0x44f: {  	v5 =	vld.idx.msk [tilespmem:v6+s12+$0x0], $0xffff;
	_ =	sdelay $0x1  }
0x450: {  	v6 =	vor.u32 $0xD, v4;
	_ =	sdelay $0x3  }
0x451: {  	[tilespmem:s22+$0x160] =	vst v5  }
0x452: {  	v5 =	vld.idx.msk [tilespmem:v6+s12+$0x0], $0xffff;
	_ =	sdelay $0x1  }
0x453: {  	v6 =	vor.u32 $0xE, v1;
	_ =	sdelay $0x3  }
0x454: {  	[tilespmem:s22+$0x170] =	vst v5  }
0x455: {  	v5 =	vld.idx.msk [tilespmem:v6+s12+$0x0], $0xffff;
	_ =	sdelay $0x1  }
0x456: {  	v6 =	vor.u32 $0xE, v2;
	_ =	sdelay $0x3  }
0x457: {  	[tilespmem:s22+$0x180] =	vst v5  }
0x458: {  	v5 =	vld.idx.msk [tilespmem:v6+s12+$0x0], $0xffff;
	_ =	sdelay $0x1  }
0x459: {  	v6 =	vor.u32 $0xE, v3;
	_ =	sdelay $0x3  }
0x45a: {  	[tilespmem:s22+$0x190] =	vst v5  }
0x45b: {  	v5 =	vld.idx.msk [tilespmem:v6+s12+$0x0], $0xffff;
	_ =	sdelay $0x1  }
0x45c: {  	v6 =	vor.u32 $0xE, v4;
	_ =	sdelay $0x3  }
0x45d: {  	[tilespmem:s22+$0x1A0] =	vst v5  }
0x45e: {  	v5 =	vld.idx.msk [tilespmem:v6+s12+$0x0], $0xffff;
	_ =	sdelay $0x1  }
0x45f: {  	v1 =	vor.u32 $0xF, v1;
	_ =	sdelay $0x3  }
0x460: {  	[tilespmem:s22+$0x1B0] =	vst v5  }
0x461: {  	v1 =	vld.idx.msk [tilespmem:v1+s12+$0x0], $0xffff;
	_ =	sdelay $0x1  }
0x462: {  	v2 =	vor.u32 $0xF, v2;
	_ =	sdelay $0x3  }
0x463: {  	[tilespmem:s22+$0x1C0] =	vst v1  }
0x464: {  	v1 =	vld.idx.msk [tilespmem:v2+s12+$0x0], $0xffff;
	_ =	sdelay $0x1  }
0x465: {  	v2 =	vor.u32 $0xF, v3;
	_ =	sdelay $0x3  }
0x466: {  	[tilespmem:s22+$0x1D0] =	vst v1  }
0x467: {  	v2 =	vld.idx.msk [tilespmem:v2+s12+$0x0], $0xffff;
	_ =	sdelay $0x1  }
.Ltmp1:
0x468: {  	v1 =	vor.u32 $0xF, v4;
	(pc) =	sbr.rel @p0 .LBB2_5-.Ltmp1, $2  }
0x469: {  	_ =	sdelay $0x2  }
0x46a: {  	s24 =	sadd.s32 $0x1, s24;
	s25 =	sadd.s32 $0xFFFFF9C0, s23;
	[tilespmem:s22+$0x1E0] =	vst v2  }
0x46b: {  	_ =	sdelay $0x2  }
0x46c: {  	v2 =	vmov s25  }
0x46d: {  	v3 =	vld.idx.msk [tilespmem:v1+s12+$0x0], $0xffff;
	v1 =	vshll.u32 v2, $0x4  }
0x46e: {  	v1 =	vadd.s32 v0, v1;
	_ =	sdelay $0x2  }
0x46f: {  	s24 =	sadd.s32 $0xFFFFFCE0, s23  }
0x470: {  	v2 =	vmov s24;
	[tilespmem:s22+$0x1F0] =	vst v3  }
0x471: {  	v2 =	vshll.u32 v2, $0x4;
	v3 =	vld.idx.msk [tilespmem:v1+s12+$0x0], $0xffff  }
0x472: {  	v2 =	vadd.s32 v0, v2;
	_ =	sdelay $0x2  }
0x473: {  	s24 =	sadd.s32 $0x400, s22  }
0x474: {  	[tilespmem:s24+$0xFFFFFE00] =	vst v3;
	v3 =	vmov s23  }
0x475: {  	v4 =	vld.idx.msk [tilespmem:v2+s12+$0x0], $0xffff;
	v3 =	vshll.u32 v3, $0x4  }
0x476: {  	v3 =	vadd.s32 v0, v3;
	_ =	sdelay $0x2  }
0x477: {  	s25 =	sadd.s32 $0x320, s23  }
0x478: {  	v8 =	vmov s25;
	[tilespmem:s24+$0xFFFFFE10] =	vst v4  }
0x479: {  	v4 =	vshll.u32 v8, $0x4;
	v5 =	vld.idx.msk [tilespmem:v3+s12+$0x0], $0xffff  }
0x47a: {  	v4 =	vadd.s32 v0, v4;
	_ =	sdelay $0x3  }
0x47b: {  	[tilespmem:s24+$0xFFFFFE20] =	vst v5  }
0x47c: {  	v5 =	vld.idx.msk [tilespmem:v4+s12+$0x0], $0xffff  }
0x47d: {  	v6 =	vor.u32 $0x1, v1;
	_ =	sdelay $0x3  }
0x47e: {  	[tilespmem:s24+$0xFFFFFE30] =	vst v5  }
0x47f: {  	v5 =	vld.idx.msk [tilespmem:v6+s12+$0x0], $0xffff  }
0x480: {  	v9 =	vor.u32 $0x1, v2;
	_ =	sdelay $0x3  }
0x481: {  	[tilespmem:s24+$0xFFFFFE40] =	vst v5  }
0x482: {  	v5 =	vld.idx.msk [tilespmem:v9+s12+$0x0], $0xffff  }
0x483: {  	v10 =	vor.u32 $0x1, v3;
	_ =	sdelay $0x3  }
0x484: {  	[tilespmem:s24+$0xFFFFFE50] =	vst v5  }
0x485: {  	v5 =	vld.idx.msk [tilespmem:v10+s12+$0x0], $0xffff  }
0x486: {  	v11 =	vor.u32 $0x1, v4;
	_ =	sdelay $0x3  }
0x487: {  	[tilespmem:s24+$0xFFFFFE60] =	vst v5  }
0x488: {  	v5 =	vld.idx.msk [tilespmem:v11+s12+$0x0], $0xffff  }
0x489: {  	v12 =	vor.u32 $0x2, v1;
	_ =	sdelay $0x3  }
0x48a: {  	[tilespmem:s24+$0xFFFFFE70] =	vst v5  }
0x48b: {  	v5 =	vld.idx.msk [tilespmem:v12+s12+$0x0], $0xffff  }
0x48c: {  	v13 =	vor.u32 $0x2, v2;
	_ =	sdelay $0x3  }
0x48d: {  	[tilespmem:s24+$0xFFFFFE80] =	vst v5  }
0x48e: {  	v5 =	vld.idx.msk [tilespmem:v13+s12+$0x0], $0xffff  }
0x48f: {  	v14 =	vor.u32 $0x2, v3;
	_ =	sdelay $0x3  }
0x490: {  	[tilespmem:s24+$0xFFFFFE90] =	vst v5  }
0x491: {  	v5 =	vld.idx.msk [tilespmem:v14+s12+$0x0], $0xffff  }
0x492: {  	v15 =	vor.u32 $0x2, v4;
	_ =	sdelay $0x3  }
0x493: {  	[tilespmem:s24+$0xFFFFFEA0] =	vst v5  }
0x494: {  	v5 =	vld.idx.msk [tilespmem:v15+s12+$0x0], $0xffff  }
0x495: {  	v16 =	vor.u32 $0x3, v1;
	_ =	sdelay $0x3  }
0x496: {  	[tilespmem:s24+$0xFFFFFEB0] =	vst v5  }
0x497: {  	v5 =	vld.idx.msk [tilespmem:v16+s12+$0x0], $0xffff  }
0x498: {  	v17 =	vor.u32 $0x3, v2;
	_ =	sdelay $0x3  }
0x499: {  	[tilespmem:s24+$0xFFFFFEC0] =	vst v5  }
0x49a: {  	v5 =	vld.idx.msk [tilespmem:v17+s12+$0x0], $0xffff  }
0x49b: {  	v18 =	vor.u32 $0x3, v3;
	_ =	sdelay $0x3  }
0x49c: {  	[tilespmem:s24+$0xFFFFFED0] =	vst v5  }
0x49d: {  	v5 =	vld.idx.msk [tilespmem:v18+s12+$0x0], $0xffff  }
0x49e: {  	v19 =	vor.u32 $0x3, v4;
	_ =	sdelay $0x3  }
0x49f: {  	[tilespmem:s24+$0xFFFFFEE0] =	vst v5  }
0x4a0: {  	v5 =	vld.idx.msk [tilespmem:v19+s12+$0x0], $0xffff  }
0x4a1: {  	v20 =	vor.u32 $0x4, v1;
	_ =	sdelay $0x3  }
0x4a2: {  	[tilespmem:s24+$0xFFFFFEF0] =	vst v5  }
0x4a3: {  	v5 =	vld.idx.msk [tilespmem:v20+s12+$0x0], $0xffff  }
0x4a4: {  	v21 =	vor.u32 $0x4, v2;
	_ =	sdelay $0x3  }
0x4a5: {  	[tilespmem:s24+$0xFFFFFF00] =	vst v5  }
0x4a6: {  	v5 =	vld.idx.msk [tilespmem:v21+s12+$0x0], $0xffff  }
0x4a7: {  	v22 =	vor.u32 $0x4, v3;
	_ =	sdelay $0x3  }
0x4a8: {  	[tilespmem:s24+$0xFFFFFF10] =	vst v5  }
0x4a9: {  	v5 =	vld.idx.msk [tilespmem:v22+s12+$0x0], $0xffff  }
0x4aa: {  	v23 =	vor.u32 $0x4, v4;
	_ =	sdelay $0x3  }
0x4ab: {  	[tilespmem:s24+$0xFFFFFF20] =	vst v5  }
0x4ac: {  	v5 =	vld.idx.msk [tilespmem:v23+s12+$0x0], $0xffff  }
0x4ad: {  	v24 =	vor.u32 $0x5, v1;
	_ =	sdelay $0x3  }
0x4ae: {  	[tilespmem:s24+$0xFFFFFF30] =	vst v5  }
0x4af: {  	v5 =	vld.idx.msk [tilespmem:v24+s12+$0x0], $0xffff  }
0x4b0: {  	v25 =	vor.u32 $0x5, v2;
	_ =	sdelay $0x3  }
0x4b1: {  	[tilespmem:s24+$0xFFFFFF40] =	vst v5  }
0x4b2: {  	v5 =	vld.idx.msk [tilespmem:v25+s12+$0x0], $0xffff  }
0x4b3: {  	v26 =	vor.u32 $0x5, v3;
	_ =	sdelay $0x3  }
0x4b4: {  	[tilespmem:s24+$0xFFFFFF50] =	vst v5  }
0x4b5: {  	v5 =	vld.idx.msk [tilespmem:v26+s12+$0x0], $0xffff  }
0x4b6: {  	v27 =	vor.u32 $0x5, v4;
	_ =	sdelay $0x3  }
0x4b7: {  	[tilespmem:s24+$0xFFFFFF60] =	vst v5  }
0x4b8: {  	v5 =	vld.idx.msk [tilespmem:v27+s12+$0x0], $0xffff  }
0x4b9: {  	v28 =	vor.u32 $0x6, v1;
	_ =	sdelay $0x3  }
0x4ba: {  	[tilespmem:s24+$0xFFFFFF70] =	vst v5  }
0x4bb: {  	v5 =	vld.idx.msk [tilespmem:v28+s12+$0x0], $0xffff  }
0x4bc: {  	v29 =	vor.u32 $0x6, v2;
	_ =	sdelay $0x3  }
0x4bd: {  	[tilespmem:s24+$0xFFFFFF80] =	vst v5  }
0x4be: {  	v5 =	vld.idx.msk [tilespmem:v29+s12+$0x0], $0xffff  }
0x4bf: {  	v30 =	vor.u32 $0x6, v3;
	_ =	sdelay $0x3  }
0x4c0: {  	[tilespmem:s24+$0xFFFFFF90] =	vst v5  }
0x4c1: {  	v5 =	vld.idx.msk [tilespmem:v30+s12+$0x0], $0xffff  }
0x4c2: {  	v31 =	vor.u32 $0x6, v4;
	_ =	sdelay $0x3  }
0x4c3: {  	[tilespmem:s24+$0xFFFFFFA0] =	vst v5  }
0x4c4: {  	v5 =	vld.idx.msk [tilespmem:v31+s12+$0x0], $0xffff  }
0x4c5: {  	v32 =	vor.u32 $0x7, v1;
	_ =	sdelay $0x3  }
0x4c6: {  	[tilespmem:s24+$0xFFFFFFB0] =	vst v5  }
0x4c7: {  	v5 =	vld.idx.msk [tilespmem:v32+s12+$0x0], $0xffff  }
0x4c8: {  	v33 =	vor.u32 $0x7, v2;
	_ =	sdelay $0x3  }
0x4c9: {  	[tilespmem:s24+$0xFFFFFFC0] =	vst v5  }
0x4ca: {  	v5 =	vld.idx.msk [tilespmem:v33+s12+$0x0], $0xffff  }
0x4cb: {  	v34 =	vor.u32 $0x7, v3;
	_ =	sdelay $0x3  }
0x4cc: {  	[tilespmem:s24+$0xFFFFFFD0] =	vst v5  }
0x4cd: {  	v5 =	vld.idx.msk [tilespmem:v34+s12+$0x0], $0xffff  }
0x4ce: {  	v35 =	vor.u32 $0x7, v4;
	_ =	sdelay $0x3  }
0x4cf: {  	[tilespmem:s24+$0xFFFFFFE0] =	vst v5  }
0x4d0: {  	v5 =	vld.idx.msk [tilespmem:v35+s12+$0x0], $0xffff  }
0x4d1: {  	v36 =	vor.u32 $0x8, v1;
	_ =	sdelay $0x3  }
0x4d2: {  	[tilespmem:s24+$0xFFFFFFF0] =	vst v5  }
0x4d3: {  	v5 =	vld.idx.msk [tilespmem:v36+s12+$0x0], $0xffff  }
0x4d4: {  	v37 =	vor.u32 $0x8, v2;
	_ =	sdelay $0x3  }
0x4d5: {  	[tilespmem:s24+$0x0] =	vst v5  }
0x4d6: {  	v5 =	vld.idx.msk [tilespmem:v37+s12+$0x0], $0xffff  }
0x4d7: {  	v38 =	vor.u32 $0x8, v3;
	_ =	sdelay $0x3  }
0x4d8: {  	[tilespmem:s24+$0x10] =	vst v5  }
0x4d9: {  	v5 =	vld.idx.msk [tilespmem:v38+s12+$0x0], $0xffff  }
0x4da: {  	v39 =	vor.u32 $0x8, v4;
	_ =	sdelay $0x3  }
0x4db: {  	[tilespmem:s24+$0x20] =	vst v5  }
0x4dc: {  	v5 =	vld.idx.msk [tilespmem:v39+s12+$0x0], $0xffff  }
0x4dd: {  	v40 =	vor.u32 $0x9, v1;
	_ =	sdelay $0x3  }
0x4de: {  	[tilespmem:s24+$0x30] =	vst v5  }
0x4df: {  	v5 =	vld.idx.msk [tilespmem:v40+s12+$0x0], $0xffff  }
0x4e0: {  	v41 =	vor.u32 $0x9, v2;
	_ =	sdelay $0x3  }
0x4e1: {  	[tilespmem:s24+$0x40] =	vst v5  }
0x4e2: {  	v5 =	vld.idx.msk [tilespmem:v41+s12+$0x0], $0xffff  }
0x4e3: {  	v42 =	vor.u32 $0x9, v3;
	_ =	sdelay $0x3  }
0x4e4: {  	[tilespmem:s24+$0x50] =	vst v5  }
0x4e5: {  	v5 =	vld.idx.msk [tilespmem:v42+s12+$0x0], $0xffff  }
0x4e6: {  	v43 =	vor.u32 $0x9, v4;
	_ =	sdelay $0x3  }
0x4e7: {  	[tilespmem:s24+$0x60] =	vst v5  }
0x4e8: {  	v5 =	vld.idx.msk [tilespmem:v43+s12+$0x0], $0xffff  }
0x4e9: {  	v44 =	vor.u32 $0xA, v1;
	_ =	sdelay $0x3  }
0x4ea: {  	[tilespmem:s24+$0x70] =	vst v5  }
0x4eb: {  	v5 =	vld.idx.msk [tilespmem:v44+s12+$0x0], $0xffff  }
0x4ec: {  	v45 =	vor.u32 $0xA, v2;
	_ =	sdelay $0x3  }
0x4ed: {  	[tilespmem:s24+$0x80] =	vst v5  }
0x4ee: {  	v5 =	vld.idx.msk [tilespmem:v45+s12+$0x0], $0xffff  }
0x4ef: {  	v46 =	vor.u32 $0xA, v3;
	_ =	sdelay $0x3  }
0x4f0: {  	[tilespmem:s24+$0x90] =	vst v5  }
0x4f1: {  	v5 =	vld.idx.msk [tilespmem:v46+s12+$0x0], $0xffff  }
0x4f2: {  	v47 =	vor.u32 $0xA, v4;
	_ =	sdelay $0x3  }
0x4f3: {  	[tilespmem:s24+$0xA0] =	vst v5  }
0x4f4: {  	v5 =	vld.idx.msk [tilespmem:v47+s12+$0x0], $0xffff  }
0x4f5: {  	v48 =	vor.u32 $0xB, v1;
	_ =	sdelay $0x3  }
0x4f6: {  	[tilespmem:s24+$0xB0] =	vst v5  }
0x4f7: {  	v5 =	vld.idx.msk [tilespmem:v48+s12+$0x0], $0xffff  }
0x4f8: {  	v49 =	vor.u32 $0xB, v2;
	_ =	sdelay $0x3  }
0x4f9: {  	[tilespmem:s24+$0xC0] =	vst v5  }
0x4fa: {  	v5 =	vld.idx.msk [tilespmem:v49+s12+$0x0], $0xffff  }
0x4fb: {  	v50 =	vor.u32 $0xB, v3;
	_ =	sdelay $0x3  }
0x4fc: {  	[tilespmem:s24+$0xD0] =	vst v5  }
0x4fd: {  	v5 =	vld.idx.msk [tilespmem:v50+s12+$0x0], $0xffff  }
0x4fe: {  	v51 =	vor.u32 $0xB, v4;
	_ =	sdelay $0x3  }
0x4ff: {  	[tilespmem:s24+$0xE0] =	vst v5  }
0x500: {  	v5 =	vld.idx.msk [tilespmem:v51+s12+$0x0], $0xffff  }
0x501: {  	v52 =	vor.u32 $0xC, v1;
	_ =	sdelay $0x3  }
0x502: {  	[tilespmem:s24+$0xF0] =	vst v5  }
0x503: {  	v5 =	vld.idx.msk [tilespmem:v52+s12+$0x0], $0xffff  }
0x504: {  	v53 =	vor.u32 $0xC, v2;
	_ =	sdelay $0x3  }
0x505: {  	[tilespmem:s24+$0x100] =	vst v5  }
0x506: {  	v5 =	vld.idx.msk [tilespmem:v53+s12+$0x0], $0xffff  }
0x507: {  	v54 =	vor.u32 $0xC, v3;
	_ =	sdelay $0x3  }
0x508: {  	[tilespmem:s24+$0x110] =	vst v5  }
0x509: {  	v5 =	vld.idx.msk [tilespmem:v54+s12+$0x0], $0xffff  }
0x50a: {  	v55 =	vor.u32 $0xC, v4;
	_ =	sdelay $0x3  }
0x50b: {  	[tilespmem:s24+$0x120] =	vst v5  }
0x50c: {  	v5 =	vld.idx.msk [tilespmem:v55+s12+$0x0], $0xffff  }
0x50d: {  	v56 =	vor.u32 $0xD, v1;
	_ =	sdelay $0x3  }
0x50e: {  	[tilespmem:s24+$0x130] =	vst v5  }
0x50f: {  	v5 =	vld.idx.msk [tilespmem:v56+s12+$0x0], $0xffff  }
0x510: {  	v57 =	vor.u32 $0xD, v2;
	_ =	sdelay $0x3  }
0x511: {  	[tilespmem:s24+$0x140] =	vst v5  }
0x512: {  	v5 =	vld.idx.msk [tilespmem:v57+s12+$0x0], $0xffff  }
0x513: {  	v58 =	vor.u32 $0xD, v3;
	_ =	sdelay $0x3  }
0x514: {  	[tilespmem:s24+$0x150] =	vst v5  }
0x515: {  	v5 =	vld.idx.msk [tilespmem:v58+s12+$0x0], $0xffff  }
0x516: {  	v59 =	vor.u32 $0xD, v4;
	_ =	sdelay $0x3  }
0x517: {  	[tilespmem:s24+$0x160] =	vst v5  }
0x518: {  	v5 =	vld.idx.msk [tilespmem:v59+s12+$0x0], $0xffff  }
0x519: {  	v60 =	vor.u32 $0xE, v1;
	_ =	sdelay $0x3  }
0x51a: {  	[tilespmem:s24+$0x170] =	vst v5  }
0x51b: {  	v5 =	vld.idx.msk [tilespmem:v60+s12+$0x0], $0xffff  }
0x51c: {  	v61 =	vor.u32 $0xE, v2;
	_ =	sdelay $0x3  }
0x51d: {  	[tilespmem:s24+$0x180] =	vst v5  }
0x51e: {  	v5 =	vld.idx.msk [tilespmem:v61+s12+$0x0], $0xffff  }
0x51f: {  	v62 =	vor.u32 $0xE, v3;
	_ =	sdelay $0x3  }
0x520: {  	[tilespmem:s24+$0x190] =	vst v5  }
0x521: {  	v5 =	vld.idx.msk [tilespmem:v62+s12+$0x0], $0xffff  }
0x522: {  	v63 =	vor.u32 $0xE, v4;
	_ =	sdelay $0x3  }
0x523: {  	[tilespmem:s24+$0x1A0] =	vst v5  }
0x524: {  	v5 =	vld.idx.msk [tilespmem:v63+s12+$0x0], $0xffff  }
0x525: {  	v1 =	vor.u32 $0xF, v1;
	_ =	sdelay $0x3  }
0x526: {  	[tilespmem:s24+$0x1B0] =	vst v5  }
0x527: {  	v1 =	vld.idx.msk [tilespmem:v1+s12+$0x0], $0xffff  }
0x528: {  	v2 =	vor.u32 $0xF, v2;
	_ =	sdelay $0x3  }
0x529: {  	[tilespmem:s24+$0x1C0] =	vst v1  }
0x52a: {  	v1 =	vld.idx.msk [tilespmem:v2+s12+$0x0], $0xffff  }
0x52b: {  	v2 =	vor.u32 $0xF, v3;
	_ =	sdelay $0x3  }
0x52c: {  	[tilespmem:s24+$0x1D0] =	vst v1  }
0x52d: {  	v1 =	vld.idx.msk [tilespmem:v2+s12+$0x0], $0xffff  }
0x52e: {  	v2 =	vor.u32 $0xF, v4;
	_ =	sdelay $0x3  }
0x52f: {  	[tilespmem:s24+$0x1E0] =	vst v1  }
0x530: {  	v1 =	vld.idx.msk [tilespmem:v2+s12+$0x0], $0xffff;
	_ =	sdelay $0x2  }
0x531: {  	s20 =	sadd.s32 $0x1, s20  }
0x532: {  	p0 =	sne.s32 s20, $0x8  }
.Ltmp2:
0x533: {  	s21 =	sadd.s32 s21, s8;
	[tilespmem:s24+$0x1F0] =	vst v1;
	(pc) =	sbr.rel @p0 .LBB2_2-.Ltmp2, $4  }
0x534: {  	[hbm4b:s21+s15] =	stream.strided.scatter [tilespmem:s18], [sflag:$0x3], $0x6400, s16, s15, $0x38;
	[tilespmem:$0x19C80] =	vst v63  }
0x535: {  	_ =	swait.ge [sflag:s19], $0x6400  }
0x536: {  	[sflag:s19] =	ssyncset.done $0x0  }
0x537: {  	[sflag:s19] =	ssyncadd.s32 $0xFFFF9C00  }
0x538: {  	s22 =	simm.s32 $0x3  }
0x539: {  	_ =	swait.ge [sflag:s22], $0x6400  }
0x53a: {  	s20 =	rddreg [dreg:$0x3]  }
0x53b: {  	s21 =	rddreg [dreg:$0x4];
	s20 =	sadd.s32 $0x1, s20  }
0x53c: {  	p0 =	sne.s32 s20, s21  }
.Ltmp3:
0x53d: {  	_ = 	snop;
	(pc) =	sbr.rel @p0 .LBB2_1-.Ltmp3, $3  }
0x53e: {  	_ =	sdelay $0x1  }
0x53f: {  	[sflag:s22] =	ssyncset.done $0x0  }
0x540: {  	[sflag:s22] =	ssyncadd.s32 $0xFFFF9C00  }
0x541: {  	_ =	sfence.sel $0x180000  }
0x542: {  	[bflag:$0x0] =	sbarrier.arrive $0xFFFF  }
0x543: {  	_ =	strace $0x90000047  }
0x544: {  	s0 =	stileid.u32;
	[bflag:$0x2] =	sbarrier.arrive $0xFFFF  }
0x545: {  	p0 =	sne.s32 s0, $0x0;
	s0 =	rddreg [dreg:$0x2]  }
0x546: {  	s0 =	sadd.s32 @!p0 $0x100000, s0  }
0x547: {  	[sflag:s0] =	ssyncadd.tile.s32 @!p0 $0x1;
	_ =	shalt  }
.Lfunc_end2:
_tile_overlayer_lowered:
.L_overlay_start_2:
0x548: {  	(tag) =	ssettag $0x2  }
0x549: {  	s0 =	rddreg [dreg:$0x0];
	s2 =	stileid.u32  }
0x54a: {  	s1 =	rddreg [dreg:$0x1];
	p0 =	sne.s32 s2, $0x0  }
0x54b: {  	s3 =	rddreg [dreg:$0x2];
	[bflag:$0x3] =	sbarrier.arrive $0xFFFF;
	s2 =	simm.s32 @!p0 $0x1C04  }
0x54c: {  	[timem:s3], [sflag:s2] =	dma.local @!p0 [hbm:s0], s1  }
0x54d: {  	s0 =	simm.s32 @!p0 $0x4  }
0x54e: {  	_ =	swait.ge @!p0 [sflag:s0], s1  }
0x54f: {  	s1 =	ssub.s32 @!p0 $0x0, s1;
	[sflag:s0] =	ssyncset.done @!p0 $0x0  }
0x550: {  	[sflag:s0] =	ssyncadd.s32 @!p0 s1  }
0x551: {  	[bflag:$0x3] =	sbarrier.arrive $0xFFFF  }
0x552: {  	_ =	shalt  }

</sc_bundles>
